<compile_context>
chip_gen: v7x
topology: tpu7x:2x2x1
jax: 0.10.2.dev20260603
libtpu: 0.0.44.dev20260713+nightly
codegen_flags: <defaults>
</compile_context>

<pallas_src>
import functools

import jax
import jax.numpy as jnp
from jax import lax
from jax.experimental import pallas as pl
from jax.experimental.pallas import tpu as pltpu
from jax.experimental.pallas import tpu_sc as plsc

_ROWS = 4 * 2048
_COLS = 4096
_BLOCK_ROWS = 256

_SC_ROWS = 1024
_NW = 32
_SC_UNROLL = 4

_SLAB_R = 8
_SLAB_C = 2048
_ROWS_PER_W = _SC_ROWS // _NW
_CHUNKS_PER_W = (_ROWS_PER_W // _SLAB_R) * 2

_TC_GRID = (_ROWS - _SC_ROWS) // _BLOCK_ROWS
_TC_OFF = _SC_ROWS // _BLOCK_ROWS


def _tc_kernel(p_ref, t_ref, m_ref, out_ref, acc_ref):
    i = pl.program_id(0)

    @pl.when(i == 0)
    def _init():
        acc_ref[0] = 0.0
        acc_ref[1] = 0.0

    mf = (m_ref[...] == 1).astype(jnp.float32)
    d = (p_ref[...] - t_ref[...]) * mf
    acc_ref[0] += jnp.sum(d * d)
    acc_ref[1] += jnp.sum(mf)

    @pl.when(i == _TC_GRID - 1)
    def _fini():
        out_ref[0] = acc_ref[0]
        out_ref[1] = acc_ref[1]


def _tc_part(p2, t2, m2):
    in_spec = pl.BlockSpec((_BLOCK_ROWS, _COLS), lambda i: (i + _TC_OFF, 0))
    return pl.pallas_call(
        _tc_kernel,
        grid=(_TC_GRID,),
        in_specs=[in_spec, in_spec, in_spec],
        out_specs=pl.BlockSpec(memory_space=pltpu.SMEM),
        out_shape=jax.ShapeDtypeStruct((2,), jnp.float32),
        scratch_shapes=[pltpu.SMEM((2,), jnp.float32)],
    )(p2, t2, m2)


def _make_sc_part():
    mesh = plsc.VectorSubcoreMesh(core_axis_name="c", subcore_axis_name="s")

    @functools.partial(
        pl.kernel,
        mesh=mesh,
        out_type=[
            jax.ShapeDtypeStruct((_NW, 16), jnp.float32),
            jax.ShapeDtypeStruct((_NW, 16), jnp.float32),
        ],
        scratch_types=[
            pltpu.VMEM((_SLAB_R, _SLAB_C), jnp.float32),
            pltpu.VMEM((_SLAB_R, _SLAB_C), jnp.float32),
            pltpu.VMEM((_SLAB_R, _SLAB_C), jnp.int32),
            pltpu.VMEM((_SLAB_R, _SLAB_C), jnp.float32),
            pltpu.VMEM((_SLAB_R, _SLAB_C), jnp.float32),
            pltpu.VMEM((_SLAB_R, _SLAB_C), jnp.int32),
            pltpu.VMEM((16,), jnp.float32),
            pltpu.VMEM((16,), jnp.float32),
            pltpu.SemaphoreType.DMA,
            pltpu.SemaphoreType.DMA,
        ],
    )
    def sc_kernel(p_hbm, t_hbm, m_hbm, sq_out, cnt_out,
                  pb0, tb0, mb0, pb1, tb1, mb1, sqv, cnv, sem0, sem1):
        wid = lax.axis_index("s") * 2 + lax.axis_index("c")
        row0 = wid * _ROWS_PER_W
        bufs = ((pb0, tb0, mb0, sem0), (pb1, tb1, mb1, sem1))

        def issue(k):
            r0 = pl.multiple_of(row0 + (k // 2) * _SLAB_R, _SLAB_R)
            c0 = (k % 2) * _SLAB_C
            pb, tb, mb, sem = bufs[k % 2]
            sl = (pl.ds(r0, _SLAB_R), pl.ds(c0, _SLAB_C))
            pltpu.async_copy(p_hbm.at[sl], pb, sem)
            pltpu.async_copy(t_hbm.at[sl], tb, sem)
            pltpu.async_copy(m_hbm.at[sl], mb, sem)

        def wait(b):
            pb, tb, mb, sem = bufs[b]
            sl = (pl.ds(0, _SLAB_R), pl.ds(0, _SLAB_C))
            pltpu.make_async_copy(p_hbm.at[sl], pb, sem).wait()
            pltpu.make_async_copy(t_hbm.at[sl], tb, sem).wait()
            pltpu.make_async_copy(m_hbm.at[sl], mb, sem).wait()

        def accum(b, carry):
            pb, tb, mb, _ = bufs[b]

            def row_body(r, acc):
                prow = pb.at[r]
                trow = tb.at[r]
                mrow = mb.at[r]

                def inner(i, acc2):
                    accs = list(acc2)
                    off0 = i * (16 * _SC_UNROLL)
                    for u in range(_SC_UNROLL):
                        sl = pl.ds(off0 + 16 * u, 16)
                        d = prow[sl] - trow[sl]
                        sel = mrow[sl] == 1
                        df = jnp.where(sel, d, jnp.float32(0))
                        accs[u] = accs[u] + df * df
                        accs[_SC_UNROLL + u] = accs[_SC_UNROLL + u] + jnp.where(
                            sel, jnp.float32(1), jnp.float32(0))
                    return tuple(accs)

                return lax.fori_loop(
                    0, _SLAB_C // (16 * _SC_UNROLL), inner, acc)

            return lax.fori_loop(0, _SLAB_R, row_body, carry)

        issue(0)
        issue(1)
        zero = jnp.zeros((16,), jnp.float32)
        carry = (zero,) * (2 * _SC_UNROLL)

        for k in range(_CHUNKS_PER_W):
            wait(k % 2)
            carry = accum(k % 2, carry)
            if k + 2 < _CHUNKS_PER_W:
                issue(k + 2)

        sqv[...] = carry[0] + carry[1] + carry[2] + carry[3]
        cnv[...] = carry[4] + carry[5] + carry[6] + carry[7]
        pltpu.sync_copy(sqv, sq_out.at[wid])
        pltpu.sync_copy(cnv, cnt_out.at[wid])

    return sc_kernel


_sc_part = _make_sc_part()


def kernel(pred, target, mask):
    m32 = mask.astype(jnp.int32)
    p2 = pred.reshape(_ROWS, _COLS)
    t2 = target.reshape(_ROWS, _COLS)
    m2 = m32.reshape(_ROWS, _COLS)

    sc_sq, sc_cnt = _sc_part(p2, t2, m2)
    tc_out = _tc_part(p2, t2, m2)

    sq_sum = tc_out[0] + jnp.sum(sc_sq)
    count = tc_out[1] + jnp.sum(sc_cnt)
    return sq_sum / count

# --- scband reference (transcript-rebuilt; emitter-appended) ---
"""Pipeline reference for scband-mask-mseloss-38019050504292 (READ-ONLY COPY).

The authoritative reference and input builder live on the scoring server;
editing this copy changes nothing except your own understanding.
"""

import jax, jax.numpy as jnp
import numpy as np


def setup_inputs(seed: int = 0) -> dict:
    key = jax.random.key(seed)
    k1, k2, k3 = jax.random.split(key, 3)
    pred = jax.random.normal(k1, (4, 2048, 4096), dtype=jnp.float32)
    target = jax.random.normal(k2, (4, 2048, 4096), dtype=jnp.float32)
    mask = jax.random.randint(k3, (4, 2048, 4096), 0, 2, dtype=jnp.int64)
    return {"pred": pred, "target": target, "mask": mask}


def reference(pred, target, mask):
    # Faithful to: F.mse_loss(pred[mask==1], target[mask==1])
    # i.e., mean of squared differences over the masked-in elements.
    m = (mask == 1).astype(pred.dtype)
    diff = (pred - target) * m
    sq_sum = jnp.sum(diff * diff)
    count = jnp.sum(m)
    return sq_sum / count

if __name__ == "__main__":
    import jax
    _d = setup_inputs()
    print(jax.jit(kernel)(*tuple(_d.values())))

</pallas_src>

<mosaic_0001>
#map = affine_map<(d0, d1) -> (0, 0)>
module attributes {stable_mosaic.version = 14 : i64} {
  func.func @sc_kernel(%arg0: i32, %arg1: i32, %arg2: memref<8192x4096xf32, #tpu.memory_space<hbm>>, %arg3: memref<8192x4096xf32, #tpu.memory_space<hbm>>, %arg4: memref<8192x4096xi32, #tpu.memory_space<hbm>>, %arg5: memref<32x16xf32, #tpu.memory_space<hbm>>, %arg6: memref<32x16xf32, #tpu.memory_space<hbm>>, %arg7: memref<8x2048xf32, #tpu.memory_space<vmem>>, %arg8: memref<8x2048xf32, #tpu.memory_space<vmem>>, %arg9: memref<8x2048xi32, #tpu.memory_space<vmem>>, %arg10: memref<8x2048xf32, #tpu.memory_space<vmem>>, %arg11: memref<8x2048xf32, #tpu.memory_space<vmem>>, %arg12: memref<8x2048xi32, #tpu.memory_space<vmem>>, %arg13: memref<16xf32, #tpu.memory_space<vmem>>, %arg14: memref<16xf32, #tpu.memory_space<vmem>>, %arg15: memref<!tpu.dma_semaphore, #tpu.memory_space<semaphore_mem>>, %arg16: memref<!tpu.dma_semaphore, #tpu.memory_space<semaphore_mem>>) attributes {dimension_semantics = [#tpu.dimension_semantics<core_parallel>, #tpu.dimension_semantics<subcore_parallel>], iteration_bounds = array<i64: 2, 16>, scalar_prefetch = 0 : i64, scratch_operands = 10 : i64, tpu.core_type = #tpu.core_type<sc_vector_subcore>, window_params = [{transform_indices = #map}, {transform_indices = #map}, {transform_indices = #map}, {transform_indices = #map}, {transform_indices = #map}]} {
    %mul3A = arith.constant 2 : i32
    %mul3A_0 = arith.muli %arg1, %mul3A : i32
    %add3A = arith.addi %mul3A_0, %arg0 : i32
    %mul3A_1 = arith.constant 32 : i32
    %mul3A_2 = arith.muli %add3A, %mul3A_1 : i32
    %add3A_3 = arith.constant 0 : i32
    %add3A_4 = arith.addi %mul3A_2, %add3A_3 : i32
    %multiple_of3A = tpu.assume_multiple %add3A_4, 8 : i32
    %dma_start3A = arith.constant 0 : i32
    %dma_start3A_5 = tpu.memref_slice %arg2[%multiple_of3A, %dma_start3A] : memref<8192x4096xf32, #tpu.memory_space<hbm>> -> memref<8x2048xf32, #tpu.memory_space<hbm>>
    %dma_start3A_6 = arith.constant 0 : i32
    %dma_start3A_7 = tpu.memref_slice %arg2[%multiple_of3A, %dma_start3A_6] : memref<8192x4096xf32, #tpu.memory_space<hbm>> -> memref<8x2048xf32, #tpu.memory_space<hbm>>
    tpu.enqueue_dma source(%dma_start3A_7 : memref<8x2048xf32, #tpu.memory_space<hbm>>) target(%arg7 : memref<8x2048xf32, #tpu.memory_space<vmem>>) target_semaphore(%arg15 : memref<!tpu.dma_semaphore, #tpu.memory_space<semaphore_mem>>)
    %dma_start3A_8 = arith.constant 0 : i32
    %dma_start3A_9 = tpu.memref_slice %arg3[%multiple_of3A, %dma_start3A_8] : memref<8192x4096xf32, #tpu.memory_space<hbm>> -> memref<8x2048xf32, #tpu.memory_space<hbm>>
    %dma_start3A_10 = arith.constant 0 : i32
    %dma_start3A_11 = tpu.memref_slice %arg3[%multiple_of3A, %dma_start3A_10] : memref<8192x4096xf32, #tpu.memory_space<hbm>> -> memref<8x2048xf32, #tpu.memory_space<hbm>>
    tpu.enqueue_dma source(%dma_start3A_11 : memref<8x2048xf32, #tpu.memory_space<hbm>>) target(%arg8 : memref<8x2048xf32, #tpu.memory_space<vmem>>) target_semaphore(%arg15 : memref<!tpu.dma_semaphore, #tpu.memory_space<semaphore_mem>>)
    %dma_start3A_12 = arith.constant 0 : i32
    %dma_start3A_13 = tpu.memref_slice %arg4[%multiple_of3A, %dma_start3A_12] : memref<8192x4096xi32, #tpu.memory_space<hbm>> -> memref<8x2048xi32, #tpu.memory_space<hbm>>
    %dma_start3A_14 = arith.constant 0 : i32
    %dma_start3A_15 = tpu.memref_slice %arg4[%multiple_of3A, %dma_start3A_14] : memref<8192x4096xi32, #tpu.memory_space<hbm>> -> memref<8x2048xi32, #tpu.memory_space<hbm>>
    tpu.enqueue_dma source(%dma_start3A_15 : memref<8x2048xi32, #tpu.memory_space<hbm>>) target(%arg9 : memref<8x2048xi32, #tpu.memory_space<vmem>>) target_semaphore(%arg15 : memref<!tpu.dma_semaphore, #tpu.memory_space<semaphore_mem>>)
    %add3A_16 = arith.constant 0 : i32
    %add3A_17 = arith.addi %mul3A_2, %add3A_16 : i32
    %multiple_of3A_18 = tpu.assume_multiple %add3A_17, 8 : i32
    %dma_start3A_19 = arith.constant 2048 : i32
    %dma_start3A_20 = tpu.memref_slice %arg2[%multiple_of3A_18, %dma_start3A_19] : memref<8192x4096xf32, #tpu.memory_space<hbm>> -> memref<8x2048xf32, #tpu.memory_space<hbm>>
    %dma_start3A_21 = arith.constant 2048 : i32
    %dma_start3A_22 = tpu.memref_slice %arg2[%multiple_of3A_18, %dma_start3A_21] : memref<8192x4096xf32, #tpu.memory_space<hbm>> -> memref<8x2048xf32, #tpu.memory_space<hbm>>
    tpu.enqueue_dma source(%dma_start3A_22 : memref<8x2048xf32, #tpu.memory_space<hbm>>) target(%arg10 : memref<8x2048xf32, #tpu.memory_space<vmem>>) target_semaphore(%arg16 : memref<!tpu.dma_semaphore, #tpu.memory_space<semaphore_mem>>)
    %dma_start3A_23 = arith.constant 2048 : i32
    %dma_start3A_24 = tpu.memref_slice %arg3[%multiple_of3A_18, %dma_start3A_23] : memref<8192x4096xf32, #tpu.memory_space<hbm>> -> memref<8x2048xf32, #tpu.memory_space<hbm>>
    %dma_start3A_25 = arith.constant 2048 : i32
    %dma_start3A_26 = tpu.memref_slice %arg3[%multiple_of3A_18, %dma_start3A_25] : memref<8192x4096xf32, #tpu.memory_space<hbm>> -> memref<8x2048xf32, #tpu.memory_space<hbm>>
    tpu.enqueue_dma source(%dma_start3A_26 : memref<8x2048xf32, #tpu.memory_space<hbm>>) target(%arg11 : memref<8x2048xf32, #tpu.memory_space<vmem>>) target_semaphore(%arg16 : memref<!tpu.dma_semaphore, #tpu.memory_space<semaphore_mem>>)
    %dma_start3A_27 = arith.constant 2048 : i32
    %dma_start3A_28 = tpu.memref_slice %arg4[%multiple_of3A_18, %dma_start3A_27] : memref<8192x4096xi32, #tpu.memory_space<hbm>> -> memref<8x2048xi32, #tpu.memory_space<hbm>>
    %dma_start3A_29 = arith.constant 2048 : i32
    %dma_start3A_30 = tpu.memref_slice %arg4[%multiple_of3A_18, %dma_start3A_29] : memref<8192x4096xi32, #tpu.memory_space<hbm>> -> memref<8x2048xi32, #tpu.memory_space<hbm>>
    tpu.enqueue_dma source(%dma_start3A_30 : memref<8x2048xi32, #tpu.memory_space<hbm>>) target(%arg12 : memref<8x2048xi32, #tpu.memory_space<vmem>>) target_semaphore(%arg16 : memref<!tpu.dma_semaphore, #tpu.memory_space<semaphore_mem>>)
    %broadcast_in_dim3A = arith.constant 0.000000e+00 : f32
    %broadcast_in_dim3A_31 = vector.broadcast %broadcast_in_dim3A : f32 to vector<16xf32>
    %dma_wait3A = arith.constant 0 : i32
    %dma_wait3A_32 = arith.constant 0 : i32
    %dma_wait3A_33 = tpu.memref_slice %arg2[%dma_wait3A, %dma_wait3A_32] : memref<8192x4096xf32, #tpu.memory_space<hbm>> -> memref<8x2048xf32, #tpu.memory_space<hbm>>
    %dma_wait3A_34 = arith.constant 0 : i32
    %dma_wait3A_35 = arith.constant 0 : i32
    %dma_wait3A_36 = tpu.memref_slice %arg2[%dma_wait3A_34, %dma_wait3A_35] : memref<8192x4096xf32, #tpu.memory_space<hbm>> -> memref<8x2048xf32, #tpu.memory_space<hbm>>
    tpu.wait_dma2 semaphore(%arg15 : memref<!tpu.dma_semaphore, #tpu.memory_space<semaphore_mem>>) src(%dma_wait3A_36 : memref<8x2048xf32, #tpu.memory_space<hbm>>) dst(%arg7 : memref<8x2048xf32, #tpu.memory_space<vmem>>)
    %dma_wait3A_37 = arith.constant 0 : i32
    %dma_wait3A_38 = arith.constant 0 : i32
    %dma_wait3A_39 = tpu.memref_slice %arg3[%dma_wait3A_37, %dma_wait3A_38] : memref<8192x4096xf32, #tpu.memory_space<hbm>> -> memref<8x2048xf32, #tpu.memory_space<hbm>>
    %dma_wait3A_40 = arith.constant 0 : i32
    %dma_wait3A_41 = arith.constant 0 : i32
    %dma_wait3A_42 = tpu.memref_slice %arg3[%dma_wait3A_40, %dma_wait3A_41] : memref<8192x4096xf32, #tpu.memory_space<hbm>> -> memref<8x2048xf32, #tpu.memory_space<hbm>>
    tpu.wait_dma2 semaphore(%arg15 : memref<!tpu.dma_semaphore, #tpu.memory_space<semaphore_mem>>) src(%dma_wait3A_42 : memref<8x2048xf32, #tpu.memory_space<hbm>>) dst(%arg8 : memref<8x2048xf32, #tpu.memory_space<vmem>>)
    %dma_wait3A_43 = arith.constant 0 : i32
    %dma_wait3A_44 = arith.constant 0 : i32
    %dma_wait3A_45 = tpu.memref_slice %arg4[%dma_wait3A_43, %dma_wait3A_44] : memref<8192x4096xi32, #tpu.memory_space<hbm>> -> memref<8x2048xi32, #tpu.memory_space<hbm>>
    %dma_wait3A_46 = arith.constant 0 : i32
    %dma_wait3A_47 = arith.constant 0 : i32
    %dma_wait3A_48 = tpu.memref_slice %arg4[%dma_wait3A_46, %dma_wait3A_47] : memref<8192x4096xi32, #tpu.memory_space<hbm>> -> memref<8x2048xi32, #tpu.memory_space<hbm>>
    tpu.wait_dma2 semaphore(%arg15 : memref<!tpu.dma_semaphore, #tpu.memory_space<semaphore_mem>>) src(%dma_wait3A_48 : memref<8x2048xi32, #tpu.memory_space<hbm>>) dst(%arg9 : memref<8x2048xi32, #tpu.memory_space<vmem>>)
    %scan3A = arith.constant 0 : i32
    %scan3A_49 = arith.constant 8 : i32
    %scan3A_50 = arith.addi %scan3A, %scan3A_49 : i32
    %scan3A_51 = arith.constant 1 : i32
    %scan3A_52:8 = scf.for %scan3A_325 = %scan3A to %scan3A_50 step %scan3A_51 iter_args(%scan3A_326 = %broadcast_in_dim3A_31, %scan3A_327 = %broadcast_in_dim3A_31, %scan3A_328 = %broadcast_in_dim3A_31, %scan3A_329 = %broadcast_in_dim3A_31, %scan3A_330 = %broadcast_in_dim3A_31, %scan3A_331 = %broadcast_in_dim3A_31, %scan3A_332 = %broadcast_in_dim3A_31, %scan3A_333 = %broadcast_in_dim3A_31) -> (vector<16xf32>, vector<16xf32>, vector<16xf32>, vector<16xf32>, vector<16xf32>, vector<16xf32>, vector<16xf32>, vector<16xf32>)  : i32 {
      %scan3A_334 = arith.constant 0 : i32
      %scan3A_335 = arith.constant 32 : i32
      %scan3A_336 = arith.addi %scan3A_334, %scan3A_335 : i32
      %scan3A_337 = arith.constant 1 : i32
      %scan3A_338:8 = scf.for %scan3A_340 = %scan3A_334 to %scan3A_336 step %scan3A_337 iter_args(%scan3A_341 = %scan3A_326, %scan3A_342 = %scan3A_327, %scan3A_343 = %scan3A_328, %scan3A_344 = %scan3A_329, %scan3A_345 = %scan3A_330, %scan3A_346 = %scan3A_331, %scan3A_347 = %scan3A_332, %scan3A_348 = %scan3A_333) -> (vector<16xf32>, vector<16xf32>, vector<16xf32>, vector<16xf32>, vector<16xf32>, vector<16xf32>, vector<16xf32>, vector<16xf32>)  : i32 {
        %mul3A_349 = arith.constant 64 : i32
        %mul3A_350 = arith.muli %scan3A_340, %mul3A_349 : i32
        %add3A_351 = arith.constant 0 : i32
        %add3A_352 = arith.addi %mul3A_350, %add3A_351 : i32
        %get3A = arith.constant 0 : i32
        %get3A_353 = tpu.memref_slice %arg7[%scan3A_325, %get3A] : memref<8x2048xf32, #tpu.memory_space<vmem>> -> memref<1x2048xf32, #tpu.memory_space<vmem>>
        %get3A_354 = tpu.memref_squeeze %get3A_353 : memref<1x2048xf32, #tpu.memory_space<vmem>> -> memref<2048xf32, #tpu.memory_space<vmem>>
        %get3A_355 = arith.index_cast %add3A_352 : i32 to index
        %get3A_356 = tpu.vector_load %get3A_354[%get3A_355] {strides = array<i32>} : memref<2048xf32, #tpu.memory_space<vmem>>, vector<16xf32>,
        %get3A_357 = vector.shape_cast %get3A_356 : vector<16xf32> to vector<16xf32>
        %get3A_358 = arith.constant 0 : i32
        %get3A_359 = tpu.memref_slice %arg8[%scan3A_325, %get3A_358] : memref<8x2048xf32, #tpu.memory_space<vmem>> -> memref<1x2048xf32, #tpu.memory_space<vmem>>
        %get3A_360 = tpu.memref_squeeze %get3A_359 : memref<1x2048xf32, #tpu.memory_space<vmem>> -> memref<2048xf32, #tpu.memory_space<vmem>>
        %get3A_361 = arith.index_cast %add3A_352 : i32 to index
        %get3A_362 = tpu.vector_load %get3A_360[%get3A_361] {strides = array<i32>} : memref<2048xf32, #tpu.memory_space<vmem>>, vector<16xf32>,
        %get3A_363 = vector.shape_cast %get3A_362 : vector<16xf32> to vector<16xf32>
        %sub3A = arith.subf %get3A_357, %get3A_363 : vector<16xf32>
        %get3A_364 = arith.constant 0 : i32
        %get3A_365 = tpu.memref_slice %arg9[%scan3A_325, %get3A_364] : memref<8x2048xi32, #tpu.memory_space<vmem>> -> memref<1x2048xi32, #tpu.memory_space<vmem>>
        %get3A_366 = tpu.memref_squeeze %get3A_365 : memref<1x2048xi32, #tpu.memory_space<vmem>> -> memref<2048xi32, #tpu.memory_space<vmem>>
        %get3A_367 = arith.index_cast %add3A_352 : i32 to index
        %get3A_368 = tpu.vector_load %get3A_366[%get3A_367] {strides = array<i32>} : memref<2048xi32, #tpu.memory_space<vmem>>, vector<16xi32>,
        %get3A_369 = vector.shape_cast %get3A_368 : vector<16xi32> to vector<16xi32>
        %eq3A = arith.constant 1 : i32
        %eq3A_370 = vector.broadcast %eq3A : i32 to vector<16xi32>
        %eq3A_371 = arith.cmpi eq, %get3A_369, %eq3A_370 : vector<16xi32>
        %jit3A = arith.constant 0.000000e+00 : f32
        %broadcast_in_dim3A_372 = vector.broadcast %jit3A : f32 to vector<16xf32>
        %select_n3A = arith.select %eq3A_371, %sub3A, %broadcast_in_dim3A_372 : vector<16xi1>, vector<16xf32>
        %mul3A_373 = arith.mulf %select_n3A, %select_n3A : vector<16xf32>
        %add3A_374 = arith.addf %scan3A_341, %mul3A_373 : vector<16xf32>
        %jit3A_375 = arith.constant 1.000000e+00 : f32
        %jit3A_376 = arith.constant 0.000000e+00 : f32
        %broadcast_in_dim3A_377 = vector.broadcast %jit3A_375 : f32 to vector<16xf32>
        %broadcast_in_dim3A_378 = vector.broadcast %jit3A_376 : f32 to vector<16xf32>
        %select_n3A_379 = arith.select %eq3A_371, %broadcast_in_dim3A_377, %broadcast_in_dim3A_378 : vector<16xi1>, vector<16xf32>
        %add3A_380 = arith.addf %scan3A_345, %select_n3A_379 : vector<16xf32>
        %add3A_381 = arith.constant 16 : i32
        %add3A_382 = arith.addi %mul3A_350, %add3A_381 : i32
        %get3A_383 = arith.constant 0 : i32
        %get3A_384 = tpu.memref_slice %arg7[%scan3A_325, %get3A_383] : memref<8x2048xf32, #tpu.memory_space<vmem>> -> memref<1x2048xf32, #tpu.memory_space<vmem>>
        %get3A_385 = tpu.memref_squeeze %get3A_384 : memref<1x2048xf32, #tpu.memory_space<vmem>> -> memref<2048xf32, #tpu.memory_space<vmem>>
        %get3A_386 = arith.index_cast %add3A_382 : i32 to index
        %get3A_387 = tpu.vector_load %get3A_385[%get3A_386] {strides = array<i32>} : memref<2048xf32, #tpu.memory_space<vmem>>, vector<16xf32>,
        %get3A_388 = vector.shape_cast %get3A_387 : vector<16xf32> to vector<16xf32>
        %get3A_389 = arith.constant 0 : i32
        %get3A_390 = tpu.memref_slice %arg8[%scan3A_325, %get3A_389] : memref<8x2048xf32, #tpu.memory_space<vmem>> -> memref<1x2048xf32, #tpu.memory_space<vmem>>
        %get3A_391 = tpu.memref_squeeze %get3A_390 : memref<1x2048xf32, #tpu.memory_space<vmem>> -> memref<2048xf32, #tpu.memory_space<vmem>>
        %get3A_392 = arith.index_cast %add3A_382 : i32 to index
        %get3A_393 = tpu.vector_load %get3A_391[%get3A_392] {strides = array<i32>} : memref<2048xf32, #tpu.memory_space<vmem>>, vector<16xf32>,
        %get3A_394 = vector.shape_cast %get3A_393 : vector<16xf32> to vector<16xf32>
        %sub3A_395 = arith.subf %get3A_388, %get3A_394 : vector<16xf32>
        %get3A_396 = arith.constant 0 : i32
        %get3A_397 = tpu.memref_slice %arg9[%scan3A_325, %get3A_396] : memref<8x2048xi32, #tpu.memory_space<vmem>> -> memref<1x2048xi32, #tpu.memory_space<vmem>>
        %get3A_398 = tpu.memref_squeeze %get3A_397 : memref<1x2048xi32, #tpu.memory_space<vmem>> -> memref<2048xi32, #tpu.memory_space<vmem>>
        %get3A_399 = arith.index_cast %add3A_382 : i32 to index
        %get3A_400 = tpu.vector_load %get3A_398[%get3A_399] {strides = array<i32>} : memref<2048xi32, #tpu.memory_space<vmem>>, vector<16xi32>,
        %get3A_401 = vector.shape_cast %get3A_400 : vector<16xi32> to vector<16xi32>
        %eq3A_402 = arith.constant 1 : i32
        %eq3A_403 = vector.broadcast %eq3A_402 : i32 to vector<16xi32>
        %eq3A_404 = arith.cmpi eq, %get3A_401, %eq3A_403 : vector<16xi32>
        %jit3A_405 = arith.constant 0.000000e+00 : f32
        %broadcast_in_dim3A_406 = vector.broadcast %jit3A_405 : f32 to vector<16xf32>
        %select_n3A_407 = arith.select %eq3A_404, %sub3A_395, %broadcast_in_dim3A_406 : vector<16xi1>, vector<16xf32>
        %mul3A_408 = arith.mulf %select_n3A_407, %select_n3A_407 : vector<16xf32>
        %add3A_409 = arith.addf %scan3A_342, %mul3A_408 : vector<16xf32>
        %jit3A_410 = arith.constant 1.000000e+00 : f32
        %jit3A_411 = arith.constant 0.000000e+00 : f32
        %broadcast_in_dim3A_412 = vector.broadcast %jit3A_410 : f32 to vector<16xf32>
        %broadcast_in_dim3A_413 = vector.broadcast %jit3A_411 : f32 to vector<16xf32>
        %select_n3A_414 = arith.select %eq3A_404, %broadcast_in_dim3A_412, %broadcast_in_dim3A_413 : vector<16xi1>, vector<16xf32>
        %add3A_415 = arith.addf %scan3A_346, %select_n3A_414 : vector<16xf32>
        %add3A_416 = arith.constant 32 : i32
        %add3A_417 = arith.addi %mul3A_350, %add3A_416 : i32
        %get3A_418 = arith.constant 0 : i32
        %get3A_419 = tpu.memref_slice %arg7[%scan3A_325, %get3A_418] : memref<8x2048xf32, #tpu.memory_space<vmem>> -> memref<1x2048xf32, #tpu.memory_space<vmem>>
        %get3A_420 = tpu.memref_squeeze %get3A_419 : memref<1x2048xf32, #tpu.memory_space<vmem>> -> memref<2048xf32, #tpu.memory_space<vmem>>
        %get3A_421 = arith.index_cast %add3A_417 : i32 to index
        %get3A_422 = tpu.vector_load %get3A_420[%get3A_421] {strides = array<i32>} : memref<2048xf32, #tpu.memory_space<vmem>>, vector<16xf32>,
        %get3A_423 = vector.shape_cast %get3A_422 : vector<16xf32> to vector<16xf32>
        %get3A_424 = arith.constant 0 : i32
        %get3A_425 = tpu.memref_slice %arg8[%scan3A_325, %get3A_424] : memref<8x2048xf32, #tpu.memory_space<vmem>> -> memref<1x2048xf32, #tpu.memory_space<vmem>>
        %get3A_426 = tpu.memref_squeeze %get3A_425 : memref<1x2048xf32, #tpu.memory_space<vmem>> -> memref<2048xf32, #tpu.memory_space<vmem>>
        %get3A_427 = arith.index_cast %add3A_417 : i32 to index
        %get3A_428 = tpu.vector_load %get3A_426[%get3A_427] {strides = array<i32>} : memref<2048xf32, #tpu.memory_space<vmem>>, vector<16xf32>,
        %get3A_429 = vector.shape_cast %get3A_428 : vector<16xf32> to vector<16xf32>
        %sub3A_430 = arith.subf %get3A_423, %get3A_429 : vector<16xf32>
        %get3A_431 = arith.constant 0 : i32
        %get3A_432 = tpu.memref_slice %arg9[%scan3A_325, %get3A_431] : memref<8x2048xi32, #tpu.memory_space<vmem>> -> memref<1x2048xi32, #tpu.memory_space<vmem>>
        %get3A_433 = tpu.memref_squeeze %get3A_432 : memref<1x2048xi32, #tpu.memory_space<vmem>> -> memref<2048xi32, #tpu.memory_space<vmem>>
        %get3A_434 = arith.index_cast %add3A_417 : i32 to index
        %get3A_435 = tpu.vector_load %get3A_433[%get3A_434] {strides = array<i32>} : memref<2048xi32, #tpu.memory_space<vmem>>, vector<16xi32>,
        %get3A_436 = vector.shape_cast %get3A_435 : vector<16xi32> to vector<16xi32>
        %eq3A_437 = arith.constant 1 : i32
        %eq3A_438 = vector.broadcast %eq3A_437 : i32 to vector<16xi32>
        %eq3A_439 = arith.cmpi eq, %get3A_436, %eq3A_438 : vector<16xi32>
        %jit3A_440 = arith.constant 0.000000e+00 : f32
        %broadcast_in_dim3A_441 = vector.broadcast %jit3A_440 : f32 to vector<16xf32>
        %select_n3A_442 = arith.select %eq3A_439, %sub3A_430, %broadcast_in_dim3A_441 : vector<16xi1>, vector<16xf32>
        %mul3A_443 = arith.mulf %select_n3A_442, %select_n3A_442 : vector<16xf32>
        %add3A_444 = arith.addf %scan3A_343, %mul3A_443 : vector<16xf32>
        %jit3A_445 = arith.constant 1.000000e+00 : f32
        %jit3A_446 = arith.constant 0.000000e+00 : f32
        %broadcast_in_dim3A_447 = vector.broadcast %jit3A_445 : f32 to vector<16xf32>
        %broadcast_in_dim3A_448 = vector.broadcast %jit3A_446 : f32 to vector<16xf32>
        %select_n3A_449 = arith.select %eq3A_439, %broadcast_in_dim3A_447, %broadcast_in_dim3A_448 : vector<16xi1>, vector<16xf32>
        %add3A_450 = arith.addf %scan3A_347, %select_n3A_449 : vector<16xf32>
        %add3A_451 = arith.constant 48 : i32
        %add3A_452 = arith.addi %mul3A_350, %add3A_451 : i32
        %get3A_453 = arith.constant 0 : i32
        %get3A_454 = tpu.memref_slice %arg7[%scan3A_325, %get3A_453] : memref<8x2048xf32, #tpu.memory_space<vmem>> -> memref<1x2048xf32, #tpu.memory_space<vmem>>
        %get3A_455 = tpu.memref_squeeze %get3A_454 : memref<1x2048xf32, #tpu.memory_space<vmem>> -> memref<2048xf32, #tpu.memory_space<vmem>>
        %get3A_456 = arith.index_cast %add3A_452 : i32 to index
        %get3A_457 = tpu.vector_load %get3A_455[%get3A_456] {strides = array<i32>} : memref<2048xf32, #tpu.memory_space<vmem>>, vector<16xf32>,
        %get3A_458 = vector.shape_cast %get3A_457 : vector<16xf32> to vector<16xf32>
        %get3A_459 = arith.constant 0 : i32
        %get3A_460 = tpu.memref_slice %arg8[%scan3A_325, %get3A_459] : memref<8x2048xf32, #tpu.memory_space<vmem>> -> memref<1x2048xf32, #tpu.memory_space<vmem>>
        %get3A_461 = tpu.memref_squeeze %get3A_460 : memref<1x2048xf32, #tpu.memory_space<vmem>> -> memref<2048xf32, #tpu.memory_space<vmem>>
        %get3A_462 = arith.index_cast %add3A_452 : i32 to index
        %get3A_463 = tpu.vector_load %get3A_461[%get3A_462] {strides = array<i32>} : memref<2048xf32, #tpu.memory_space<vmem>>, vector<16xf32>,
        %get3A_464 = vector.shape_cast %get3A_463 : vector<16xf32> to vector<16xf32>
        %sub3A_465 = arith.subf %get3A_458, %get3A_464 : vector<16xf32>
        %get3A_466 = arith.constant 0 : i32
        %get3A_467 = tpu.memref_slice %arg9[%scan3A_325, %get3A_466] : memref<8x2048xi32, #tpu.memory_space<vmem>> -> memref<1x2048xi32, #tpu.memory_space<vmem>>
        %get3A_468 = tpu.memref_squeeze %get3A_467 : memref<1x2048xi32, #tpu.memory_space<vmem>> -> memref<2048xi32, #tpu.memory_space<vmem>>
        %get3A_469 = arith.index_cast %add3A_452 : i32 to index
        %get3A_470 = tpu.vector_load %get3A_468[%get3A_469] {strides = array<i32>} : memref<2048xi32, #tpu.memory_space<vmem>>, vector<16xi32>,
        %get3A_471 = vector.shape_cast %get3A_470 : vector<16xi32> to vector<16xi32>
        %eq3A_472 = arith.constant 1 : i32
        %eq3A_473 = vector.broadcast %eq3A_472 : i32 to vector<16xi32>
        %eq3A_474 = arith.cmpi eq, %get3A_471, %eq3A_473 : vector<16xi32>
        %jit3A_475 = arith.constant 0.000000e+00 : f32
        %broadcast_in_dim3A_476 = vector.broadcast %jit3A_475 : f32 to vector<16xf32>
        %select_n3A_477 = arith.select %eq3A_474, %sub3A_465, %broadcast_in_dim3A_476 : vector<16xi1>, vector<16xf32>
        %mul3A_478 = arith.mulf %select_n3A_477, %select_n3A_477 : vector<16xf32>
        %add3A_479 = arith.addf %scan3A_344, %mul3A_478 : vector<16xf32>
        %jit3A_480 = arith.constant 1.000000e+00 : f32
        %jit3A_481 = arith.constant 0.000000e+00 : f32
        %broadcast_in_dim3A_482 = vector.broadcast %jit3A_480 : f32 to vector<16xf32>
        %broadcast_in_dim3A_483 = vector.broadcast %jit3A_481 : f32 to vector<16xf32>
        %select_n3A_484 = arith.select %eq3A_474, %broadcast_in_dim3A_482, %broadcast_in_dim3A_483 : vector<16xi1>, vector<16xf32>
        %add3A_485 = arith.addf %scan3A_348, %select_n3A_484 : vector<16xf32>
        scf.yield %add3A_374, %add3A_409, %add3A_444, %add3A_479, %add3A_380, %add3A_415, %add3A_450, %add3A_485 : vector<16xf32>, vector<16xf32>, vector<16xf32>, vector<16xf32>, vector<16xf32>, vector<16xf32>, vector<16xf32>, vector<16xf32>
      }
      %scan3A_339 = arith.constant 32 : i32
      scf.yield %scan3A_338#0, %scan3A_338#1, %scan3A_338#2, %scan3A_338#3, %scan3A_338#4, %scan3A_338#5, %scan3A_338#6, %scan3A_338#7 : vector<16xf32>, vector<16xf32>, vector<16xf32>, vector<16xf32>, vector<16xf32>, vector<16xf32>, vector<16xf32>, vector<16xf32>
    }
    %scan3A_53 = arith.constant 8 : i32
    %add3A_54 = arith.constant 8 : i32
    %add3A_55 = arith.addi %mul3A_2, %add3A_54 : i32
    %multiple_of3A_56 = tpu.assume_multiple %add3A_55, 8 : i32
    %dma_start3A_57 = arith.constant 0 : i32
    %dma_start3A_58 = tpu.memref_slice %arg2[%multiple_of3A_56, %dma_start3A_57] : memref<8192x4096xf32, #tpu.memory_space<hbm>> -> memref<8x2048xf32, #tpu.memory_space<hbm>>
    %dma_start3A_59 = arith.constant 0 : i32
    %dma_start3A_60 = tpu.memref_slice %arg2[%multiple_of3A_56, %dma_start3A_59] : memref<8192x4096xf32, #tpu.memory_space<hbm>> -> memref<8x2048xf32, #tpu.memory_space<hbm>>
    tpu.enqueue_dma source(%dma_start3A_60 : memref<8x2048xf32, #tpu.memory_space<hbm>>) target(%arg7 : memref<8x2048xf32, #tpu.memory_space<vmem>>) target_semaphore(%arg15 : memref<!tpu.dma_semaphore, #tpu.memory_space<semaphore_mem>>)
    %dma_start3A_61 = arith.constant 0 : i32
    %dma_start3A_62 = tpu.memref_slice %arg3[%multiple_of3A_56, %dma_start3A_61] : memref<8192x4096xf32, #tpu.memory_space<hbm>> -> memref<8x2048xf32, #tpu.memory_space<hbm>>
    %dma_start3A_63 = arith.constant 0 : i32
    %dma_start3A_64 = tpu.memref_slice %arg3[%multiple_of3A_56, %dma_start3A_63] : memref<8192x4096xf32, #tpu.memory_space<hbm>> -> memref<8x2048xf32, #tpu.memory_space<hbm>>
    tpu.enqueue_dma source(%dma_start3A_64 : memref<8x2048xf32, #tpu.memory_space<hbm>>) target(%arg8 : memref<8x2048xf32, #tpu.memory_space<vmem>>) target_semaphore(%arg15 : memref<!tpu.dma_semaphore, #tpu.memory_space<semaphore_mem>>)
    %dma_start3A_65 = arith.constant 0 : i32
    %dma_start3A_66 = tpu.memref_slice %arg4[%multiple_of3A_56, %dma_start3A_65] : memref<8192x4096xi32, #tpu.memory_space<hbm>> -> memref<8x2048xi32, #tpu.memory_space<hbm>>
    %dma_start3A_67 = arith.constant 0 : i32
    %dma_start3A_68 = tpu.memref_slice %arg4[%multiple_of3A_56, %dma_start3A_67] : memref<8192x4096xi32, #tpu.memory_space<hbm>> -> memref<8x2048xi32, #tpu.memory_space<hbm>>
    tpu.enqueue_dma source(%dma_start3A_68 : memref<8x2048xi32, #tpu.memory_space<hbm>>) target(%arg9 : memref<8x2048xi32, #tpu.memory_space<vmem>>) target_semaphore(%arg15 : memref<!tpu.dma_semaphore, #tpu.memory_space<semaphore_mem>>)
    %dma_wait3A_69 = arith.constant 0 : i32
    %dma_wait3A_70 = arith.constant 0 : i32
    %dma_wait3A_71 = tpu.memref_slice %arg2[%dma_wait3A_69, %dma_wait3A_70] : memref<8192x4096xf32, #tpu.memory_space<hbm>> -> memref<8x2048xf32, #tpu.memory_space<hbm>>
    %dma_wait3A_72 = arith.constant 0 : i32
    %dma_wait3A_73 = arith.constant 0 : i32
    %dma_wait3A_74 = tpu.memref_slice %arg2[%dma_wait3A_72, %dma_wait3A_73] : memref<8192x4096xf32, #tpu.memory_space<hbm>> -> memref<8x2048xf32, #tpu.memory_space<hbm>>
    tpu.wait_dma2 semaphore(%arg16 : memref<!tpu.dma_semaphore, #tpu.memory_space<semaphore_mem>>) src(%dma_wait3A_74 : memref<8x2048xf32, #tpu.memory_space<hbm>>) dst(%arg10 : memref<8x2048xf32, #tpu.memory_space<vmem>>)
    %dma_wait3A_75 = arith.constant 0 : i32
    %dma_wait3A_76 = arith.constant 0 : i32
    %dma_wait3A_77 = tpu.memref_slice %arg3[%dma_wait3A_75, %dma_wait3A_76] : memref<8192x4096xf32, #tpu.memory_space<hbm>> -> memref<8x2048xf32, #tpu.memory_space<hbm>>
    %dma_wait3A_78 = arith.constant 0 : i32
    %dma_wait3A_79 = arith.constant 0 : i32
    %dma_wait3A_80 = tpu.memref_slice %arg3[%dma_wait3A_78, %dma_wait3A_79] : memref<8192x4096xf32, #tpu.memory_space<hbm>> -> memref<8x2048xf32, #tpu.memory_space<hbm>>
    tpu.wait_dma2 semaphore(%arg16 : memref<!tpu.dma_semaphore, #tpu.memory_space<semaphore_mem>>) src(%dma_wait3A_80 : memref<8x2048xf32, #tpu.memory_space<hbm>>) dst(%arg11 : memref<8x2048xf32, #tpu.memory_space<vmem>>)
    %dma_wait3A_81 = arith.constant 0 : i32
    %dma_wait3A_82 = arith.constant 0 : i32
    %dma_wait3A_83 = tpu.memref_slice %arg4[%dma_wait3A_81, %dma_wait3A_82] : memref<8192x4096xi32, #tpu.memory_space<hbm>> -> memref<8x2048xi32, #tpu.memory_space<hbm>>
    %dma_wait3A_84 = arith.constant 0 : i32
    %dma_wait3A_85 = arith.constant 0 : i32
    %dma_wait3A_86 = tpu.memref_slice %arg4[%dma_wait3A_84, %dma_wait3A_85] : memref<8192x4096xi32, #tpu.memory_space<hbm>> -> memref<8x2048xi32, #tpu.memory_space<hbm>>
    tpu.wait_dma2 semaphore(%arg16 : memref<!tpu.dma_semaphore, #tpu.memory_space<semaphore_mem>>) src(%dma_wait3A_86 : memref<8x2048xi32, #tpu.memory_space<hbm>>) dst(%arg12 : memref<8x2048xi32, #tpu.memory_space<vmem>>)
    %scan3A_87 = arith.constant 0 : i32
    %scan3A_88 = arith.constant 8 : i32
    %scan3A_89 = arith.addi %scan3A_87, %scan3A_88 : i32
    %scan3A_90 = arith.constant 1 : i32
    %scan3A_91:8 = scf.for %scan3A_325 = %scan3A_87 to %scan3A_89 step %scan3A_90 iter_args(%scan3A_326 = %scan3A_52#0, %scan3A_327 = %scan3A_52#1, %scan3A_328 = %scan3A_52#2, %scan3A_329 = %scan3A_52#3, %scan3A_330 = %scan3A_52#4, %scan3A_331 = %scan3A_52#5, %scan3A_332 = %scan3A_52#6, %scan3A_333 = %scan3A_52#7) -> (vector<16xf32>, vector<16xf32>, vector<16xf32>, vector<16xf32>, vector<16xf32>, vector<16xf32>, vector<16xf32>, vector<16xf32>)  : i32 {
      %scan3A_334 = arith.constant 0 : i32
      %scan3A_335 = arith.constant 32 : i32
      %scan3A_336 = arith.addi %scan3A_334, %scan3A_335 : i32
      %scan3A_337 = arith.constant 1 : i32
      %scan3A_338:8 = scf.for %scan3A_340 = %scan3A_334 to %scan3A_336 step %scan3A_337 iter_args(%scan3A_341 = %scan3A_326, %scan3A_342 = %scan3A_327, %scan3A_343 = %scan3A_328, %scan3A_344 = %scan3A_329, %scan3A_345 = %scan3A_330, %scan3A_346 = %scan3A_331, %scan3A_347 = %scan3A_332, %scan3A_348 = %scan3A_333) -> (vector<16xf32>, vector<16xf32>, vector<16xf32>, vector<16xf32>, vector<16xf32>, vector<16xf32>, vector<16xf32>, vector<16xf32>)  : i32 {
        %mul3A_349 = arith.constant 64 : i32
        %mul3A_350 = arith.muli %scan3A_340, %mul3A_349 : i32
        %add3A_351 = arith.constant 0 : i32
        %add3A_352 = arith.addi %mul3A_350, %add3A_351 : i32
        %get3A = arith.constant 0 : i32
        %get3A_353 = tpu.memref_slice %arg10[%scan3A_325, %get3A] : memref<8x2048xf32, #tpu.memory_space<vmem>> -> memref<1x2048xf32, #tpu.memory_space<vmem>>
        %get3A_354 = tpu.memref_squeeze %get3A_353 : memref<1x2048xf32, #tpu.memory_space<vmem>> -> memref<2048xf32, #tpu.memory_space<vmem>>
        %get3A_355 = arith.index_cast %add3A_352 : i32 to index
        %get3A_356 = tpu.vector_load %get3A_354[%get3A_355] {strides = array<i32>} : memref<2048xf32, #tpu.memory_space<vmem>>, vector<16xf32>,
        %get3A_357 = vector.shape_cast %get3A_356 : vector<16xf32> to vector<16xf32>
        %get3A_358 = arith.constant 0 : i32
        %get3A_359 = tpu.memref_slice %arg11[%scan3A_325, %get3A_358] : memref<8x2048xf32, #tpu.memory_space<vmem>> -> memref<1x2048xf32, #tpu.memory_space<vmem>>
        %get3A_360 = tpu.memref_squeeze %get3A_359 : memref<1x2048xf32, #tpu.memory_space<vmem>> -> memref<2048xf32, #tpu.memory_space<vmem>>
        %get3A_361 = arith.index_cast %add3A_352 : i32 to index
        %get3A_362 = tpu.vector_load %get3A_360[%get3A_361] {strides = array<i32>} : memref<2048xf32, #tpu.memory_space<vmem>>, vector<16xf32>,
        %get3A_363 = vector.shape_cast %get3A_362 : vector<16xf32> to vector<16xf32>
        %sub3A = arith.subf %get3A_357, %get3A_363 : vector<16xf32>
        %get3A_364 = arith.constant 0 : i32
        %get3A_365 = tpu.memref_slice %arg12[%scan3A_325, %get3A_364] : memref<8x2048xi32, #tpu.memory_space<vmem>> -> memref<1x2048xi32, #tpu.memory_space<vmem>>
        %get3A_366 = tpu.memref_squeeze %get3A_365 : memref<1x2048xi32, #tpu.memory_space<vmem>> -> memref<2048xi32, #tpu.memory_space<vmem>>
        %get3A_367 = arith.index_cast %add3A_352 : i32 to index
        %get3A_368 = tpu.vector_load %get3A_366[%get3A_367] {strides = array<i32>} : memref<2048xi32, #tpu.memory_space<vmem>>, vector<16xi32>,
        %get3A_369 = vector.shape_cast %get3A_368 : vector<16xi32> to vector<16xi32>
        %eq3A = arith.constant 1 : i32
        %eq3A_370 = vector.broadcast %eq3A : i32 to vector<16xi32>
        %eq3A_371 = arith.cmpi eq, %get3A_369, %eq3A_370 : vector<16xi32>
        %jit3A = arith.constant 0.000000e+00 : f32
        %broadcast_in_dim3A_372 = vector.broadcast %jit3A : f32 to vector<16xf32>
        %select_n3A = arith.select %eq3A_371, %sub3A, %broadcast_in_dim3A_372 : vector<16xi1>, vector<16xf32>
        %mul3A_373 = arith.mulf %select_n3A, %select_n3A : vector<16xf32>
        %add3A_374 = arith.addf %scan3A_341, %mul3A_373 : vector<16xf32>
        %jit3A_375 = arith.constant 1.000000e+00 : f32
        %jit3A_376 = arith.constant 0.000000e+00 : f32
        %broadcast_in_dim3A_377 = vector.broadcast %jit3A_375 : f32 to vector<16xf32>
        %broadcast_in_dim3A_378 = vector.broadcast %jit3A_376 : f32 to vector<16xf32>
        %select_n3A_379 = arith.select %eq3A_371, %broadcast_in_dim3A_377, %broadcast_in_dim3A_378 : vector<16xi1>, vector<16xf32>
        %add3A_380 = arith.addf %scan3A_345, %select_n3A_379 : vector<16xf32>
        %add3A_381 = arith.constant 16 : i32
        %add3A_382 = arith.addi %mul3A_350, %add3A_381 : i32
        %get3A_383 = arith.constant 0 : i32
        %get3A_384 = tpu.memref_slice %arg10[%scan3A_325, %get3A_383] : memref<8x2048xf32, #tpu.memory_space<vmem>> -> memref<1x2048xf32, #tpu.memory_space<vmem>>
        %get3A_385 = tpu.memref_squeeze %get3A_384 : memref<1x2048xf32, #tpu.memory_space<vmem>> -> memref<2048xf32, #tpu.memory_space<vmem>>
        %get3A_386 = arith.index_cast %add3A_382 : i32 to index
        %get3A_387 = tpu.vector_load %get3A_385[%get3A_386] {strides = array<i32>} : memref<2048xf32, #tpu.memory_space<vmem>>, vector<16xf32>,
        %get3A_388 = vector.shape_cast %get3A_387 : vector<16xf32> to vector<16xf32>
        %get3A_389 = arith.constant 0 : i32
        %get3A_390 = tpu.memref_slice %arg11[%scan3A_325, %get3A_389] : memref<8x2048xf32, #tpu.memory_space<vmem>> -> memref<1x2048xf32, #tpu.memory_space<vmem>>
        %get3A_391 = tpu.memref_squeeze %get3A_390 : memref<1x2048xf32, #tpu.memory_space<vmem>> -> memref<2048xf32, #tpu.memory_space<vmem>>
        %get3A_392 = arith.index_cast %add3A_382 : i32 to index
        %get3A_393 = tpu.vector_load %get3A_391[%get3A_392] {strides = array<i32>} : memref<2048xf32, #tpu.memory_space<vmem>>, vector<16xf32>,
        %get3A_394 = vector.shape_cast %get3A_393 : vector<16xf32> to vector<16xf32>
        %sub3A_395 = arith.subf %get3A_388, %get3A_394 : vector<16xf32>
        %get3A_396 = arith.constant 0 : i32
        %get3A_397 = tpu.memref_slice %arg12[%scan3A_325, %get3A_396] : memref<8x2048xi32, #tpu.memory_space<vmem>> -> memref<1x2048xi32, #tpu.memory_space<vmem>>
        %get3A_398 = tpu.memref_squeeze %get3A_397 : memref<1x2048xi32, #tpu.memory_space<vmem>> -> memref<2048xi32, #tpu.memory_space<vmem>>
        %get3A_399 = arith.index_cast %add3A_382 : i32 to index
        %get3A_400 = tpu.vector_load %get3A_398[%get3A_399] {strides = array<i32>} : memref<2048xi32, #tpu.memory_space<vmem>>, vector<16xi32>,
        %get3A_401 = vector.shape_cast %get3A_400 : vector<16xi32> to vector<16xi32>
        %eq3A_402 = arith.constant 1 : i32
        %eq3A_403 = vector.broadcast %eq3A_402 : i32 to vector<16xi32>
        %eq3A_404 = arith.cmpi eq, %get3A_401, %eq3A_403 : vector<16xi32>
        %jit3A_405 = arith.constant 0.000000e+00 : f32
        %broadcast_in_dim3A_406 = vector.broadcast %jit3A_405 : f32 to vector<16xf32>
        %select_n3A_407 = arith.select %eq3A_404, %sub3A_395, %broadcast_in_dim3A_406 : vector<16xi1>, vector<16xf32>
        %mul3A_408 = arith.mulf %select_n3A_407, %select_n3A_407 : vector<16xf32>
        %add3A_409 = arith.addf %scan3A_342, %mul3A_408 : vector<16xf32>
        %jit3A_410 = arith.constant 1.000000e+00 : f32
        %jit3A_411 = arith.constant 0.000000e+00 : f32
        %broadcast_in_dim3A_412 = vector.broadcast %jit3A_410 : f32 to vector<16xf32>
        %broadcast_in_dim3A_413 = vector.broadcast %jit3A_411 : f32 to vector<16xf32>
        %select_n3A_414 = arith.select %eq3A_404, %broadcast_in_dim3A_412, %broadcast_in_dim3A_413 : vector<16xi1>, vector<16xf32>
        %add3A_415 = arith.addf %scan3A_346, %select_n3A_414 : vector<16xf32>
        %add3A_416 = arith.constant 32 : i32
        %add3A_417 = arith.addi %mul3A_350, %add3A_416 : i32
        %get3A_418 = arith.constant 0 : i32
        %get3A_419 = tpu.memref_slice %arg10[%scan3A_325, %get3A_418] : memref<8x2048xf32, #tpu.memory_space<vmem>> -> memref<1x2048xf32, #tpu.memory_space<vmem>>
        %get3A_420 = tpu.memref_squeeze %get3A_419 : memref<1x2048xf32, #tpu.memory_space<vmem>> -> memref<2048xf32, #tpu.memory_space<vmem>>
        %get3A_421 = arith.index_cast %add3A_417 : i32 to index
        %get3A_422 = tpu.vector_load %get3A_420[%get3A_421] {strides = array<i32>} : memref<2048xf32, #tpu.memory_space<vmem>>, vector<16xf32>,
        %get3A_423 = vector.shape_cast %get3A_422 : vector<16xf32> to vector<16xf32>
        %get3A_424 = arith.constant 0 : i32
        %get3A_425 = tpu.memref_slice %arg11[%scan3A_325, %get3A_424] : memref<8x2048xf32, #tpu.memory_space<vmem>> -> memref<1x2048xf32, #tpu.memory_space<vmem>>
        %get3A_426 = tpu.memref_squeeze %get3A_425 : memref<1x2048xf32, #tpu.memory_space<vmem>> -> memref<2048xf32, #tpu.memory_space<vmem>>
        %get3A_427 = arith.index_cast %add3A_417 : i32 to index
        %get3A_428 = tpu.vector_load %get3A_426[%get3A_427] {strides = array<i32>} : memref<2048xf32, #tpu.memory_space<vmem>>, vector<16xf32>,
        %get3A_429 = vector.shape_cast %get3A_428 : vector<16xf32> to vector<16xf32>
        %sub3A_430 = arith.subf %get3A_423, %get3A_429 : vector<16xf32>
        %get3A_431 = arith.constant 0 : i32
        %get3A_432 = tpu.memref_slice %arg12[%scan3A_325, %get3A_431] : memref<8x2048xi32, #tpu.memory_space<vmem>> -> memref<1x2048xi32, #tpu.memory_space<vmem>>
        %get3A_433 = tpu.memref_squeeze %get3A_432 : memref<1x2048xi32, #tpu.memory_space<vmem>> -> memref<2048xi32, #tpu.memory_space<vmem>>
        %get3A_434 = arith.index_cast %add3A_417 : i32 to index
        %get3A_435 = tpu.vector_load %get3A_433[%get3A_434] {strides = array<i32>} : memref<2048xi32, #tpu.memory_space<vmem>>, vector<16xi32>,
        %get3A_436 = vector.shape_cast %get3A_435 : vector<16xi32> to vector<16xi32>
        %eq3A_437 = arith.constant 1 : i32
        %eq3A_438 = vector.broadcast %eq3A_437 : i32 to vector<16xi32>
        %eq3A_439 = arith.cmpi eq, %get3A_436, %eq3A_438 : vector<16xi32>
        %jit3A_440 = arith.constant 0.000000e+00 : f32
        %broadcast_in_dim3A_441 = vector.broadcast %jit3A_440 : f32 to vector<16xf32>
        %select_n3A_442 = arith.select %eq3A_439, %sub3A_430, %broadcast_in_dim3A_441 : vector<16xi1>, vector<16xf32>
        %mul3A_443 = arith.mulf %select_n3A_442, %select_n3A_442 : vector<16xf32>
        %add3A_444 = arith.addf %scan3A_343, %mul3A_443 : vector<16xf32>
        %jit3A_445 = arith.constant 1.000000e+00 : f32
        %jit3A_446 = arith.constant 0.000000e+00 : f32
        %broadcast_in_dim3A_447 = vector.broadcast %jit3A_445 : f32 to vector<16xf32>
        %broadcast_in_dim3A_448 = vector.broadcast %jit3A_446 : f32 to vector<16xf32>
        %select_n3A_449 = arith.select %eq3A_439, %broadcast_in_dim3A_447, %broadcast_in_dim3A_448 : vector<16xi1>, vector<16xf32>
        %add3A_450 = arith.addf %scan3A_347, %select_n3A_449 : vector<16xf32>
        %add3A_451 = arith.constant 48 : i32
        %add3A_452 = arith.addi %mul3A_350, %add3A_451 : i32
        %get3A_453 = arith.constant 0 : i32
        %get3A_454 = tpu.memref_slice %arg10[%scan3A_325, %get3A_453] : memref<8x2048xf32, #tpu.memory_space<vmem>> -> memref<1x2048xf32, #tpu.memory_space<vmem>>
        %get3A_455 = tpu.memref_squeeze %get3A_454 : memref<1x2048xf32, #tpu.memory_space<vmem>> -> memref<2048xf32, #tpu.memory_space<vmem>>
        %get3A_456 = arith.index_cast %add3A_452 : i32 to index
        %get3A_457 = tpu.vector_load %get3A_455[%get3A_456] {strides = array<i32>} : memref<2048xf32, #tpu.memory_space<vmem>>, vector<16xf32>,
        %get3A_458 = vector.shape_cast %get3A_457 : vector<16xf32> to vector<16xf32>
        %get3A_459 = arith.constant 0 : i32
        %get3A_460 = tpu.memref_slice %arg11[%scan3A_325, %get3A_459] : memref<8x2048xf32, #tpu.memory_space<vmem>> -> memref<1x2048xf32, #tpu.memory_space<vmem>>
        %get3A_461 = tpu.memref_squeeze %get3A_460 : memref<1x2048xf32, #tpu.memory_space<vmem>> -> memref<2048xf32, #tpu.memory_space<vmem>>
        %get3A_462 = arith.index_cast %add3A_452 : i32 to index
        %get3A_463 = tpu.vector_load %get3A_461[%get3A_462] {strides = array<i32>} : memref<2048xf32, #tpu.memory_space<vmem>>, vector<16xf32>,
        %get3A_464 = vector.shape_cast %get3A_463 : vector<16xf32> to vector<16xf32>
        %sub3A_465 = arith.subf %get3A_458, %get3A_464 : vector<16xf32>
        %get3A_466 = arith.constant 0 : i32
        %get3A_467 = tpu.memref_slice %arg12[%scan3A_325, %get3A_466] : memref<8x2048xi32, #tpu.memory_space<vmem>> -> memref<1x2048xi32, #tpu.memory_space<vmem>>
        %get3A_468 = tpu.memref_squeeze %get3A_467 : memref<1x2048xi32, #tpu.memory_space<vmem>> -> memref<2048xi32, #tpu.memory_space<vmem>>
        %get3A_469 = arith.index_cast %add3A_452 : i32 to index
        %get3A_470 = tpu.vector_load %get3A_468[%get3A_469] {strides = array<i32>} : memref<2048xi32, #tpu.memory_space<vmem>>, vector<16xi32>,
        %get3A_471 = vector.shape_cast %get3A_470 : vector<16xi32> to vector<16xi32>
        %eq3A_472 = arith.constant 1 : i32
        %eq3A_473 = vector.broadcast %eq3A_472 : i32 to vector<16xi32>
        %eq3A_474 = arith.cmpi eq, %get3A_471, %eq3A_473 : vector<16xi32>
        %jit3A_475 = arith.constant 0.000000e+00 : f32
        %broadcast_in_dim3A_476 = vector.broadcast %jit3A_475 : f32 to vector<16xf32>
        %select_n3A_477 = arith.select %eq3A_474, %sub3A_465, %broadcast_in_dim3A_476 : vector<16xi1>, vector<16xf32>
        %mul3A_478 = arith.mulf %select_n3A_477, %select_n3A_477 : vector<16xf32>
        %add3A_479 = arith.addf %scan3A_344, %mul3A_478 : vector<16xf32>
        %jit3A_480 = arith.constant 1.000000e+00 : f32
        %jit3A_481 = arith.constant 0.000000e+00 : f32
        %broadcast_in_dim3A_482 = vector.broadcast %jit3A_480 : f32 to vector<16xf32>
        %broadcast_in_dim3A_483 = vector.broadcast %jit3A_481 : f32 to vector<16xf32>
        %select_n3A_484 = arith.select %eq3A_474, %broadcast_in_dim3A_482, %broadcast_in_dim3A_483 : vector<16xi1>, vector<16xf32>
        %add3A_485 = arith.addf %scan3A_348, %select_n3A_484 : vector<16xf32>
        scf.yield %add3A_374, %add3A_409, %add3A_444, %add3A_479, %add3A_380, %add3A_415, %add3A_450, %add3A_485 : vector<16xf32>, vector<16xf32>, vector<16xf32>, vector<16xf32>, vector<16xf32>, vector<16xf32>, vector<16xf32>, vector<16xf32>
      }
      %scan3A_339 = arith.constant 32 : i32
      scf.yield %scan3A_338#0, %scan3A_338#1, %scan3A_338#2, %scan3A_338#3, %scan3A_338#4, %scan3A_338#5, %scan3A_338#6, %scan3A_338#7 : vector<16xf32>, vector<16xf32>, vector<16xf32>, vector<16xf32>, vector<16xf32>, vector<16xf32>, vector<16xf32>, vector<16xf32>
    }
    %scan3A_92 = arith.constant 8 : i32
    %add3A_93 = arith.constant 8 : i32
    %add3A_94 = arith.addi %mul3A_2, %add3A_93 : i32
    %multiple_of3A_95 = tpu.assume_multiple %add3A_94, 8 : i32
    %dma_start3A_96 = arith.constant 2048 : i32
    %dma_start3A_97 = tpu.memref_slice %arg2[%multiple_of3A_95, %dma_start3A_96] : memref<8192x4096xf32, #tpu.memory_space<hbm>> -> memref<8x2048xf32, #tpu.memory_space<hbm>>
    %dma_start3A_98 = arith.constant 2048 : i32
    %dma_start3A_99 = tpu.memref_slice %arg2[%multiple_of3A_95, %dma_start3A_98] : memref<8192x4096xf32, #tpu.memory_space<hbm>> -> memref<8x2048xf32, #tpu.memory_space<hbm>>
    tpu.enqueue_dma source(%dma_start3A_99 : memref<8x2048xf32, #tpu.memory_space<hbm>>) target(%arg10 : memref<8x2048xf32, #tpu.memory_space<vmem>>) target_semaphore(%arg16 : memref<!tpu.dma_semaphore, #tpu.memory_space<semaphore_mem>>)
    %dma_start3A_100 = arith.constant 2048 : i32
    %dma_start3A_101 = tpu.memref_slice %arg3[%multiple_of3A_95, %dma_start3A_100] : memref<8192x4096xf32, #tpu.memory_space<hbm>> -> memref<8x2048xf32, #tpu.memory_space<hbm>>
    %dma_start3A_102 = arith.constant 2048 : i32
    %dma_start3A_103 = tpu.memref_slice %arg3[%multiple_of3A_95, %dma_start3A_102] : memref<8192x4096xf32, #tpu.memory_space<hbm>> -> memref<8x2048xf32, #tpu.memory_space<hbm>>
    tpu.enqueue_dma source(%dma_start3A_103 : memref<8x2048xf32, #tpu.memory_space<hbm>>) target(%arg11 : memref<8x2048xf32, #tpu.memory_space<vmem>>) target_semaphore(%arg16 : memref<!tpu.dma_semaphore, #tpu.memory_space<semaphore_mem>>)
    %dma_start3A_104 = arith.constant 2048 : i32
    %dma_start3A_105 = tpu.memref_slice %arg4[%multiple_of3A_95, %dma_start3A_104] : memref<8192x4096xi32, #tpu.memory_space<hbm>> -> memref<8x2048xi32, #tpu.memory_space<hbm>>
    %dma_start3A_106 = arith.constant 2048 : i32
    %dma_start3A_107 = tpu.memref_slice %arg4[%multiple_of3A_95, %dma_start3A_106] : memref<8192x4096xi32, #tpu.memory_space<hbm>> -> memref<8x2048xi32, #tpu.memory_space<hbm>>
    tpu.enqueue_dma source(%dma_start3A_107 : memref<8x2048xi32, #tpu.memory_space<hbm>>) target(%arg12 : memref<8x2048xi32, #tpu.memory_space<vmem>>) target_semaphore(%arg16 : memref<!tpu.dma_semaphore, #tpu.memory_space<semaphore_mem>>)
    %dma_wait3A_108 = arith.constant 0 : i32
    %dma_wait3A_109 = arith.constant 0 : i32
    %dma_wait3A_110 = tpu.memref_slice %arg2[%dma_wait3A_108, %dma_wait3A_109] : memref<8192x4096xf32, #tpu.memory_space<hbm>> -> memref<8x2048xf32, #tpu.memory_space<hbm>>
    %dma_wait3A_111 = arith.constant 0 : i32
    %dma_wait3A_112 = arith.constant 0 : i32
    %dma_wait3A_113 = tpu.memref_slice %arg2[%dma_wait3A_111, %dma_wait3A_112] : memref<8192x4096xf32, #tpu.memory_space<hbm>> -> memref<8x2048xf32, #tpu.memory_space<hbm>>
    tpu.wait_dma2 semaphore(%arg15 : memref<!tpu.dma_semaphore, #tpu.memory_space<semaphore_mem>>) src(%dma_wait3A_113 : memref<8x2048xf32, #tpu.memory_space<hbm>>) dst(%arg7 : memref<8x2048xf32, #tpu.memory_space<vmem>>)
    %dma_wait3A_114 = arith.constant 0 : i32
    %dma_wait3A_115 = arith.constant 0 : i32
    %dma_wait3A_116 = tpu.memref_slice %arg3[%dma_wait3A_114, %dma_wait3A_115] : memref<8192x4096xf32, #tpu.memory_space<hbm>> -> memref<8x2048xf32, #tpu.memory_space<hbm>>
    %dma_wait3A_117 = arith.constant 0 : i32
    %dma_wait3A_118 = arith.constant 0 : i32
    %dma_wait3A_119 = tpu.memref_slice %arg3[%dma_wait3A_117, %dma_wait3A_118] : memref<8192x4096xf32, #tpu.memory_space<hbm>> -> memref<8x2048xf32, #tpu.memory_space<hbm>>
    tpu.wait_dma2 semaphore(%arg15 : memref<!tpu.dma_semaphore, #tpu.memory_space<semaphore_mem>>) src(%dma_wait3A_119 : memref<8x2048xf32, #tpu.memory_space<hbm>>) dst(%arg8 : memref<8x2048xf32, #tpu.memory_space<vmem>>)
    %dma_wait3A_120 = arith.constant 0 : i32
    %dma_wait3A_121 = arith.constant 0 : i32
    %dma_wait3A_122 = tpu.memref_slice %arg4[%dma_wait3A_120, %dma_wait3A_121] : memref<8192x4096xi32, #tpu.memory_space<hbm>> -> memref<8x2048xi32, #tpu.memory_space<hbm>>
    %dma_wait3A_123 = arith.constant 0 : i32
    %dma_wait3A_124 = arith.constant 0 : i32
    %dma_wait3A_125 = tpu.memref_slice %arg4[%dma_wait3A_123, %dma_wait3A_124] : memref<8192x4096xi32, #tpu.memory_space<hbm>> -> memref<8x2048xi32, #tpu.memory_space<hbm>>
    tpu.wait_dma2 semaphore(%arg15 : memref<!tpu.dma_semaphore, #tpu.memory_space<semaphore_mem>>) src(%dma_wait3A_125 : memref<8x2048xi32, #tpu.memory_space<hbm>>) dst(%arg9 : memref<8x2048xi32, #tpu.memory_space<vmem>>)
    %scan3A_126 = arith.constant 0 : i32
    %scan3A_127 = arith.constant 8 : i32
    %scan3A_128 = arith.addi %scan3A_126, %scan3A_127 : i32
    %scan3A_129 = arith.constant 1 : i32
    %scan3A_130:8 = scf.for %scan3A_325 = %scan3A_126 to %scan3A_128 step %scan3A_129 iter_args(%scan3A_326 = %scan3A_91#0, %scan3A_327 = %scan3A_91#1, %scan3A_328 = %scan3A_91#2, %scan3A_329 = %scan3A_91#3, %scan3A_330 = %scan3A_91#4, %scan3A_331 = %scan3A_91#5, %scan3A_332 = %scan3A_91#6, %scan3A_333 = %scan3A_91#7) -> (vector<16xf32>, vector<16xf32>, vector<16xf32>, vector<16xf32>, vector<16xf32>, vector<16xf32>, vector<16xf32>, vector<16xf32>)  : i32 {
      %scan3A_334 = arith.constant 0 : i32
      %scan3A_335 = arith.constant 32 : i32
      %scan3A_336 = arith.addi %scan3A_334, %scan3A_335 : i32
      %scan3A_337 = arith.constant 1 : i32
      %scan3A_338:8 = scf.for %scan3A_340 = %scan3A_334 to %scan3A_336 step %scan3A_337 iter_args(%scan3A_341 = %scan3A_326, %scan3A_342 = %scan3A_327, %scan3A_343 = %scan3A_328, %scan3A_344 = %scan3A_329, %scan3A_345 = %scan3A_330, %scan3A_346 = %scan3A_331, %scan3A_347 = %scan3A_332, %scan3A_348 = %scan3A_333) -> (vector<16xf32>, vector<16xf32>, vector<16xf32>, vector<16xf32>, vector<16xf32>, vector<16xf32>, vector<16xf32>, vector<16xf32>)  : i32 {
        %mul3A_349 = arith.constant 64 : i32
        %mul3A_350 = arith.muli %scan3A_340, %mul3A_349 : i32
        %add3A_351 = arith.constant 0 : i32
        %add3A_352 = arith.addi %mul3A_350, %add3A_351 : i32
        %get3A = arith.constant 0 : i32
        %get3A_353 = tpu.memref_slice %arg7[%scan3A_325, %get3A] : memref<8x2048xf32, #tpu.memory_space<vmem>> -> memref<1x2048xf32, #tpu.memory_space<vmem>>
        %get3A_354 = tpu.memref_squeeze %get3A_353 : memref<1x2048xf32, #tpu.memory_space<vmem>> -> memref<2048xf32, #tpu.memory_space<vmem>>
        %get3A_355 = arith.index_cast %add3A_352 : i32 to index
        %get3A_356 = tpu.vector_load %get3A_354[%get3A_355] {strides = array<i32>} : memref<2048xf32, #tpu.memory_space<vmem>>, vector<16xf32>,
        %get3A_357 = vector.shape_cast %get3A_356 : vector<16xf32> to vector<16xf32>
        %get3A_358 = arith.constant 0 : i32
        %get3A_359 = tpu.memref_slice %arg8[%scan3A_325, %get3A_358] : memref<8x2048xf32, #tpu.memory_space<vmem>> -> memref<1x2048xf32, #tpu.memory_space<vmem>>
        %get3A_360 = tpu.memref_squeeze %get3A_359 : memref<1x2048xf32, #tpu.memory_space<vmem>> -> memref<2048xf32, #tpu.memory_space<vmem>>
        %get3A_361 = arith.index_cast %add3A_352 : i32 to index
        %get3A_362 = tpu.vector_load %get3A_360[%get3A_361] {strides = array<i32>} : memref<2048xf32, #tpu.memory_space<vmem>>, vector<16xf32>,
        %get3A_363 = vector.shape_cast %get3A_362 : vector<16xf32> to vector<16xf32>
        %sub3A = arith.subf %get3A_357, %get3A_363 : vector<16xf32>
        %get3A_364 = arith.constant 0 : i32
        %get3A_365 = tpu.memref_slice %arg9[%scan3A_325, %get3A_364] : memref<8x2048xi32, #tpu.memory_space<vmem>> -> memref<1x2048xi32, #tpu.memory_space<vmem>>
        %get3A_366 = tpu.memref_squeeze %get3A_365 : memref<1x2048xi32, #tpu.memory_space<vmem>> -> memref<2048xi32, #tpu.memory_space<vmem>>
        %get3A_367 = arith.index_cast %add3A_352 : i32 to index
        %get3A_368 = tpu.vector_load %get3A_366[%get3A_367] {strides = array<i32>} : memref<2048xi32, #tpu.memory_space<vmem>>, vector<16xi32>,
        %get3A_369 = vector.shape_cast %get3A_368 : vector<16xi32> to vector<16xi32>
        %eq3A = arith.constant 1 : i32
        %eq3A_370 = vector.broadcast %eq3A : i32 to vector<16xi32>
        %eq3A_371 = arith.cmpi eq, %get3A_369, %eq3A_370 : vector<16xi32>
        %jit3A = arith.constant 0.000000e+00 : f32
        %broadcast_in_dim3A_372 = vector.broadcast %jit3A : f32 to vector<16xf32>
        %select_n3A = arith.select %eq3A_371, %sub3A, %broadcast_in_dim3A_372 : vector<16xi1>, vector<16xf32>
        %mul3A_373 = arith.mulf %select_n3A, %select_n3A : vector<16xf32>
        %add3A_374 = arith.addf %scan3A_341, %mul3A_373 : vector<16xf32>
        %jit3A_375 = arith.constant 1.000000e+00 : f32
        %jit3A_376 = arith.constant 0.000000e+00 : f32
        %broadcast_in_dim3A_377 = vector.broadcast %jit3A_375 : f32 to vector<16xf32>
        %broadcast_in_dim3A_378 = vector.broadcast %jit3A_376 : f32 to vector<16xf32>
        %select_n3A_379 = arith.select %eq3A_371, %broadcast_in_dim3A_377, %broadcast_in_dim3A_378 : vector<16xi1>, vector<16xf32>
        %add3A_380 = arith.addf %scan3A_345, %select_n3A_379 : vector<16xf32>
        %add3A_381 = arith.constant 16 : i32
        %add3A_382 = arith.addi %mul3A_350, %add3A_381 : i32
        %get3A_383 = arith.constant 0 : i32
        %get3A_384 = tpu.memref_slice %arg7[%scan3A_325, %get3A_383] : memref<8x2048xf32, #tpu.memory_space<vmem>> -> memref<1x2048xf32, #tpu.memory_space<vmem>>
        %get3A_385 = tpu.memref_squeeze %get3A_384 : memref<1x2048xf32, #tpu.memory_space<vmem>> -> memref<2048xf32, #tpu.memory_space<vmem>>
        %get3A_386 = arith.index_cast %add3A_382 : i32 to index
        %get3A_387 = tpu.vector_load %get3A_385[%get3A_386] {strides = array<i32>} : memref<2048xf32, #tpu.memory_space<vmem>>, vector<16xf32>,
        %get3A_388 = vector.shape_cast %get3A_387 : vector<16xf32> to vector<16xf32>
        %get3A_389 = arith.constant 0 : i32
        %get3A_390 = tpu.memref_slice %arg8[%scan3A_325, %get3A_389] : memref<8x2048xf32, #tpu.memory_space<vmem>> -> memref<1x2048xf32, #tpu.memory_space<vmem>>
        %get3A_391 = tpu.memref_squeeze %get3A_390 : memref<1x2048xf32, #tpu.memory_space<vmem>> -> memref<2048xf32, #tpu.memory_space<vmem>>
        %get3A_392 = arith.index_cast %add3A_382 : i32 to index
        %get3A_393 = tpu.vector_load %get3A_391[%get3A_392] {strides = array<i32>} : memref<2048xf32, #tpu.memory_space<vmem>>, vector<16xf32>,
        %get3A_394 = vector.shape_cast %get3A_393 : vector<16xf32> to vector<16xf32>
        %sub3A_395 = arith.subf %get3A_388, %get3A_394 : vector<16xf32>
        %get3A_396 = arith.constant 0 : i32
        %get3A_397 = tpu.memref_slice %arg9[%scan3A_325, %get3A_396] : memref<8x2048xi32, #tpu.memory_space<vmem>> -> memref<1x2048xi32, #tpu.memory_space<vmem>>
        %get3A_398 = tpu.memref_squeeze %get3A_397 : memref<1x2048xi32, #tpu.memory_space<vmem>> -> memref<2048xi32, #tpu.memory_space<vmem>>
        %get3A_399 = arith.index_cast %add3A_382 : i32 to index
        %get3A_400 = tpu.vector_load %get3A_398[%get3A_399] {strides = array<i32>} : memref<2048xi32, #tpu.memory_space<vmem>>, vector<16xi32>,
        %get3A_401 = vector.shape_cast %get3A_400 : vector<16xi32> to vector<16xi32>
        %eq3A_402 = arith.constant 1 : i32
        %eq3A_403 = vector.broadcast %eq3A_402 : i32 to vector<16xi32>
        %eq3A_404 = arith.cmpi eq, %get3A_401, %eq3A_403 : vector<16xi32>
        %jit3A_405 = arith.constant 0.000000e+00 : f32
        %broadcast_in_dim3A_406 = vector.broadcast %jit3A_405 : f32 to vector<16xf32>
        %select_n3A_407 = arith.select %eq3A_404, %sub3A_395, %broadcast_in_dim3A_406 : vector<16xi1>, vector<16xf32>
        %mul3A_408 = arith.mulf %select_n3A_407, %select_n3A_407 : vector<16xf32>
        %add3A_409 = arith.addf %scan3A_342, %mul3A_408 : vector<16xf32>
        %jit3A_410 = arith.constant 1.000000e+00 : f32
        %jit3A_411 = arith.constant 0.000000e+00 : f32
        %broadcast_in_dim3A_412 = vector.broadcast %jit3A_410 : f32 to vector<16xf32>
        %broadcast_in_dim3A_413 = vector.broadcast %jit3A_411 : f32 to vector<16xf32>
        %select_n3A_414 = arith.select %eq3A_404, %broadcast_in_dim3A_412, %broadcast_in_dim3A_413 : vector<16xi1>, vector<16xf32>
        %add3A_415 = arith.addf %scan3A_346, %select_n3A_414 : vector<16xf32>
        %add3A_416 = arith.constant 32 : i32
        %add3A_417 = arith.addi %mul3A_350, %add3A_416 : i32
        %get3A_418 = arith.constant 0 : i32
        %get3A_419 = tpu.memref_slice %arg7[%scan3A_325, %get3A_418] : memref<8x2048xf32, #tpu.memory_space<vmem>> -> memref<1x2048xf32, #tpu.memory_space<vmem>>
        %get3A_420 = tpu.memref_squeeze %get3A_419 : memref<1x2048xf32, #tpu.memory_space<vmem>> -> memref<2048xf32, #tpu.memory_space<vmem>>
        %get3A_421 = arith.index_cast %add3A_417 : i32 to index
        %get3A_422 = tpu.vector_load %get3A_420[%get3A_421] {strides = array<i32>} : memref<2048xf32, #tpu.memory_space<vmem>>, vector<16xf32>,
        %get3A_423 = vector.shape_cast %get3A_422 : vector<16xf32> to vector<16xf32>
        %get3A_424 = arith.constant 0 : i32
        %get3A_425 = tpu.memref_slice %arg8[%scan3A_325, %get3A_424] : memref<8x2048xf32, #tpu.memory_space<vmem>> -> memref<1x2048xf32, #tpu.memory_space<vmem>>
        %get3A_426 = tpu.memref_squeeze %get3A_425 : memref<1x2048xf32, #tpu.memory_space<vmem>> -> memref<2048xf32, #tpu.memory_space<vmem>>
        %get3A_427 = arith.index_cast %add3A_417 : i32 to index
        %get3A_428 = tpu.vector_load %get3A_426[%get3A_427] {strides = array<i32>} : memref<2048xf32, #tpu.memory_space<vmem>>, vector<16xf32>,
        %get3A_429 = vector.shape_cast %get3A_428 : vector<16xf32> to vector<16xf32>
        %sub3A_430 = arith.subf %get3A_423, %get3A_429 : vector<16xf32>
        %get3A_431 = arith.constant 0 : i32
        %get3A_432 = tpu.memref_slice %arg9[%scan3A_325, %get3A_431] : memref<8x2048xi32, #tpu.memory_space<vmem>> -> memref<1x2048xi32, #tpu.memory_space<vmem>>
        %get3A_433 = tpu.memref_squeeze %get3A_432 : memref<1x2048xi32, #tpu.memory_space<vmem>> -> memref<2048xi32, #tpu.memory_space<vmem>>
        %get3A_434 = arith.index_cast %add3A_417 : i32 to index
        %get3A_435 = tpu.vector_load %get3A_433[%get3A_434] {strides = array<i32>} : memref<2048xi32, #tpu.memory_space<vmem>>, vector<16xi32>,
        %get3A_436 = vector.shape_cast %get3A_435 : vector<16xi32> to vector<16xi32>
        %eq3A_437 = arith.constant 1 : i32
        %eq3A_438 = vector.broadcast %eq3A_437 : i32 to vector<16xi32>
        %eq3A_439 = arith.cmpi eq, %get3A_436, %eq3A_438 : vector<16xi32>
        %jit3A_440 = arith.constant 0.000000e+00 : f32
        %broadcast_in_dim3A_441 = vector.broadcast %jit3A_440 : f32 to vector<16xf32>
        %select_n3A_442 = arith.select %eq3A_439, %sub3A_430, %broadcast_in_dim3A_441 : vector<16xi1>, vector<16xf32>
        %mul3A_443 = arith.mulf %select_n3A_442, %select_n3A_442 : vector<16xf32>
        %add3A_444 = arith.addf %scan3A_343, %mul3A_443 : vector<16xf32>
        %jit3A_445 = arith.constant 1.000000e+00 : f32
        %jit3A_446 = arith.constant 0.000000e+00 : f32
        %broadcast_in_dim3A_447 = vector.broadcast %jit3A_445 : f32 to vector<16xf32>
        %broadcast_in_dim3A_448 = vector.broadcast %jit3A_446 : f32 to vector<16xf32>
        %select_n3A_449 = arith.select %eq3A_439, %broadcast_in_dim3A_447, %broadcast_in_dim3A_448 : vector<16xi1>, vector<16xf32>
        %add3A_450 = arith.addf %scan3A_347, %select_n3A_449 : vector<16xf32>
        %add3A_451 = arith.constant 48 : i32
        %add3A_452 = arith.addi %mul3A_350, %add3A_451 : i32
        %get3A_453 = arith.constant 0 : i32
        %get3A_454 = tpu.memref_slice %arg7[%scan3A_325, %get3A_453] : memref<8x2048xf32, #tpu.memory_space<vmem>> -> memref<1x2048xf32, #tpu.memory_space<vmem>>
        %get3A_455 = tpu.memref_squeeze %get3A_454 : memref<1x2048xf32, #tpu.memory_space<vmem>> -> memref<2048xf32, #tpu.memory_space<vmem>>
        %get3A_456 = arith.index_cast %add3A_452 : i32 to index
        %get3A_457 = tpu.vector_load %get3A_455[%get3A_456] {strides = array<i32>} : memref<2048xf32, #tpu.memory_space<vmem>>, vector<16xf32>,
        %get3A_458 = vector.shape_cast %get3A_457 : vector<16xf32> to vector<16xf32>
        %get3A_459 = arith.constant 0 : i32
        %get3A_460 = tpu.memref_slice %arg8[%scan3A_325, %get3A_459] : memref<8x2048xf32, #tpu.memory_space<vmem>> -> memref<1x2048xf32, #tpu.memory_space<vmem>>
        %get3A_461 = tpu.memref_squeeze %get3A_460 : memref<1x2048xf32, #tpu.memory_space<vmem>> -> memref<2048xf32, #tpu.memory_space<vmem>>
        %get3A_462 = arith.index_cast %add3A_452 : i32 to index
        %get3A_463 = tpu.vector_load %get3A_461[%get3A_462] {strides = array<i32>} : memref<2048xf32, #tpu.memory_space<vmem>>, vector<16xf32>,
        %get3A_464 = vector.shape_cast %get3A_463 : vector<16xf32> to vector<16xf32>
        %sub3A_465 = arith.subf %get3A_458, %get3A_464 : vector<16xf32>
        %get3A_466 = arith.constant 0 : i32
        %get3A_467 = tpu.memref_slice %arg9[%scan3A_325, %get3A_466] : memref<8x2048xi32, #tpu.memory_space<vmem>> -> memref<1x2048xi32, #tpu.memory_space<vmem>>
        %get3A_468 = tpu.memref_squeeze %get3A_467 : memref<1x2048xi32, #tpu.memory_space<vmem>> -> memref<2048xi32, #tpu.memory_space<vmem>>
        %get3A_469 = arith.index_cast %add3A_452 : i32 to index
        %get3A_470 = tpu.vector_load %get3A_468[%get3A_469] {strides = array<i32>} : memref<2048xi32, #tpu.memory_space<vmem>>, vector<16xi32>,
        %get3A_471 = vector.shape_cast %get3A_470 : vector<16xi32> to vector<16xi32>
        %eq3A_472 = arith.constant 1 : i32
        %eq3A_473 = vector.broadcast %eq3A_472 : i32 to vector<16xi32>
        %eq3A_474 = arith.cmpi eq, %get3A_471, %eq3A_473 : vector<16xi32>
        %jit3A_475 = arith.constant 0.000000e+00 : f32
        %broadcast_in_dim3A_476 = vector.broadcast %jit3A_475 : f32 to vector<16xf32>
        %select_n3A_477 = arith.select %eq3A_474, %sub3A_465, %broadcast_in_dim3A_476 : vector<16xi1>, vector<16xf32>
        %mul3A_478 = arith.mulf %select_n3A_477, %select_n3A_477 : vector<16xf32>
        %add3A_479 = arith.addf %scan3A_344, %mul3A_478 : vector<16xf32>
        %jit3A_480 = arith.constant 1.000000e+00 : f32
        %jit3A_481 = arith.constant 0.000000e+00 : f32
        %broadcast_in_dim3A_482 = vector.broadcast %jit3A_480 : f32 to vector<16xf32>
        %broadcast_in_dim3A_483 = vector.broadcast %jit3A_481 : f32 to vector<16xf32>
        %select_n3A_484 = arith.select %eq3A_474, %broadcast_in_dim3A_482, %broadcast_in_dim3A_483 : vector<16xi1>, vector<16xf32>
        %add3A_485 = arith.addf %scan3A_348, %select_n3A_484 : vector<16xf32>
        scf.yield %add3A_374, %add3A_409, %add3A_444, %add3A_479, %add3A_380, %add3A_415, %add3A_450, %add3A_485 : vector<16xf32>, vector<16xf32>, vector<16xf32>, vector<16xf32>, vector<16xf32>, vector<16xf32>, vector<16xf32>, vector<16xf32>
      }
      %scan3A_339 = arith.constant 32 : i32
      scf.yield %scan3A_338#0, %scan3A_338#1, %scan3A_338#2, %scan3A_338#3, %scan3A_338#4, %scan3A_338#5, %scan3A_338#6, %scan3A_338#7 : vector<16xf32>, vector<16xf32>, vector<16xf32>, vector<16xf32>, vector<16xf32>, vector<16xf32>, vector<16xf32>, vector<16xf32>
    }
    %scan3A_131 = arith.constant 8 : i32
    %add3A_132 = arith.constant 16 : i32
    %add3A_133 = arith.addi %mul3A_2, %add3A_132 : i32
    %multiple_of3A_134 = tpu.assume_multiple %add3A_133, 8 : i32
    %dma_start3A_135 = arith.constant 0 : i32
    %dma_start3A_136 = tpu.memref_slice %arg2[%multiple_of3A_134, %dma_start3A_135] : memref<8192x4096xf32, #tpu.memory_space<hbm>> -> memref<8x2048xf32, #tpu.memory_space<hbm>>
    %dma_start3A_137 = arith.constant 0 : i32
    %dma_start3A_138 = tpu.memref_slice %arg2[%multiple_of3A_134, %dma_start3A_137] : memref<8192x4096xf32, #tpu.memory_space<hbm>> -> memref<8x2048xf32, #tpu.memory_space<hbm>>
    tpu.enqueue_dma source(%dma_start3A_138 : memref<8x2048xf32, #tpu.memory_space<hbm>>) target(%arg7 : memref<8x2048xf32, #tpu.memory_space<vmem>>) target_semaphore(%arg15 : memref<!tpu.dma_semaphore, #tpu.memory_space<semaphore_mem>>)
    %dma_start3A_139 = arith.constant 0 : i32
    %dma_start3A_140 = tpu.memref_slice %arg3[%multiple_of3A_134, %dma_start3A_139] : memref<8192x4096xf32, #tpu.memory_space<hbm>> -> memref<8x2048xf32, #tpu.memory_space<hbm>>
    %dma_start3A_141 = arith.constant 0 : i32
    %dma_start3A_142 = tpu.memref_slice %arg3[%multiple_of3A_134, %dma_start3A_141] : memref<8192x4096xf32, #tpu.memory_space<hbm>> -> memref<8x2048xf32, #tpu.memory_space<hbm>>
    tpu.enqueue_dma source(%dma_start3A_142 : memref<8x2048xf32, #tpu.memory_space<hbm>>) target(%arg8 : memref<8x2048xf32, #tpu.memory_space<vmem>>) target_semaphore(%arg15 : memref<!tpu.dma_semaphore, #tpu.memory_space<semaphore_mem>>)
    %dma_start3A_143 = arith.constant 0 : i32
    %dma_start3A_144 = tpu.memref_slice %arg4[%multiple_of3A_134, %dma_start3A_143] : memref<8192x4096xi32, #tpu.memory_space<hbm>> -> memref<8x2048xi32, #tpu.memory_space<hbm>>
    %dma_start3A_145 = arith.constant 0 : i32
    %dma_start3A_146 = tpu.memref_slice %arg4[%multiple_of3A_134, %dma_start3A_145] : memref<8192x4096xi32, #tpu.memory_space<hbm>> -> memref<8x2048xi32, #tpu.memory_space<hbm>>
    tpu.enqueue_dma source(%dma_start3A_146 : memref<8x2048xi32, #tpu.memory_space<hbm>>) target(%arg9 : memref<8x2048xi32, #tpu.memory_space<vmem>>) target_semaphore(%arg15 : memref<!tpu.dma_semaphore, #tpu.memory_space<semaphore_mem>>)
    %dma_wait3A_147 = arith.constant 0 : i32
    %dma_wait3A_148 = arith.constant 0 : i32
    %dma_wait3A_149 = tpu.memref_slice %arg2[%dma_wait3A_147, %dma_wait3A_148] : memref<8192x4096xf32, #tpu.memory_space<hbm>> -> memref<8x2048xf32, #tpu.memory_space<hbm>>
    %dma_wait3A_150 = arith.constant 0 : i32
    %dma_wait3A_151 = arith.constant 0 : i32
    %dma_wait3A_152 = tpu.memref_slice %arg2[%dma_wait3A_150, %dma_wait3A_151] : memref<8192x4096xf32, #tpu.memory_space<hbm>> -> memref<8x2048xf32, #tpu.memory_space<hbm>>
    tpu.wait_dma2 semaphore(%arg16 : memref<!tpu.dma_semaphore, #tpu.memory_space<semaphore_mem>>) src(%dma_wait3A_152 : memref<8x2048xf32, #tpu.memory_space<hbm>>) dst(%arg10 : memref<8x2048xf32, #tpu.memory_space<vmem>>)
    %dma_wait3A_153 = arith.constant 0 : i32
    %dma_wait3A_154 = arith.constant 0 : i32
    %dma_wait3A_155 = tpu.memref_slice %arg3[%dma_wait3A_153, %dma_wait3A_154] : memref<8192x4096xf32, #tpu.memory_space<hbm>> -> memref<8x2048xf32, #tpu.memory_space<hbm>>
    %dma_wait3A_156 = arith.constant 0 : i32
    %dma_wait3A_157 = arith.constant 0 : i32
    %dma_wait3A_158 = tpu.memref_slice %arg3[%dma_wait3A_156, %dma_wait3A_157] : memref<8192x4096xf32, #tpu.memory_space<hbm>> -> memref<8x2048xf32, #tpu.memory_space<hbm>>
    tpu.wait_dma2 semaphore(%arg16 : memref<!tpu.dma_semaphore, #tpu.memory_space<semaphore_mem>>) src(%dma_wait3A_158 : memref<8x2048xf32, #tpu.memory_space<hbm>>) dst(%arg11 : memref<8x2048xf32, #tpu.memory_space<vmem>>)
    %dma_wait3A_159 = arith.constant 0 : i32
    %dma_wait3A_160 = arith.constant 0 : i32
    %dma_wait3A_161 = tpu.memref_slice %arg4[%dma_wait3A_159, %dma_wait3A_160] : memref<8192x4096xi32, #tpu.memory_space<hbm>> -> memref<8x2048xi32, #tpu.memory_space<hbm>>
    %dma_wait3A_162 = arith.constant 0 : i32
    %dma_wait3A_163 = arith.constant 0 : i32
    %dma_wait3A_164 = tpu.memref_slice %arg4[%dma_wait3A_162, %dma_wait3A_163] : memref<8192x4096xi32, #tpu.memory_space<hbm>> -> memref<8x2048xi32, #tpu.memory_space<hbm>>
    tpu.wait_dma2 semaphore(%arg16 : memref<!tpu.dma_semaphore, #tpu.memory_space<semaphore_mem>>) src(%dma_wait3A_164 : memref<8x2048xi32, #tpu.memory_space<hbm>>) dst(%arg12 : memref<8x2048xi32, #tpu.memory_space<vmem>>)
    %scan3A_165 = arith.constant 0 : i32
    %scan3A_166 = arith.constant 8 : i32
    %scan3A_167 = arith.addi %scan3A_165, %scan3A_166 : i32
    %scan3A_168 = arith.constant 1 : i32
    %scan3A_169:8 = scf.for %scan3A_325 = %scan3A_165 to %scan3A_167 step %scan3A_168 iter_args(%scan3A_326 = %scan3A_130#0, %scan3A_327 = %scan3A_130#1, %scan3A_328 = %scan3A_130#2, %scan3A_329 = %scan3A_130#3, %scan3A_330 = %scan3A_130#4, %scan3A_331 = %scan3A_130#5, %scan3A_332 = %scan3A_130#6, %scan3A_333 = %scan3A_130#7) -> (vector<16xf32>, vector<16xf32>, vector<16xf32>, vector<16xf32>, vector<16xf32>, vector<16xf32>, vector<16xf32>, vector<16xf32>)  : i32 {
      %scan3A_334 = arith.constant 0 : i32
      %scan3A_335 = arith.constant 32 : i32
      %scan3A_336 = arith.addi %scan3A_334, %scan3A_335 : i32
      %scan3A_337 = arith.constant 1 : i32
      %scan3A_338:8 = scf.for %scan3A_340 = %scan3A_334 to %scan3A_336 step %scan3A_337 iter_args(%scan3A_341 = %scan3A_326, %scan3A_342 = %scan3A_327, %scan3A_343 = %scan3A_328, %scan3A_344 = %scan3A_329, %scan3A_345 = %scan3A_330, %scan3A_346 = %scan3A_331, %scan3A_347 = %scan3A_332, %scan3A_348 = %scan3A_333) -> (vector<16xf32>, vector<16xf32>, vector<16xf32>, vector<16xf32>, vector<16xf32>, vector<16xf32>, vector<16xf32>, vector<16xf32>)  : i32 {
        %mul3A_349 = arith.constant 64 : i32
        %mul3A_350 = arith.muli %scan3A_340, %mul3A_349 : i32
        %add3A_351 = arith.constant 0 : i32
        %add3A_352 = arith.addi %mul3A_350, %add3A_351 : i32
        %get3A = arith.constant 0 : i32
        %get3A_353 = tpu.memref_slice %arg10[%scan3A_325, %get3A] : memref<8x2048xf32, #tpu.memory_space<vmem>> -> memref<1x2048xf32, #tpu.memory_space<vmem>>
        %get3A_354 = tpu.memref_squeeze %get3A_353 : memref<1x2048xf32, #tpu.memory_space<vmem>> -> memref<2048xf32, #tpu.memory_space<vmem>>
        %get3A_355 = arith.index_cast %add3A_352 : i32 to index
        %get3A_356 = tpu.vector_load %get3A_354[%get3A_355] {strides = array<i32>} : memref<2048xf32, #tpu.memory_space<vmem>>, vector<16xf32>,
        %get3A_357 = vector.shape_cast %get3A_356 : vector<16xf32> to vector<16xf32>
        %get3A_358 = arith.constant 0 : i32
        %get3A_359 = tpu.memref_slice %arg11[%scan3A_325, %get3A_358] : memref<8x2048xf32, #tpu.memory_space<vmem>> -> memref<1x2048xf32, #tpu.memory_space<vmem>>
        %get3A_360 = tpu.memref_squeeze %get3A_359 : memref<1x2048xf32, #tpu.memory_space<vmem>> -> memref<2048xf32, #tpu.memory_space<vmem>>
        %get3A_361 = arith.index_cast %add3A_352 : i32 to index
        %get3A_362 = tpu.vector_load %get3A_360[%get3A_361] {strides = array<i32>} : memref<2048xf32, #tpu.memory_space<vmem>>, vector<16xf32>,
        %get3A_363 = vector.shape_cast %get3A_362 : vector<16xf32> to vector<16xf32>
        %sub3A = arith.subf %get3A_357, %get3A_363 : vector<16xf32>
        %get3A_364 = arith.constant 0 : i32
        %get3A_365 = tpu.memref_slice %arg12[%scan3A_325, %get3A_364] : memref<8x2048xi32, #tpu.memory_space<vmem>> -> memref<1x2048xi32, #tpu.memory_space<vmem>>
        %get3A_366 = tpu.memref_squeeze %get3A_365 : memref<1x2048xi32, #tpu.memory_space<vmem>> -> memref<2048xi32, #tpu.memory_space<vmem>>
        %get3A_367 = arith.index_cast %add3A_352 : i32 to index
        %get3A_368 = tpu.vector_load %get3A_366[%get3A_367] {strides = array<i32>} : memref<2048xi32, #tpu.memory_space<vmem>>, vector<16xi32>,
        %get3A_369 = vector.shape_cast %get3A_368 : vector<16xi32> to vector<16xi32>
        %eq3A = arith.constant 1 : i32
        %eq3A_370 = vector.broadcast %eq3A : i32 to vector<16xi32>
        %eq3A_371 = arith.cmpi eq, %get3A_369, %eq3A_370 : vector<16xi32>
        %jit3A = arith.constant 0.000000e+00 : f32
        %broadcast_in_dim3A_372 = vector.broadcast %jit3A : f32 to vector<16xf32>
        %select_n3A = arith.select %eq3A_371, %sub3A, %broadcast_in_dim3A_372 : vector<16xi1>, vector<16xf32>
        %mul3A_373 = arith.mulf %select_n3A, %select_n3A : vector<16xf32>
        %add3A_374 = arith.addf %scan3A_341, %mul3A_373 : vector<16xf32>
        %jit3A_375 = arith.constant 1.000000e+00 : f32
        %jit3A_376 = arith.constant 0.000000e+00 : f32
        %broadcast_in_dim3A_377 = vector.broadcast %jit3A_375 : f32 to vector<16xf32>
        %broadcast_in_dim3A_378 = vector.broadcast %jit3A_376 : f32 to vector<16xf32>
        %select_n3A_379 = arith.select %eq3A_371, %broadcast_in_dim3A_377, %broadcast_in_dim3A_378 : vector<16xi1>, vector<16xf32>
        %add3A_380 = arith.addf %scan3A_345, %select_n3A_379 : vector<16xf32>
        %add3A_381 = arith.constant 16 : i32
        %add3A_382 = arith.addi %mul3A_350, %add3A_381 : i32
        %get3A_383 = arith.constant 0 : i32
        %get3A_384 = tpu.memref_slice %arg10[%scan3A_325, %get3A_383] : memref<8x2048xf32, #tpu.memory_space<vmem>> -> memref<1x2048xf32, #tpu.memory_space<vmem>>
        %get3A_385 = tpu.memref_squeeze %get3A_384 : memref<1x2048xf32, #tpu.memory_space<vmem>> -> memref<2048xf32, #tpu.memory_space<vmem>>
        %get3A_386 = arith.index_cast %add3A_382 : i32 to index
        %get3A_387 = tpu.vector_load %get3A_385[%get3A_386] {strides = array<i32>} : memref<2048xf32, #tpu.memory_space<vmem>>, vector<16xf32>,
        %get3A_388 = vector.shape_cast %get3A_387 : vector<16xf32> to vector<16xf32>
        %get3A_389 = arith.constant 0 : i32
        %get3A_390 = tpu.memref_slice %arg11[%scan3A_325, %get3A_389] : memref<8x2048xf32, #tpu.memory_space<vmem>> -> memref<1x2048xf32, #tpu.memory_space<vmem>>
        %get3A_391 = tpu.memref_squeeze %get3A_390 : memref<1x2048xf32, #tpu.memory_space<vmem>> -> memref<2048xf32, #tpu.memory_space<vmem>>
        %get3A_392 = arith.index_cast %add3A_382 : i32 to index
        %get3A_393 = tpu.vector_load %get3A_391[%get3A_392] {strides = array<i32>} : memref<2048xf32, #tpu.memory_space<vmem>>, vector<16xf32>,
        %get3A_394 = vector.shape_cast %get3A_393 : vector<16xf32> to vector<16xf32>
        %sub3A_395 = arith.subf %get3A_388, %get3A_394 : vector<16xf32>
        %get3A_396 = arith.constant 0 : i32
        %get3A_397 = tpu.memref_slice %arg12[%scan3A_325, %get3A_396] : memref<8x2048xi32, #tpu.memory_space<vmem>> -> memref<1x2048xi32, #tpu.memory_space<vmem>>
        %get3A_398 = tpu.memref_squeeze %get3A_397 : memref<1x2048xi32, #tpu.memory_space<vmem>> -> memref<2048xi32, #tpu.memory_space<vmem>>
        %get3A_399 = arith.index_cast %add3A_382 : i32 to index
        %get3A_400 = tpu.vector_load %get3A_398[%get3A_399] {strides = array<i32>} : memref<2048xi32, #tpu.memory_space<vmem>>, vector<16xi32>,
        %get3A_401 = vector.shape_cast %get3A_400 : vector<16xi32> to vector<16xi32>
        %eq3A_402 = arith.constant 1 : i32
        %eq3A_403 = vector.broadcast %eq3A_402 : i32 to vector<16xi32>
        %eq3A_404 = arith.cmpi eq, %get3A_401, %eq3A_403 : vector<16xi32>
        %jit3A_405 = arith.constant 0.000000e+00 : f32
        %broadcast_in_dim3A_406 = vector.broadcast %jit3A_405 : f32 to vector<16xf32>
        %select_n3A_407 = arith.select %eq3A_404, %sub3A_395, %broadcast_in_dim3A_406 : vector<16xi1>, vector<16xf32>
        %mul3A_408 = arith.mulf %select_n3A_407, %select_n3A_407 : vector<16xf32>
        %add3A_409 = arith.addf %scan3A_342, %mul3A_408 : vector<16xf32>
        %jit3A_410 = arith.constant 1.000000e+00 : f32
        %jit3A_411 = arith.constant 0.000000e+00 : f32
        %broadcast_in_dim3A_412 = vector.broadcast %jit3A_410 : f32 to vector<16xf32>
        %broadcast_in_dim3A_413 = vector.broadcast %jit3A_411 : f32 to vector<16xf32>
        %select_n3A_414 = arith.select %eq3A_404, %broadcast_in_dim3A_412, %broadcast_in_dim3A_413 : vector<16xi1>, vector<16xf32>
        %add3A_415 = arith.addf %scan3A_346, %select_n3A_414 : vector<16xf32>
        %add3A_416 = arith.constant 32 : i32
        %add3A_417 = arith.addi %mul3A_350, %add3A_416 : i32
        %get3A_418 = arith.constant 0 : i32
        %get3A_419 = tpu.memref_slice %arg10[%scan3A_325, %get3A_418] : memref<8x2048xf32, #tpu.memory_space<vmem>> -> memref<1x2048xf32, #tpu.memory_space<vmem>>
        %get3A_420 = tpu.memref_squeeze %get3A_419 : memref<1x2048xf32, #tpu.memory_space<vmem>> -> memref<2048xf32, #tpu.memory_space<vmem>>
        %get3A_421 = arith.index_cast %add3A_417 : i32 to index
        %get3A_422 = tpu.vector_load %get3A_420[%get3A_421] {strides = array<i32>} : memref<2048xf32, #tpu.memory_space<vmem>>, vector<16xf32>,
        %get3A_423 = vector.shape_cast %get3A_422 : vector<16xf32> to vector<16xf32>
        %get3A_424 = arith.constant 0 : i32
        %get3A_425 = tpu.memref_slice %arg11[%scan3A_325, %get3A_424] : memref<8x2048xf32, #tpu.memory_space<vmem>> -> memref<1x2048xf32, #tpu.memory_space<vmem>>
        %get3A_426 = tpu.memref_squeeze %get3A_425 : memref<1x2048xf32, #tpu.memory_space<vmem>> -> memref<2048xf32, #tpu.memory_space<vmem>>
        %get3A_427 = arith.index_cast %add3A_417 : i32 to index
        %get3A_428 = tpu.vector_load %get3A_426[%get3A_427] {strides = array<i32>} : memref<2048xf32, #tpu.memory_space<vmem>>, vector<16xf32>,
        %get3A_429 = vector.shape_cast %get3A_428 : vector<16xf32> to vector<16xf32>
        %sub3A_430 = arith.subf %get3A_423, %get3A_429 : vector<16xf32>
        %get3A_431 = arith.constant 0 : i32
        %get3A_432 = tpu.memref_slice %arg12[%scan3A_325, %get3A_431] : memref<8x2048xi32, #tpu.memory_space<vmem>> -> memref<1x2048xi32, #tpu.memory_space<vmem>>
        %get3A_433 = tpu.memref_squeeze %get3A_432 : memref<1x2048xi32, #tpu.memory_space<vmem>> -> memref<2048xi32, #tpu.memory_space<vmem>>
        %get3A_434 = arith.index_cast %add3A_417 : i32 to index
        %get3A_435 = tpu.vector_load %get3A_433[%get3A_434] {strides = array<i32>} : memref<2048xi32, #tpu.memory_space<vmem>>, vector<16xi32>,
        %get3A_436 = vector.shape_cast %get3A_435 : vector<16xi32> to vector<16xi32>
        %eq3A_437 = arith.constant 1 : i32
        %eq3A_438 = vector.broadcast %eq3A_437 : i32 to vector<16xi32>
        %eq3A_439 = arith.cmpi eq, %get3A_436, %eq3A_438 : vector<16xi32>
        %jit3A_440 = arith.constant 0.000000e+00 : f32
        %broadcast_in_dim3A_441 = vector.broadcast %jit3A_440 : f32 to vector<16xf32>
        %select_n3A_442 = arith.select %eq3A_439, %sub3A_430, %broadcast_in_dim3A_441 : vector<16xi1>, vector<16xf32>
        %mul3A_443 = arith.mulf %select_n3A_442, %select_n3A_442 : vector<16xf32>
        %add3A_444 = arith.addf %scan3A_343, %mul3A_443 : vector<16xf32>
        %jit3A_445 = arith.constant 1.000000e+00 : f32
        %jit3A_446 = arith.constant 0.000000e+00 : f32
        %broadcast_in_dim3A_447 = vector.broadcast %jit3A_445 : f32 to vector<16xf32>
        %broadcast_in_dim3A_448 = vector.broadcast %jit3A_446 : f32 to vector<16xf32>
        %select_n3A_449 = arith.select %eq3A_439, %broadcast_in_dim3A_447, %broadcast_in_dim3A_448 : vector<16xi1>, vector<16xf32>
        %add3A_450 = arith.addf %scan3A_347, %select_n3A_449 : vector<16xf32>
        %add3A_451 = arith.constant 48 : i32
        %add3A_452 = arith.addi %mul3A_350, %add3A_451 : i32
        %get3A_453 = arith.constant 0 : i32
        %get3A_454 = tpu.memref_slice %arg10[%scan3A_325, %get3A_453] : memref<8x2048xf32, #tpu.memory_space<vmem>> -> memref<1x2048xf32, #tpu.memory_space<vmem>>
        %get3A_455 = tpu.memref_squeeze %get3A_454 : memref<1x2048xf32, #tpu.memory_space<vmem>> -> memref<2048xf32, #tpu.memory_space<vmem>>
        %get3A_456 = arith.index_cast %add3A_452 : i32 to index
        %get3A_457 = tpu.vector_load %get3A_455[%get3A_456] {strides = array<i32>} : memref<2048xf32, #tpu.memory_space<vmem>>, vector<16xf32>,
        %get3A_458 = vector.shape_cast %get3A_457 : vector<16xf32> to vector<16xf32>
        %get3A_459 = arith.constant 0 : i32
        %get3A_460 = tpu.memref_slice %arg11[%scan3A_325, %get3A_459] : memref<8x2048xf32, #tpu.memory_space<vmem>> -> memref<1x2048xf32, #tpu.memory_space<vmem>>
        %get3A_461 = tpu.memref_squeeze %get3A_460 : memref<1x2048xf32, #tpu.memory_space<vmem>> -> memref<2048xf32, #tpu.memory_space<vmem>>
        %get3A_462 = arith.index_cast %add3A_452 : i32 to index
        %get3A_463 = tpu.vector_load %get3A_461[%get3A_462] {strides = array<i32>} : memref<2048xf32, #tpu.memory_space<vmem>>, vector<16xf32>,
        %get3A_464 = vector.shape_cast %get3A_463 : vector<16xf32> to vector<16xf32>
        %sub3A_465 = arith.subf %get3A_458, %get3A_464 : vector<16xf32>
        %get3A_466 = arith.constant 0 : i32
        %get3A_467 = tpu.memref_slice %arg12[%scan3A_325, %get3A_466] : memref<8x2048xi32, #tpu.memory_space<vmem>> -> memref<1x2048xi32, #tpu.memory_space<vmem>>
        %get3A_468 = tpu.memref_squeeze %get3A_467 : memref<1x2048xi32, #tpu.memory_space<vmem>> -> memref<2048xi32, #tpu.memory_space<vmem>>
        %get3A_469 = arith.index_cast %add3A_452 : i32 to index
        %get3A_470 = tpu.vector_load %get3A_468[%get3A_469] {strides = array<i32>} : memref<2048xi32, #tpu.memory_space<vmem>>, vector<16xi32>,
        %get3A_471 = vector.shape_cast %get3A_470 : vector<16xi32> to vector<16xi32>
        %eq3A_472 = arith.constant 1 : i32
        %eq3A_473 = vector.broadcast %eq3A_472 : i32 to vector<16xi32>
        %eq3A_474 = arith.cmpi eq, %get3A_471, %eq3A_473 : vector<16xi32>
        %jit3A_475 = arith.constant 0.000000e+00 : f32
        %broadcast_in_dim3A_476 = vector.broadcast %jit3A_475 : f32 to vector<16xf32>
        %select_n3A_477 = arith.select %eq3A_474, %sub3A_465, %broadcast_in_dim3A_476 : vector<16xi1>, vector<16xf32>
        %mul3A_478 = arith.mulf %select_n3A_477, %select_n3A_477 : vector<16xf32>
        %add3A_479 = arith.addf %scan3A_344, %mul3A_478 : vector<16xf32>
        %jit3A_480 = arith.constant 1.000000e+00 : f32
        %jit3A_481 = arith.constant 0.000000e+00 : f32
        %broadcast_in_dim3A_482 = vector.broadcast %jit3A_480 : f32 to vector<16xf32>
        %broadcast_in_dim3A_483 = vector.broadcast %jit3A_481 : f32 to vector<16xf32>
        %select_n3A_484 = arith.select %eq3A_474, %broadcast_in_dim3A_482, %broadcast_in_dim3A_483 : vector<16xi1>, vector<16xf32>
        %add3A_485 = arith.addf %scan3A_348, %select_n3A_484 : vector<16xf32>
        scf.yield %add3A_374, %add3A_409, %add3A_444, %add3A_479, %add3A_380, %add3A_415, %add3A_450, %add3A_485 : vector<16xf32>, vector<16xf32>, vector<16xf32>, vector<16xf32>, vector<16xf32>, vector<16xf32>, vector<16xf32>, vector<16xf32>
      }
      %scan3A_339 = arith.constant 32 : i32
      scf.yield %scan3A_338#0, %scan3A_338#1, %scan3A_338#2, %scan3A_338#3, %scan3A_338#4, %scan3A_338#5, %scan3A_338#6, %scan3A_338#7 : vector<16xf32>, vector<16xf32>, vector<16xf32>, vector<16xf32>, vector<16xf32>, vector<16xf32>, vector<16xf32>, vector<16xf32>
    }
    %scan3A_170 = arith.constant 8 : i32
    %add3A_171 = arith.constant 16 : i32
    %add3A_172 = arith.addi %mul3A_2, %add3A_171 : i32
    %multiple_of3A_173 = tpu.assume_multiple %add3A_172, 8 : i32
    %dma_start3A_174 = arith.constant 2048 : i32
    %dma_start3A_175 = tpu.memref_slice %arg2[%multiple_of3A_173, %dma_start3A_174] : memref<8192x4096xf32, #tpu.memory_space<hbm>> -> memref<8x2048xf32, #tpu.memory_space<hbm>>
    %dma_start3A_176 = arith.constant 2048 : i32
    %dma_start3A_177 = tpu.memref_slice %arg2[%multiple_of3A_173, %dma_start3A_176] : memref<8192x4096xf32, #tpu.memory_space<hbm>> -> memref<8x2048xf32, #tpu.memory_space<hbm>>
    tpu.enqueue_dma source(%dma_start3A_177 : memref<8x2048xf32, #tpu.memory_space<hbm>>) target(%arg10 : memref<8x2048xf32, #tpu.memory_space<vmem>>) target_semaphore(%arg16 : memref<!tpu.dma_semaphore, #tpu.memory_space<semaphore_mem>>)
    %dma_start3A_178 = arith.constant 2048 : i32
    %dma_start3A_179 = tpu.memref_slice %arg3[%multiple_of3A_173, %dma_start3A_178] : memref<8192x4096xf32, #tpu.memory_space<hbm>> -> memref<8x2048xf32, #tpu.memory_space<hbm>>
    %dma_start3A_180 = arith.constant 2048 : i32
    %dma_start3A_181 = tpu.memref_slice %arg3[%multiple_of3A_173, %dma_start3A_180] : memref<8192x4096xf32, #tpu.memory_space<hbm>> -> memref<8x2048xf32, #tpu.memory_space<hbm>>
    tpu.enqueue_dma source(%dma_start3A_181 : memref<8x2048xf32, #tpu.memory_space<hbm>>) target(%arg11 : memref<8x2048xf32, #tpu.memory_space<vmem>>) target_semaphore(%arg16 : memref<!tpu.dma_semaphore, #tpu.memory_space<semaphore_mem>>)
    %dma_start3A_182 = arith.constant 2048 : i32
    %dma_start3A_183 = tpu.memref_slice %arg4[%multiple_of3A_173, %dma_start3A_182] : memref<8192x4096xi32, #tpu.memory_space<hbm>> -> memref<8x2048xi32, #tpu.memory_space<hbm>>
    %dma_start3A_184 = arith.constant 2048 : i32
    %dma_start3A_185 = tpu.memref_slice %arg4[%multiple_of3A_173, %dma_start3A_184] : memref<8192x4096xi32, #tpu.memory_space<hbm>> -> memref<8x2048xi32, #tpu.memory_space<hbm>>
    tpu.enqueue_dma source(%dma_start3A_185 : memref<8x2048xi32, #tpu.memory_space<hbm>>) target(%arg12 : memref<8x2048xi32, #tpu.memory_space<vmem>>) target_semaphore(%arg16 : memref<!tpu.dma_semaphore, #tpu.memory_space<semaphore_mem>>)
    %dma_wait3A_186 = arith.constant 0 : i32
    %dma_wait3A_187 = arith.constant 0 : i32
    %dma_wait3A_188 = tpu.memref_slice %arg2[%dma_wait3A_186, %dma_wait3A_187] : memref<8192x4096xf32, #tpu.memory_space<hbm>> -> memref<8x2048xf32, #tpu.memory_space<hbm>>
    %dma_wait3A_189 = arith.constant 0 : i32
    %dma_wait3A_190 = arith.constant 0 : i32
    %dma_wait3A_191 = tpu.memref_slice %arg2[%dma_wait3A_189, %dma_wait3A_190] : memref<8192x4096xf32, #tpu.memory_space<hbm>> -> memref<8x2048xf32, #tpu.memory_space<hbm>>
    tpu.wait_dma2 semaphore(%arg15 : memref<!tpu.dma_semaphore, #tpu.memory_space<semaphore_mem>>) src(%dma_wait3A_191 : memref<8x2048xf32, #tpu.memory_space<hbm>>) dst(%arg7 : memref<8x2048xf32, #tpu.memory_space<vmem>>)
    %dma_wait3A_192 = arith.constant 0 : i32
    %dma_wait3A_193 = arith.constant 0 : i32
    %dma_wait3A_194 = tpu.memref_slice %arg3[%dma_wait3A_192, %dma_wait3A_193] : memref<8192x4096xf32, #tpu.memory_space<hbm>> -> memref<8x2048xf32, #tpu.memory_space<hbm>>
    %dma_wait3A_195 = arith.constant 0 : i32
    %dma_wait3A_196 = arith.constant 0 : i32
    %dma_wait3A_197 = tpu.memref_slice %arg3[%dma_wait3A_195, %dma_wait3A_196] : memref<8192x4096xf32, #tpu.memory_space<hbm>> -> memref<8x2048xf32, #tpu.memory_space<hbm>>
    tpu.wait_dma2 semaphore(%arg15 : memref<!tpu.dma_semaphore, #tpu.memory_space<semaphore_mem>>) src(%dma_wait3A_197 : memref<8x2048xf32, #tpu.memory_space<hbm>>) dst(%arg8 : memref<8x2048xf32, #tpu.memory_space<vmem>>)
    %dma_wait3A_198 = arith.constant 0 : i32
    %dma_wait3A_199 = arith.constant 0 : i32
    %dma_wait3A_200 = tpu.memref_slice %arg4[%dma_wait3A_198, %dma_wait3A_199] : memref<8192x4096xi32, #tpu.memory_space<hbm>> -> memref<8x2048xi32, #tpu.memory_space<hbm>>
    %dma_wait3A_201 = arith.constant 0 : i32
    %dma_wait3A_202 = arith.constant 0 : i32
    %dma_wait3A_203 = tpu.memref_slice %arg4[%dma_wait3A_201, %dma_wait3A_202] : memref<8192x4096xi32, #tpu.memory_space<hbm>> -> memref<8x2048xi32, #tpu.memory_space<hbm>>
    tpu.wait_dma2 semaphore(%arg15 : memref<!tpu.dma_semaphore, #tpu.memory_space<semaphore_mem>>) src(%dma_wait3A_203 : memref<8x2048xi32, #tpu.memory_space<hbm>>) dst(%arg9 : memref<8x2048xi32, #tpu.memory_space<vmem>>)
    %scan3A_204 = arith.constant 0 : i32
    %scan3A_205 = arith.constant 8 : i32
    %scan3A_206 = arith.addi %scan3A_204, %scan3A_205 : i32
    %scan3A_207 = arith.constant 1 : i32
    %scan3A_208:8 = scf.for %scan3A_325 = %scan3A_204 to %scan3A_206 step %scan3A_207 iter_args(%scan3A_326 = %scan3A_169#0, %scan3A_327 = %scan3A_169#1, %scan3A_328 = %scan3A_169#2, %scan3A_329 = %scan3A_169#3, %scan3A_330 = %scan3A_169#4, %scan3A_331 = %scan3A_169#5, %scan3A_332 = %scan3A_169#6, %scan3A_333 = %scan3A_169#7) -> (vector<16xf32>, vector<16xf32>, vector<16xf32>, vector<16xf32>, vector<16xf32>, vector<16xf32>, vector<16xf32>, vector<16xf32>)  : i32 {
      %scan3A_334 = arith.constant 0 : i32
      %scan3A_335 = arith.constant 32 : i32
      %scan3A_336 = arith.addi %scan3A_334, %scan3A_335 : i32
      %scan3A_337 = arith.constant 1 : i32
      %scan3A_338:8 = scf.for %scan3A_340 = %scan3A_334 to %scan3A_336 step %scan3A_337 iter_args(%scan3A_341 = %scan3A_326, %scan3A_342 = %scan3A_327, %scan3A_343 = %scan3A_328, %scan3A_344 = %scan3A_329, %scan3A_345 = %scan3A_330, %scan3A_346 = %scan3A_331, %scan3A_347 = %scan3A_332, %scan3A_348 = %scan3A_333) -> (vector<16xf32>, vector<16xf32>, vector<16xf32>, vector<16xf32>, vector<16xf32>, vector<16xf32>, vector<16xf32>, vector<16xf32>)  : i32 {
        %mul3A_349 = arith.constant 64 : i32
        %mul3A_350 = arith.muli %scan3A_340, %mul3A_349 : i32
        %add3A_351 = arith.constant 0 : i32
        %add3A_352 = arith.addi %mul3A_350, %add3A_351 : i32
        %get3A = arith.constant 0 : i32
        %get3A_353 = tpu.memref_slice %arg7[%scan3A_325, %get3A] : memref<8x2048xf32, #tpu.memory_space<vmem>> -> memref<1x2048xf32, #tpu.memory_space<vmem>>
        %get3A_354 = tpu.memref_squeeze %get3A_353 : memref<1x2048xf32, #tpu.memory_space<vmem>> -> memref<2048xf32, #tpu.memory_space<vmem>>
        %get3A_355 = arith.index_cast %add3A_352 : i32 to index
        %get3A_356 = tpu.vector_load %get3A_354[%get3A_355] {strides = array<i32>} : memref<2048xf32, #tpu.memory_space<vmem>>, vector<16xf32>,
        %get3A_357 = vector.shape_cast %get3A_356 : vector<16xf32> to vector<16xf32>
        %get3A_358 = arith.constant 0 : i32
        %get3A_359 = tpu.memref_slice %arg8[%scan3A_325, %get3A_358] : memref<8x2048xf32, #tpu.memory_space<vmem>> -> memref<1x2048xf32, #tpu.memory_space<vmem>>
        %get3A_360 = tpu.memref_squeeze %get3A_359 : memref<1x2048xf32, #tpu.memory_space<vmem>> -> memref<2048xf32, #tpu.memory_space<vmem>>
        %get3A_361 = arith.index_cast %add3A_352 : i32 to index
        %get3A_362 = tpu.vector_load %get3A_360[%get3A_361] {strides = array<i32>} : memref<2048xf32, #tpu.memory_space<vmem>>, vector<16xf32>,
        %get3A_363 = vector.shape_cast %get3A_362 : vector<16xf32> to vector<16xf32>
        %sub3A = arith.subf %get3A_357, %get3A_363 : vector<16xf32>
        %get3A_364 = arith.constant 0 : i32
        %get3A_365 = tpu.memref_slice %arg9[%scan3A_325, %get3A_364] : memref<8x2048xi32, #tpu.memory_space<vmem>> -> memref<1x2048xi32, #tpu.memory_space<vmem>>
        %get3A_366 = tpu.memref_squeeze %get3A_365 : memref<1x2048xi32, #tpu.memory_space<vmem>> -> memref<2048xi32, #tpu.memory_space<vmem>>
        %get3A_367 = arith.index_cast %add3A_352 : i32 to index
        %get3A_368 = tpu.vector_load %get3A_366[%get3A_367] {strides = array<i32>} : memref<2048xi32, #tpu.memory_space<vmem>>, vector<16xi32>,
        %get3A_369 = vector.shape_cast %get3A_368 : vector<16xi32> to vector<16xi32>
        %eq3A = arith.constant 1 : i32
        %eq3A_370 = vector.broadcast %eq3A : i32 to vector<16xi32>
        %eq3A_371 = arith.cmpi eq, %get3A_369, %eq3A_370 : vector<16xi32>
        %jit3A = arith.constant 0.000000e+00 : f32
        %broadcast_in_dim3A_372 = vector.broadcast %jit3A : f32 to vector<16xf32>
        %select_n3A = arith.select %eq3A_371, %sub3A, %broadcast_in_dim3A_372 : vector<16xi1>, vector<16xf32>
        %mul3A_373 = arith.mulf %select_n3A, %select_n3A : vector<16xf32>
        %add3A_374 = arith.addf %scan3A_341, %mul3A_373 : vector<16xf32>
        %jit3A_375 = arith.constant 1.000000e+00 : f32
        %jit3A_376 = arith.constant 0.000000e+00 : f32
        %broadcast_in_dim3A_377 = vector.broadcast %jit3A_375 : f32 to vector<16xf32>
        %broadcast_in_dim3A_378 = vector.broadcast %jit3A_376 : f32 to vector<16xf32>
        %select_n3A_379 = arith.select %eq3A_371, %broadcast_in_dim3A_377, %broadcast_in_dim3A_378 : vector<16xi1>, vector<16xf32>
        %add3A_380 = arith.addf %scan3A_345, %select_n3A_379 : vector<16xf32>
        %add3A_381 = arith.constant 16 : i32
        %add3A_382 = arith.addi %mul3A_350, %add3A_381 : i32
        %get3A_383 = arith.constant 0 : i32
        %get3A_384 = tpu.memref_slice %arg7[%scan3A_325, %get3A_383] : memref<8x2048xf32, #tpu.memory_space<vmem>> -> memref<1x2048xf32, #tpu.memory_space<vmem>>
        %get3A_385 = tpu.memref_squeeze %get3A_384 : memref<1x2048xf32, #tpu.memory_space<vmem>> -> memref<2048xf32, #tpu.memory_space<vmem>>
        %get3A_386 = arith.index_cast %add3A_382 : i32 to index
        %get3A_387 = tpu.vector_load %get3A_385[%get3A_386] {strides = array<i32>} : memref<2048xf32, #tpu.memory_space<vmem>>, vector<16xf32>,
        %get3A_388 = vector.shape_cast %get3A_387 : vector<16xf32> to vector<16xf32>
        %get3A_389 = arith.constant 0 : i32
        %get3A_390 = tpu.memref_slice %arg8[%scan3A_325, %get3A_389] : memref<8x2048xf32, #tpu.memory_space<vmem>> -> memref<1x2048xf32, #tpu.memory_space<vmem>>
        %get3A_391 = tpu.memref_squeeze %get3A_390 : memref<1x2048xf32, #tpu.memory_space<vmem>> -> memref<2048xf32, #tpu.memory_space<vmem>>
        %get3A_392 = arith.index_cast %add3A_382 : i32 to index
        %get3A_393 = tpu.vector_load %get3A_391[%get3A_392] {strides = array<i32>} : memref<2048xf32, #tpu.memory_space<vmem>>, vector<16xf32>,
        %get3A_394 = vector.shape_cast %get3A_393 : vector<16xf32> to vector<16xf32>
        %sub3A_395 = arith.subf %get3A_388, %get3A_394 : vector<16xf32>
        %get3A_396 = arith.constant 0 : i32
        %get3A_397 = tpu.memref_slice %arg9[%scan3A_325, %get3A_396] : memref<8x2048xi32, #tpu.memory_space<vmem>> -> memref<1x2048xi32, #tpu.memory_space<vmem>>
        %get3A_398 = tpu.memref_squeeze %get3A_397 : memref<1x2048xi32, #tpu.memory_space<vmem>> -> memref<2048xi32, #tpu.memory_space<vmem>>
        %get3A_399 = arith.index_cast %add3A_382 : i32 to index
        %get3A_400 = tpu.vector_load %get3A_398[%get3A_399] {strides = array<i32>} : memref<2048xi32, #tpu.memory_space<vmem>>, vector<16xi32>,
        %get3A_401 = vector.shape_cast %get3A_400 : vector<16xi32> to vector<16xi32>
        %eq3A_402 = arith.constant 1 : i32
        %eq3A_403 = vector.broadcast %eq3A_402 : i32 to vector<16xi32>
        %eq3A_404 = arith.cmpi eq, %get3A_401, %eq3A_403 : vector<16xi32>
        %jit3A_405 = arith.constant 0.000000e+00 : f32
        %broadcast_in_dim3A_406 = vector.broadcast %jit3A_405 : f32 to vector<16xf32>
        %select_n3A_407 = arith.select %eq3A_404, %sub3A_395, %broadcast_in_dim3A_406 : vector<16xi1>, vector<16xf32>
        %mul3A_408 = arith.mulf %select_n3A_407, %select_n3A_407 : vector<16xf32>
        %add3A_409 = arith.addf %scan3A_342, %mul3A_408 : vector<16xf32>
        %jit3A_410 = arith.constant 1.000000e+00 : f32
        %jit3A_411 = arith.constant 0.000000e+00 : f32
        %broadcast_in_dim3A_412 = vector.broadcast %jit3A_410 : f32 to vector<16xf32>
        %broadcast_in_dim3A_413 = vector.broadcast %jit3A_411 : f32 to vector<16xf32>
        %select_n3A_414 = arith.select %eq3A_404, %broadcast_in_dim3A_412, %broadcast_in_dim3A_413 : vector<16xi1>, vector<16xf32>
        %add3A_415 = arith.addf %scan3A_346, %select_n3A_414 : vector<16xf32>
        %add3A_416 = arith.constant 32 : i32
        %add3A_417 = arith.addi %mul3A_350, %add3A_416 : i32
        %get3A_418 = arith.constant 0 : i32
        %get3A_419 = tpu.memref_slice %arg7[%scan3A_325, %get3A_418] : memref<8x2048xf32, #tpu.memory_space<vmem>> -> memref<1x2048xf32, #tpu.memory_space<vmem>>
        %get3A_420 = tpu.memref_squeeze %get3A_419 : memref<1x2048xf32, #tpu.memory_space<vmem>> -> memref<2048xf32, #tpu.memory_space<vmem>>
        %get3A_421 = arith.index_cast %add3A_417 : i32 to index
        %get3A_422 = tpu.vector_load %get3A_420[%get3A_421] {strides = array<i32>} : memref<2048xf32, #tpu.memory_space<vmem>>, vector<16xf32>,
        %get3A_423 = vector.shape_cast %get3A_422 : vector<16xf32> to vector<16xf32>
        %get3A_424 = arith.constant 0 : i32
        %get3A_425 = tpu.memref_slice %arg8[%scan3A_325, %get3A_424] : memref<8x2048xf32, #tpu.memory_space<vmem>> -> memref<1x2048xf32, #tpu.memory_space<vmem>>
        %get3A_426 = tpu.memref_squeeze %get3A_425 : memref<1x2048xf32, #tpu.memory_space<vmem>> -> memref<2048xf32, #tpu.memory_space<vmem>>
        %get3A_427 = arith.index_cast %add3A_417 : i32 to index
        %get3A_428 = tpu.vector_load %get3A_426[%get3A_427] {strides = array<i32>} : memref<2048xf32, #tpu.memory_space<vmem>>, vector<16xf32>,
        %get3A_429 = vector.shape_cast %get3A_428 : vector<16xf32> to vector<16xf32>
        %sub3A_430 = arith.subf %get3A_423, %get3A_429 : vector<16xf32>
        %get3A_431 = arith.constant 0 : i32
        %get3A_432 = tpu.memref_slice %arg9[%scan3A_325, %get3A_431] : memref<8x2048xi32, #tpu.memory_space<vmem>> -> memref<1x2048xi32, #tpu.memory_space<vmem>>
        %get3A_433 = tpu.memref_squeeze %get3A_432 : memref<1x2048xi32, #tpu.memory_space<vmem>> -> memref<2048xi32, #tpu.memory_space<vmem>>
        %get3A_434 = arith.index_cast %add3A_417 : i32 to index
        %get3A_435 = tpu.vector_load %get3A_433[%get3A_434] {strides = array<i32>} : memref<2048xi32, #tpu.memory_space<vmem>>, vector<16xi32>,
        %get3A_436 = vector.shape_cast %get3A_435 : vector<16xi32> to vector<16xi32>
        %eq3A_437 = arith.constant 1 : i32
        %eq3A_438 = vector.broadcast %eq3A_437 : i32 to vector<16xi32>
        %eq3A_439 = arith.cmpi eq, %get3A_436, %eq3A_438 : vector<16xi32>
        %jit3A_440 = arith.constant 0.000000e+00 : f32
        %broadcast_in_dim3A_441 = vector.broadcast %jit3A_440 : f32 to vector<16xf32>
        %select_n3A_442 = arith.select %eq3A_439, %sub3A_430, %broadcast_in_dim3A_441 : vector<16xi1>, vector<16xf32>
        %mul3A_443 = arith.mulf %select_n3A_442, %select_n3A_442 : vector<16xf32>
        %add3A_444 = arith.addf %scan3A_343, %mul3A_443 : vector<16xf32>
        %jit3A_445 = arith.constant 1.000000e+00 : f32
        %jit3A_446 = arith.constant 0.000000e+00 : f32
        %broadcast_in_dim3A_447 = vector.broadcast %jit3A_445 : f32 to vector<16xf32>
        %broadcast_in_dim3A_448 = vector.broadcast %jit3A_446 : f32 to vector<16xf32>
        %select_n3A_449 = arith.select %eq3A_439, %broadcast_in_dim3A_447, %broadcast_in_dim3A_448 : vector<16xi1>, vector<16xf32>
        %add3A_450 = arith.addf %scan3A_347, %select_n3A_449 : vector<16xf32>
        %add3A_451 = arith.constant 48 : i32
        %add3A_452 = arith.addi %mul3A_350, %add3A_451 : i32
        %get3A_453 = arith.constant 0 : i32
        %get3A_454 = tpu.memref_slice %arg7[%scan3A_325, %get3A_453] : memref<8x2048xf32, #tpu.memory_space<vmem>> -> memref<1x2048xf32, #tpu.memory_space<vmem>>
        %get3A_455 = tpu.memref_squeeze %get3A_454 : memref<1x2048xf32, #tpu.memory_space<vmem>> -> memref<2048xf32, #tpu.memory_space<vmem>>
        %get3A_456 = arith.index_cast %add3A_452 : i32 to index
        %get3A_457 = tpu.vector_load %get3A_455[%get3A_456] {strides = array<i32>} : memref<2048xf32, #tpu.memory_space<vmem>>, vector<16xf32>,
        %get3A_458 = vector.shape_cast %get3A_457 : vector<16xf32> to vector<16xf32>
        %get3A_459 = arith.constant 0 : i32
        %get3A_460 = tpu.memref_slice %arg8[%scan3A_325, %get3A_459] : memref<8x2048xf32, #tpu.memory_space<vmem>> -> memref<1x2048xf32, #tpu.memory_space<vmem>>
        %get3A_461 = tpu.memref_squeeze %get3A_460 : memref<1x2048xf32, #tpu.memory_space<vmem>> -> memref<2048xf32, #tpu.memory_space<vmem>>
        %get3A_462 = arith.index_cast %add3A_452 : i32 to index
        %get3A_463 = tpu.vector_load %get3A_461[%get3A_462] {strides = array<i32>} : memref<2048xf32, #tpu.memory_space<vmem>>, vector<16xf32>,
        %get3A_464 = vector.shape_cast %get3A_463 : vector<16xf32> to vector<16xf32>
        %sub3A_465 = arith.subf %get3A_458, %get3A_464 : vector<16xf32>
        %get3A_466 = arith.constant 0 : i32
        %get3A_467 = tpu.memref_slice %arg9[%scan3A_325, %get3A_466] : memref<8x2048xi32, #tpu.memory_space<vmem>> -> memref<1x2048xi32, #tpu.memory_space<vmem>>
        %get3A_468 = tpu.memref_squeeze %get3A_467 : memref<1x2048xi32, #tpu.memory_space<vmem>> -> memref<2048xi32, #tpu.memory_space<vmem>>
        %get3A_469 = arith.index_cast %add3A_452 : i32 to index
        %get3A_470 = tpu.vector_load %get3A_468[%get3A_469] {strides = array<i32>} : memref<2048xi32, #tpu.memory_space<vmem>>, vector<16xi32>,
        %get3A_471 = vector.shape_cast %get3A_470 : vector<16xi32> to vector<16xi32>
        %eq3A_472 = arith.constant 1 : i32
        %eq3A_473 = vector.broadcast %eq3A_472 : i32 to vector<16xi32>
        %eq3A_474 = arith.cmpi eq, %get3A_471, %eq3A_473 : vector<16xi32>
        %jit3A_475 = arith.constant 0.000000e+00 : f32
        %broadcast_in_dim3A_476 = vector.broadcast %jit3A_475 : f32 to vector<16xf32>
        %select_n3A_477 = arith.select %eq3A_474, %sub3A_465, %broadcast_in_dim3A_476 : vector<16xi1>, vector<16xf32>
        %mul3A_478 = arith.mulf %select_n3A_477, %select_n3A_477 : vector<16xf32>
        %add3A_479 = arith.addf %scan3A_344, %mul3A_478 : vector<16xf32>
        %jit3A_480 = arith.constant 1.000000e+00 : f32
        %jit3A_481 = arith.constant 0.000000e+00 : f32
        %broadcast_in_dim3A_482 = vector.broadcast %jit3A_480 : f32 to vector<16xf32>
        %broadcast_in_dim3A_483 = vector.broadcast %jit3A_481 : f32 to vector<16xf32>
        %select_n3A_484 = arith.select %eq3A_474, %broadcast_in_dim3A_482, %broadcast_in_dim3A_483 : vector<16xi1>, vector<16xf32>
        %add3A_485 = arith.addf %scan3A_348, %select_n3A_484 : vector<16xf32>
        scf.yield %add3A_374, %add3A_409, %add3A_444, %add3A_479, %add3A_380, %add3A_415, %add3A_450, %add3A_485 : vector<16xf32>, vector<16xf32>, vector<16xf32>, vector<16xf32>, vector<16xf32>, vector<16xf32>, vector<16xf32>, vector<16xf32>
      }
      %scan3A_339 = arith.constant 32 : i32
      scf.yield %scan3A_338#0, %scan3A_338#1, %scan3A_338#2, %scan3A_338#3, %scan3A_338#4, %scan3A_338#5, %scan3A_338#6, %scan3A_338#7 : vector<16xf32>, vector<16xf32>, vector<16xf32>, vector<16xf32>, vector<16xf32>, vector<16xf32>, vector<16xf32>, vector<16xf32>
    }
    %scan3A_209 = arith.constant 8 : i32
    %add3A_210 = arith.constant 24 : i32
    %add3A_211 = arith.addi %mul3A_2, %add3A_210 : i32
    %multiple_of3A_212 = tpu.assume_multiple %add3A_211, 8 : i32
    %dma_start3A_213 = arith.constant 0 : i32
    %dma_start3A_214 = tpu.memref_slice %arg2[%multiple_of3A_212, %dma_start3A_213] : memref<8192x4096xf32, #tpu.memory_space<hbm>> -> memref<8x2048xf32, #tpu.memory_space<hbm>>
    %dma_start3A_215 = arith.constant 0 : i32
    %dma_start3A_216 = tpu.memref_slice %arg2[%multiple_of3A_212, %dma_start3A_215] : memref<8192x4096xf32, #tpu.memory_space<hbm>> -> memref<8x2048xf32, #tpu.memory_space<hbm>>
    tpu.enqueue_dma source(%dma_start3A_216 : memref<8x2048xf32, #tpu.memory_space<hbm>>) target(%arg7 : memref<8x2048xf32, #tpu.memory_space<vmem>>) target_semaphore(%arg15 : memref<!tpu.dma_semaphore, #tpu.memory_space<semaphore_mem>>)
    %dma_start3A_217 = arith.constant 0 : i32
    %dma_start3A_218 = tpu.memref_slice %arg3[%multiple_of3A_212, %dma_start3A_217] : memref<8192x4096xf32, #tpu.memory_space<hbm>> -> memref<8x2048xf32, #tpu.memory_space<hbm>>
    %dma_start3A_219 = arith.constant 0 : i32
    %dma_start3A_220 = tpu.memref_slice %arg3[%multiple_of3A_212, %dma_start3A_219] : memref<8192x4096xf32, #tpu.memory_space<hbm>> -> memref<8x2048xf32, #tpu.memory_space<hbm>>
    tpu.enqueue_dma source(%dma_start3A_220 : memref<8x2048xf32, #tpu.memory_space<hbm>>) target(%arg8 : memref<8x2048xf32, #tpu.memory_space<vmem>>) target_semaphore(%arg15 : memref<!tpu.dma_semaphore, #tpu.memory_space<semaphore_mem>>)
    %dma_start3A_221 = arith.constant 0 : i32
    %dma_start3A_222 = tpu.memref_slice %arg4[%multiple_of3A_212, %dma_start3A_221] : memref<8192x4096xi32, #tpu.memory_space<hbm>> -> memref<8x2048xi32, #tpu.memory_space<hbm>>
    %dma_start3A_223 = arith.constant 0 : i32
    %dma_start3A_224 = tpu.memref_slice %arg4[%multiple_of3A_212, %dma_start3A_223] : memref<8192x4096xi32, #tpu.memory_space<hbm>> -> memref<8x2048xi32, #tpu.memory_space<hbm>>
    tpu.enqueue_dma source(%dma_start3A_224 : memref<8x2048xi32, #tpu.memory_space<hbm>>) target(%arg9 : memref<8x2048xi32, #tpu.memory_space<vmem>>) target_semaphore(%arg15 : memref<!tpu.dma_semaphore, #tpu.memory_space<semaphore_mem>>)
    %dma_wait3A_225 = arith.constant 0 : i32
    %dma_wait3A_226 = arith.constant 0 : i32
    %dma_wait3A_227 = tpu.memref_slice %arg2[%dma_wait3A_225, %dma_wait3A_226] : memref<8192x4096xf32, #tpu.memory_space<hbm>> -> memref<8x2048xf32, #tpu.memory_space<hbm>>
    %dma_wait3A_228 = arith.constant 0 : i32
    %dma_wait3A_229 = arith.constant 0 : i32
    %dma_wait3A_230 = tpu.memref_slice %arg2[%dma_wait3A_228, %dma_wait3A_229] : memref<8192x4096xf32, #tpu.memory_space<hbm>> -> memref<8x2048xf32, #tpu.memory_space<hbm>>
    tpu.wait_dma2 semaphore(%arg16 : memref<!tpu.dma_semaphore, #tpu.memory_space<semaphore_mem>>) src(%dma_wait3A_230 : memref<8x2048xf32, #tpu.memory_space<hbm>>) dst(%arg10 : memref<8x2048xf32, #tpu.memory_space<vmem>>)
    %dma_wait3A_231 = arith.constant 0 : i32
    %dma_wait3A_232 = arith.constant 0 : i32
    %dma_wait3A_233 = tpu.memref_slice %arg3[%dma_wait3A_231, %dma_wait3A_232] : memref<8192x4096xf32, #tpu.memory_space<hbm>> -> memref<8x2048xf32, #tpu.memory_space<hbm>>
    %dma_wait3A_234 = arith.constant 0 : i32
    %dma_wait3A_235 = arith.constant 0 : i32
    %dma_wait3A_236 = tpu.memref_slice %arg3[%dma_wait3A_234, %dma_wait3A_235] : memref<8192x4096xf32, #tpu.memory_space<hbm>> -> memref<8x2048xf32, #tpu.memory_space<hbm>>
    tpu.wait_dma2 semaphore(%arg16 : memref<!tpu.dma_semaphore, #tpu.memory_space<semaphore_mem>>) src(%dma_wait3A_236 : memref<8x2048xf32, #tpu.memory_space<hbm>>) dst(%arg11 : memref<8x2048xf32, #tpu.memory_space<vmem>>)
    %dma_wait3A_237 = arith.constant 0 : i32
    %dma_wait3A_238 = arith.constant 0 : i32
    %dma_wait3A_239 = tpu.memref_slice %arg4[%dma_wait3A_237, %dma_wait3A_238] : memref<8192x4096xi32, #tpu.memory_space<hbm>> -> memref<8x2048xi32, #tpu.memory_space<hbm>>
    %dma_wait3A_240 = arith.constant 0 : i32
    %dma_wait3A_241 = arith.constant 0 : i32
    %dma_wait3A_242 = tpu.memref_slice %arg4[%dma_wait3A_240, %dma_wait3A_241] : memref<8192x4096xi32, #tpu.memory_space<hbm>> -> memref<8x2048xi32, #tpu.memory_space<hbm>>
    tpu.wait_dma2 semaphore(%arg16 : memref<!tpu.dma_semaphore, #tpu.memory_space<semaphore_mem>>) src(%dma_wait3A_242 : memref<8x2048xi32, #tpu.memory_space<hbm>>) dst(%arg12 : memref<8x2048xi32, #tpu.memory_space<vmem>>)
    %scan3A_243 = arith.constant 0 : i32
    %scan3A_244 = arith.constant 8 : i32
    %scan3A_245 = arith.addi %scan3A_243, %scan3A_244 : i32
    %scan3A_246 = arith.constant 1 : i32
    %scan3A_247:8 = scf.for %scan3A_325 = %scan3A_243 to %scan3A_245 step %scan3A_246 iter_args(%scan3A_326 = %scan3A_208#0, %scan3A_327 = %scan3A_208#1, %scan3A_328 = %scan3A_208#2, %scan3A_329 = %scan3A_208#3, %scan3A_330 = %scan3A_208#4, %scan3A_331 = %scan3A_208#5, %scan3A_332 = %scan3A_208#6, %scan3A_333 = %scan3A_208#7) -> (vector<16xf32>, vector<16xf32>, vector<16xf32>, vector<16xf32>, vector<16xf32>, vector<16xf32>, vector<16xf32>, vector<16xf32>)  : i32 {
      %scan3A_334 = arith.constant 0 : i32
      %scan3A_335 = arith.constant 32 : i32
      %scan3A_336 = arith.addi %scan3A_334, %scan3A_335 : i32
      %scan3A_337 = arith.constant 1 : i32
      %scan3A_338:8 = scf.for %scan3A_340 = %scan3A_334 to %scan3A_336 step %scan3A_337 iter_args(%scan3A_341 = %scan3A_326, %scan3A_342 = %scan3A_327, %scan3A_343 = %scan3A_328, %scan3A_344 = %scan3A_329, %scan3A_345 = %scan3A_330, %scan3A_346 = %scan3A_331, %scan3A_347 = %scan3A_332, %scan3A_348 = %scan3A_333) -> (vector<16xf32>, vector<16xf32>, vector<16xf32>, vector<16xf32>, vector<16xf32>, vector<16xf32>, vector<16xf32>, vector<16xf32>)  : i32 {
        %mul3A_349 = arith.constant 64 : i32
        %mul3A_350 = arith.muli %scan3A_340, %mul3A_349 : i32
        %add3A_351 = arith.constant 0 : i32
        %add3A_352 = arith.addi %mul3A_350, %add3A_351 : i32
        %get3A = arith.constant 0 : i32
        %get3A_353 = tpu.memref_slice %arg10[%scan3A_325, %get3A] : memref<8x2048xf32, #tpu.memory_space<vmem>> -> memref<1x2048xf32, #tpu.memory_space<vmem>>
        %get3A_354 = tpu.memref_squeeze %get3A_353 : memref<1x2048xf32, #tpu.memory_space<vmem>> -> memref<2048xf32, #tpu.memory_space<vmem>>
        %get3A_355 = arith.index_cast %add3A_352 : i32 to index
        %get3A_356 = tpu.vector_load %get3A_354[%get3A_355] {strides = array<i32>} : memref<2048xf32, #tpu.memory_space<vmem>>, vector<16xf32>,
        %get3A_357 = vector.shape_cast %get3A_356 : vector<16xf32> to vector<16xf32>
        %get3A_358 = arith.constant 0 : i32
        %get3A_359 = tpu.memref_slice %arg11[%scan3A_325, %get3A_358] : memref<8x2048xf32, #tpu.memory_space<vmem>> -> memref<1x2048xf32, #tpu.memory_space<vmem>>
        %get3A_360 = tpu.memref_squeeze %get3A_359 : memref<1x2048xf32, #tpu.memory_space<vmem>> -> memref<2048xf32, #tpu.memory_space<vmem>>
        %get3A_361 = arith.index_cast %add3A_352 : i32 to index
        %get3A_362 = tpu.vector_load %get3A_360[%get3A_361] {strides = array<i32>} : memref<2048xf32, #tpu.memory_space<vmem>>, vector<16xf32>,
        %get3A_363 = vector.shape_cast %get3A_362 : vector<16xf32> to vector<16xf32>
        %sub3A = arith.subf %get3A_357, %get3A_363 : vector<16xf32>
        %get3A_364 = arith.constant 0 : i32
        %get3A_365 = tpu.memref_slice %arg12[%scan3A_325, %get3A_364] : memref<8x2048xi32, #tpu.memory_space<vmem>> -> memref<1x2048xi32, #tpu.memory_space<vmem>>
        %get3A_366 = tpu.memref_squeeze %get3A_365 : memref<1x2048xi32, #tpu.memory_space<vmem>> -> memref<2048xi32, #tpu.memory_space<vmem>>
        %get3A_367 = arith.index_cast %add3A_352 : i32 to index
        %get3A_368 = tpu.vector_load %get3A_366[%get3A_367] {strides = array<i32>} : memref<2048xi32, #tpu.memory_space<vmem>>, vector<16xi32>,
        %get3A_369 = vector.shape_cast %get3A_368 : vector<16xi32> to vector<16xi32>
        %eq3A = arith.constant 1 : i32
        %eq3A_370 = vector.broadcast %eq3A : i32 to vector<16xi32>
        %eq3A_371 = arith.cmpi eq, %get3A_369, %eq3A_370 : vector<16xi32>
        %jit3A = arith.constant 0.000000e+00 : f32
        %broadcast_in_dim3A_372 = vector.broadcast %jit3A : f32 to vector<16xf32>
        %select_n3A = arith.select %eq3A_371, %sub3A, %broadcast_in_dim3A_372 : vector<16xi1>, vector<16xf32>
        %mul3A_373 = arith.mulf %select_n3A, %select_n3A : vector<16xf32>
        %add3A_374 = arith.addf %scan3A_341, %mul3A_373 : vector<16xf32>
        %jit3A_375 = arith.constant 1.000000e+00 : f32
        %jit3A_376 = arith.constant 0.000000e+00 : f32
        %broadcast_in_dim3A_377 = vector.broadcast %jit3A_375 : f32 to vector<16xf32>
        %broadcast_in_dim3A_378 = vector.broadcast %jit3A_376 : f32 to vector<16xf32>
        %select_n3A_379 = arith.select %eq3A_371, %broadcast_in_dim3A_377, %broadcast_in_dim3A_378 : vector<16xi1>, vector<16xf32>
        %add3A_380 = arith.addf %scan3A_345, %select_n3A_379 : vector<16xf32>
        %add3A_381 = arith.constant 16 : i32
        %add3A_382 = arith.addi %mul3A_350, %add3A_381 : i32
        %get3A_383 = arith.constant 0 : i32
        %get3A_384 = tpu.memref_slice %arg10[%scan3A_325, %get3A_383] : memref<8x2048xf32, #tpu.memory_space<vmem>> -> memref<1x2048xf32, #tpu.memory_space<vmem>>
        %get3A_385 = tpu.memref_squeeze %get3A_384 : memref<1x2048xf32, #tpu.memory_space<vmem>> -> memref<2048xf32, #tpu.memory_space<vmem>>
        %get3A_386 = arith.index_cast %add3A_382 : i32 to index
        %get3A_387 = tpu.vector_load %get3A_385[%get3A_386] {strides = array<i32>} : memref<2048xf32, #tpu.memory_space<vmem>>, vector<16xf32>,
        %get3A_388 = vector.shape_cast %get3A_387 : vector<16xf32> to vector<16xf32>
        %get3A_389 = arith.constant 0 : i32
        %get3A_390 = tpu.memref_slice %arg11[%scan3A_325, %get3A_389] : memref<8x2048xf32, #tpu.memory_space<vmem>> -> memref<1x2048xf32, #tpu.memory_space<vmem>>
        %get3A_391 = tpu.memref_squeeze %get3A_390 : memref<1x2048xf32, #tpu.memory_space<vmem>> -> memref<2048xf32, #tpu.memory_space<vmem>>
        %get3A_392 = arith.index_cast %add3A_382 : i32 to index
        %get3A_393 = tpu.vector_load %get3A_391[%get3A_392] {strides = array<i32>} : memref<2048xf32, #tpu.memory_space<vmem>>, vector<16xf32>,
        %get3A_394 = vector.shape_cast %get3A_393 : vector<16xf32> to vector<16xf32>
        %sub3A_395 = arith.subf %get3A_388, %get3A_394 : vector<16xf32>
        %get3A_396 = arith.constant 0 : i32
        %get3A_397 = tpu.memref_slice %arg12[%scan3A_325, %get3A_396] : memref<8x2048xi32, #tpu.memory_space<vmem>> -> memref<1x2048xi32, #tpu.memory_space<vmem>>
        %get3A_398 = tpu.memref_squeeze %get3A_397 : memref<1x2048xi32, #tpu.memory_space<vmem>> -> memref<2048xi32, #tpu.memory_space<vmem>>
        %get3A_399 = arith.index_cast %add3A_382 : i32 to index
        %get3A_400 = tpu.vector_load %get3A_398[%get3A_399] {strides = array<i32>} : memref<2048xi32, #tpu.memory_space<vmem>>, vector<16xi32>,
        %get3A_401 = vector.shape_cast %get3A_400 : vector<16xi32> to vector<16xi32>
        %eq3A_402 = arith.constant 1 : i32
        %eq3A_403 = vector.broadcast %eq3A_402 : i32 to vector<16xi32>
        %eq3A_404 = arith.cmpi eq, %get3A_401, %eq3A_403 : vector<16xi32>
        %jit3A_405 = arith.constant 0.000000e+00 : f32
        %broadcast_in_dim3A_406 = vector.broadcast %jit3A_405 : f32 to vector<16xf32>
        %select_n3A_407 = arith.select %eq3A_404, %sub3A_395, %broadcast_in_dim3A_406 : vector<16xi1>, vector<16xf32>
        %mul3A_408 = arith.mulf %select_n3A_407, %select_n3A_407 : vector<16xf32>
        %add3A_409 = arith.addf %scan3A_342, %mul3A_408 : vector<16xf32>
        %jit3A_410 = arith.constant 1.000000e+00 : f32
        %jit3A_411 = arith.constant 0.000000e+00 : f32
        %broadcast_in_dim3A_412 = vector.broadcast %jit3A_410 : f32 to vector<16xf32>
        %broadcast_in_dim3A_413 = vector.broadcast %jit3A_411 : f32 to vector<16xf32>
        %select_n3A_414 = arith.select %eq3A_404, %broadcast_in_dim3A_412, %broadcast_in_dim3A_413 : vector<16xi1>, vector<16xf32>
        %add3A_415 = arith.addf %scan3A_346, %select_n3A_414 : vector<16xf32>
        %add3A_416 = arith.constant 32 : i32
        %add3A_417 = arith.addi %mul3A_350, %add3A_416 : i32
        %get3A_418 = arith.constant 0 : i32
        %get3A_419 = tpu.memref_slice %arg10[%scan3A_325, %get3A_418] : memref<8x2048xf32, #tpu.memory_space<vmem>> -> memref<1x2048xf32, #tpu.memory_space<vmem>>
        %get3A_420 = tpu.memref_squeeze %get3A_419 : memref<1x2048xf32, #tpu.memory_space<vmem>> -> memref<2048xf32, #tpu.memory_space<vmem>>
        %get3A_421 = arith.index_cast %add3A_417 : i32 to index
        %get3A_422 = tpu.vector_load %get3A_420[%get3A_421] {strides = array<i32>} : memref<2048xf32, #tpu.memory_space<vmem>>, vector<16xf32>,
        %get3A_423 = vector.shape_cast %get3A_422 : vector<16xf32> to vector<16xf32>
        %get3A_424 = arith.constant 0 : i32
        %get3A_425 = tpu.memref_slice %arg11[%scan3A_325, %get3A_424] : memref<8x2048xf32, #tpu.memory_space<vmem>> -> memref<1x2048xf32, #tpu.memory_space<vmem>>
        %get3A_426 = tpu.memref_squeeze %get3A_425 : memref<1x2048xf32, #tpu.memory_space<vmem>> -> memref<2048xf32, #tpu.memory_space<vmem>>
        %get3A_427 = arith.index_cast %add3A_417 : i32 to index
        %get3A_428 = tpu.vector_load %get3A_426[%get3A_427] {strides = array<i32>} : memref<2048xf32, #tpu.memory_space<vmem>>, vector<16xf32>,
        %get3A_429 = vector.shape_cast %get3A_428 : vector<16xf32> to vector<16xf32>
        %sub3A_430 = arith.subf %get3A_423, %get3A_429 : vector<16xf32>
        %get3A_431 = arith.constant 0 : i32
        %get3A_432 = tpu.memref_slice %arg12[%scan3A_325, %get3A_431] : memref<8x2048xi32, #tpu.memory_space<vmem>> -> memref<1x2048xi32, #tpu.memory_space<vmem>>
        %get3A_433 = tpu.memref_squeeze %get3A_432 : memref<1x2048xi32, #tpu.memory_space<vmem>> -> memref<2048xi32, #tpu.memory_space<vmem>>
        %get3A_434 = arith.index_cast %add3A_417 : i32 to index
        %get3A_435 = tpu.vector_load %get3A_433[%get3A_434] {strides = array<i32>} : memref<2048xi32, #tpu.memory_space<vmem>>, vector<16xi32>,
        %get3A_436 = vector.shape_cast %get3A_435 : vector<16xi32> to vector<16xi32>
        %eq3A_437 = arith.constant 1 : i32
        %eq3A_438 = vector.broadcast %eq3A_437 : i32 to vector<16xi32>
        %eq3A_439 = arith.cmpi eq, %get3A_436, %eq3A_438 : vector<16xi32>
        %jit3A_440 = arith.constant 0.000000e+00 : f32
        %broadcast_in_dim3A_441 = vector.broadcast %jit3A_440 : f32 to vector<16xf32>
        %select_n3A_442 = arith.select %eq3A_439, %sub3A_430, %broadcast_in_dim3A_441 : vector<16xi1>, vector<16xf32>
        %mul3A_443 = arith.mulf %select_n3A_442, %select_n3A_442 : vector<16xf32>
        %add3A_444 = arith.addf %scan3A_343, %mul3A_443 : vector<16xf32>
        %jit3A_445 = arith.constant 1.000000e+00 : f32
        %jit3A_446 = arith.constant 0.000000e+00 : f32
        %broadcast_in_dim3A_447 = vector.broadcast %jit3A_445 : f32 to vector<16xf32>
        %broadcast_in_dim3A_448 = vector.broadcast %jit3A_446 : f32 to vector<16xf32>
        %select_n3A_449 = arith.select %eq3A_439, %broadcast_in_dim3A_447, %broadcast_in_dim3A_448 : vector<16xi1>, vector<16xf32>
        %add3A_450 = arith.addf %scan3A_347, %select_n3A_449 : vector<16xf32>
        %add3A_451 = arith.constant 48 : i32
        %add3A_452 = arith.addi %mul3A_350, %add3A_451 : i32
        %get3A_453 = arith.constant 0 : i32
        %get3A_454 = tpu.memref_slice %arg10[%scan3A_325, %get3A_453] : memref<8x2048xf32, #tpu.memory_space<vmem>> -> memref<1x2048xf32, #tpu.memory_space<vmem>>
        %get3A_455 = tpu.memref_squeeze %get3A_454 : memref<1x2048xf32, #tpu.memory_space<vmem>> -> memref<2048xf32, #tpu.memory_space<vmem>>
        %get3A_456 = arith.index_cast %add3A_452 : i32 to index
        %get3A_457 = tpu.vector_load %get3A_455[%get3A_456] {strides = array<i32>} : memref<2048xf32, #tpu.memory_space<vmem>>, vector<16xf32>,
        %get3A_458 = vector.shape_cast %get3A_457 : vector<16xf32> to vector<16xf32>
        %get3A_459 = arith.constant 0 : i32
        %get3A_460 = tpu.memref_slice %arg11[%scan3A_325, %get3A_459] : memref<8x2048xf32, #tpu.memory_space<vmem>> -> memref<1x2048xf32, #tpu.memory_space<vmem>>
        %get3A_461 = tpu.memref_squeeze %get3A_460 : memref<1x2048xf32, #tpu.memory_space<vmem>> -> memref<2048xf32, #tpu.memory_space<vmem>>
        %get3A_462 = arith.index_cast %add3A_452 : i32 to index
        %get3A_463 = tpu.vector_load %get3A_461[%get3A_462] {strides = array<i32>} : memref<2048xf32, #tpu.memory_space<vmem>>, vector<16xf32>,
        %get3A_464 = vector.shape_cast %get3A_463 : vector<16xf32> to vector<16xf32>
        %sub3A_465 = arith.subf %get3A_458, %get3A_464 : vector<16xf32>
        %get3A_466 = arith.constant 0 : i32
        %get3A_467 = tpu.memref_slice %arg12[%scan3A_325, %get3A_466] : memref<8x2048xi32, #tpu.memory_space<vmem>> -> memref<1x2048xi32, #tpu.memory_space<vmem>>
        %get3A_468 = tpu.memref_squeeze %get3A_467 : memref<1x2048xi32, #tpu.memory_space<vmem>> -> memref<2048xi32, #tpu.memory_space<vmem>>
        %get3A_469 = arith.index_cast %add3A_452 : i32 to index
        %get3A_470 = tpu.vector_load %get3A_468[%get3A_469] {strides = array<i32>} : memref<2048xi32, #tpu.memory_space<vmem>>, vector<16xi32>,
        %get3A_471 = vector.shape_cast %get3A_470 : vector<16xi32> to vector<16xi32>
        %eq3A_472 = arith.constant 1 : i32
        %eq3A_473 = vector.broadcast %eq3A_472 : i32 to vector<16xi32>
        %eq3A_474 = arith.cmpi eq, %get3A_471, %eq3A_473 : vector<16xi32>
        %jit3A_475 = arith.constant 0.000000e+00 : f32
        %broadcast_in_dim3A_476 = vector.broadcast %jit3A_475 : f32 to vector<16xf32>
        %select_n3A_477 = arith.select %eq3A_474, %sub3A_465, %broadcast_in_dim3A_476 : vector<16xi1>, vector<16xf32>
        %mul3A_478 = arith.mulf %select_n3A_477, %select_n3A_477 : vector<16xf32>
        %add3A_479 = arith.addf %scan3A_344, %mul3A_478 : vector<16xf32>
        %jit3A_480 = arith.constant 1.000000e+00 : f32
        %jit3A_481 = arith.constant 0.000000e+00 : f32
        %broadcast_in_dim3A_482 = vector.broadcast %jit3A_480 : f32 to vector<16xf32>
        %broadcast_in_dim3A_483 = vector.broadcast %jit3A_481 : f32 to vector<16xf32>
        %select_n3A_484 = arith.select %eq3A_474, %broadcast_in_dim3A_482, %broadcast_in_dim3A_483 : vector<16xi1>, vector<16xf32>
        %add3A_485 = arith.addf %scan3A_348, %select_n3A_484 : vector<16xf32>
        scf.yield %add3A_374, %add3A_409, %add3A_444, %add3A_479, %add3A_380, %add3A_415, %add3A_450, %add3A_485 : vector<16xf32>, vector<16xf32>, vector<16xf32>, vector<16xf32>, vector<16xf32>, vector<16xf32>, vector<16xf32>, vector<16xf32>
      }
      %scan3A_339 = arith.constant 32 : i32
      scf.yield %scan3A_338#0, %scan3A_338#1, %scan3A_338#2, %scan3A_338#3, %scan3A_338#4, %scan3A_338#5, %scan3A_338#6, %scan3A_338#7 : vector<16xf32>, vector<16xf32>, vector<16xf32>, vector<16xf32>, vector<16xf32>, vector<16xf32>, vector<16xf32>, vector<16xf32>
    }
    %scan3A_248 = arith.constant 8 : i32
    %add3A_249 = arith.constant 24 : i32
    %add3A_250 = arith.addi %mul3A_2, %add3A_249 : i32
    %multiple_of3A_251 = tpu.assume_multiple %add3A_250, 8 : i32
    %dma_start3A_252 = arith.constant 2048 : i32
    %dma_start3A_253 = tpu.memref_slice %arg2[%multiple_of3A_251, %dma_start3A_252] : memref<8192x4096xf32, #tpu.memory_space<hbm>> -> memref<8x2048xf32, #tpu.memory_space<hbm>>
    %dma_start3A_254 = arith.constant 2048 : i32
    %dma_start3A_255 = tpu.memref_slice %arg2[%multiple_of3A_251, %dma_start3A_254] : memref<8192x4096xf32, #tpu.memory_space<hbm>> -> memref<8x2048xf32, #tpu.memory_space<hbm>>
    tpu.enqueue_dma source(%dma_start3A_255 : memref<8x2048xf32, #tpu.memory_space<hbm>>) target(%arg10 : memref<8x2048xf32, #tpu.memory_space<vmem>>) target_semaphore(%arg16 : memref<!tpu.dma_semaphore, #tpu.memory_space<semaphore_mem>>)
    %dma_start3A_256 = arith.constant 2048 : i32
    %dma_start3A_257 = tpu.memref_slice %arg3[%multiple_of3A_251, %dma_start3A_256] : memref<8192x4096xf32, #tpu.memory_space<hbm>> -> memref<8x2048xf32, #tpu.memory_space<hbm>>
    %dma_start3A_258 = arith.constant 2048 : i32
    %dma_start3A_259 = tpu.memref_slice %arg3[%multiple_of3A_251, %dma_start3A_258] : memref<8192x4096xf32, #tpu.memory_space<hbm>> -> memref<8x2048xf32, #tpu.memory_space<hbm>>
    tpu.enqueue_dma source(%dma_start3A_259 : memref<8x2048xf32, #tpu.memory_space<hbm>>) target(%arg11 : memref<8x2048xf32, #tpu.memory_space<vmem>>) target_semaphore(%arg16 : memref<!tpu.dma_semaphore, #tpu.memory_space<semaphore_mem>>)
    %dma_start3A_260 = arith.constant 2048 : i32
    %dma_start3A_261 = tpu.memref_slice %arg4[%multiple_of3A_251, %dma_start3A_260] : memref<8192x4096xi32, #tpu.memory_space<hbm>> -> memref<8x2048xi32, #tpu.memory_space<hbm>>
    %dma_start3A_262 = arith.constant 2048 : i32
    %dma_start3A_263 = tpu.memref_slice %arg4[%multiple_of3A_251, %dma_start3A_262] : memref<8192x4096xi32, #tpu.memory_space<hbm>> -> memref<8x2048xi32, #tpu.memory_space<hbm>>
    tpu.enqueue_dma source(%dma_start3A_263 : memref<8x2048xi32, #tpu.memory_space<hbm>>) target(%arg12 : memref<8x2048xi32, #tpu.memory_space<vmem>>) target_semaphore(%arg16 : memref<!tpu.dma_semaphore, #tpu.memory_space<semaphore_mem>>)
    %dma_wait3A_264 = arith.constant 0 : i32
    %dma_wait3A_265 = arith.constant 0 : i32
    %dma_wait3A_266 = tpu.memref_slice %arg2[%dma_wait3A_264, %dma_wait3A_265] : memref<8192x4096xf32, #tpu.memory_space<hbm>> -> memref<8x2048xf32, #tpu.memory_space<hbm>>
    %dma_wait3A_267 = arith.constant 0 : i32
    %dma_wait3A_268 = arith.constant 0 : i32
    %dma_wait3A_269 = tpu.memref_slice %arg2[%dma_wait3A_267, %dma_wait3A_268] : memref<8192x4096xf32, #tpu.memory_space<hbm>> -> memref<8x2048xf32, #tpu.memory_space<hbm>>
    tpu.wait_dma2 semaphore(%arg15 : memref<!tpu.dma_semaphore, #tpu.memory_space<semaphore_mem>>) src(%dma_wait3A_269 : memref<8x2048xf32, #tpu.memory_space<hbm>>) dst(%arg7 : memref<8x2048xf32, #tpu.memory_space<vmem>>)
    %dma_wait3A_270 = arith.constant 0 : i32
    %dma_wait3A_271 = arith.constant 0 : i32
    %dma_wait3A_272 = tpu.memref_slice %arg3[%dma_wait3A_270, %dma_wait3A_271] : memref<8192x4096xf32, #tpu.memory_space<hbm>> -> memref<8x2048xf32, #tpu.memory_space<hbm>>
    %dma_wait3A_273 = arith.constant 0 : i32
    %dma_wait3A_274 = arith.constant 0 : i32
    %dma_wait3A_275 = tpu.memref_slice %arg3[%dma_wait3A_273, %dma_wait3A_274] : memref<8192x4096xf32, #tpu.memory_space<hbm>> -> memref<8x2048xf32, #tpu.memory_space<hbm>>
    tpu.wait_dma2 semaphore(%arg15 : memref<!tpu.dma_semaphore, #tpu.memory_space<semaphore_mem>>) src(%dma_wait3A_275 : memref<8x2048xf32, #tpu.memory_space<hbm>>) dst(%arg8 : memref<8x2048xf32, #tpu.memory_space<vmem>>)
    %dma_wait3A_276 = arith.constant 0 : i32
    %dma_wait3A_277 = arith.constant 0 : i32
    %dma_wait3A_278 = tpu.memref_slice %arg4[%dma_wait3A_276, %dma_wait3A_277] : memref<8192x4096xi32, #tpu.memory_space<hbm>> -> memref<8x2048xi32, #tpu.memory_space<hbm>>
    %dma_wait3A_279 = arith.constant 0 : i32
    %dma_wait3A_280 = arith.constant 0 : i32
    %dma_wait3A_281 = tpu.memref_slice %arg4[%dma_wait3A_279, %dma_wait3A_280] : memref<8192x4096xi32, #tpu.memory_space<hbm>> -> memref<8x2048xi32, #tpu.memory_space<hbm>>
    tpu.wait_dma2 semaphore(%arg15 : memref<!tpu.dma_semaphore, #tpu.memory_space<semaphore_mem>>) src(%dma_wait3A_281 : memref<8x2048xi32, #tpu.memory_space<hbm>>) dst(%arg9 : memref<8x2048xi32, #tpu.memory_space<vmem>>)
    %scan3A_282 = arith.constant 0 : i32
    %scan3A_283 = arith.constant 8 : i32
    %scan3A_284 = arith.addi %scan3A_282, %scan3A_283 : i32
    %scan3A_285 = arith.constant 1 : i32
    %scan3A_286:8 = scf.for %scan3A_325 = %scan3A_282 to %scan3A_284 step %scan3A_285 iter_args(%scan3A_326 = %scan3A_247#0, %scan3A_327 = %scan3A_247#1, %scan3A_328 = %scan3A_247#2, %scan3A_329 = %scan3A_247#3, %scan3A_330 = %scan3A_247#4, %scan3A_331 = %scan3A_247#5, %scan3A_332 = %scan3A_247#6, %scan3A_333 = %scan3A_247#7) -> (vector<16xf32>, vector<16xf32>, vector<16xf32>, vector<16xf32>, vector<16xf32>, vector<16xf32>, vector<16xf32>, vector<16xf32>)  : i32 {
      %scan3A_334 = arith.constant 0 : i32
      %scan3A_335 = arith.constant 32 : i32
      %scan3A_336 = arith.addi %scan3A_334, %scan3A_335 : i32
      %scan3A_337 = arith.constant 1 : i32
      %scan3A_338:8 = scf.for %scan3A_340 = %scan3A_334 to %scan3A_336 step %scan3A_337 iter_args(%scan3A_341 = %scan3A_326, %scan3A_342 = %scan3A_327, %scan3A_343 = %scan3A_328, %scan3A_344 = %scan3A_329, %scan3A_345 = %scan3A_330, %scan3A_346 = %scan3A_331, %scan3A_347 = %scan3A_332, %scan3A_348 = %scan3A_333) -> (vector<16xf32>, vector<16xf32>, vector<16xf32>, vector<16xf32>, vector<16xf32>, vector<16xf32>, vector<16xf32>, vector<16xf32>)  : i32 {
        %mul3A_349 = arith.constant 64 : i32
        %mul3A_350 = arith.muli %scan3A_340, %mul3A_349 : i32
        %add3A_351 = arith.constant 0 : i32
        %add3A_352 = arith.addi %mul3A_350, %add3A_351 : i32
        %get3A = arith.constant 0 : i32
        %get3A_353 = tpu.memref_slice %arg7[%scan3A_325, %get3A] : memref<8x2048xf32, #tpu.memory_space<vmem>> -> memref<1x2048xf32, #tpu.memory_space<vmem>>
        %get3A_354 = tpu.memref_squeeze %get3A_353 : memref<1x2048xf32, #tpu.memory_space<vmem>> -> memref<2048xf32, #tpu.memory_space<vmem>>
        %get3A_355 = arith.index_cast %add3A_352 : i32 to index
        %get3A_356 = tpu.vector_load %get3A_354[%get3A_355] {strides = array<i32>} : memref<2048xf32, #tpu.memory_space<vmem>>, vector<16xf32>,
        %get3A_357 = vector.shape_cast %get3A_356 : vector<16xf32> to vector<16xf32>
        %get3A_358 = arith.constant 0 : i32
        %get3A_359 = tpu.memref_slice %arg8[%scan3A_325, %get3A_358] : memref<8x2048xf32, #tpu.memory_space<vmem>> -> memref<1x2048xf32, #tpu.memory_space<vmem>>
        %get3A_360 = tpu.memref_squeeze %get3A_359 : memref<1x2048xf32, #tpu.memory_space<vmem>> -> memref<2048xf32, #tpu.memory_space<vmem>>
        %get3A_361 = arith.index_cast %add3A_352 : i32 to index
        %get3A_362 = tpu.vector_load %get3A_360[%get3A_361] {strides = array<i32>} : memref<2048xf32, #tpu.memory_space<vmem>>, vector<16xf32>,
        %get3A_363 = vector.shape_cast %get3A_362 : vector<16xf32> to vector<16xf32>
        %sub3A = arith.subf %get3A_357, %get3A_363 : vector<16xf32>
        %get3A_364 = arith.constant 0 : i32
        %get3A_365 = tpu.memref_slice %arg9[%scan3A_325, %get3A_364] : memref<8x2048xi32, #tpu.memory_space<vmem>> -> memref<1x2048xi32, #tpu.memory_space<vmem>>
        %get3A_366 = tpu.memref_squeeze %get3A_365 : memref<1x2048xi32, #tpu.memory_space<vmem>> -> memref<2048xi32, #tpu.memory_space<vmem>>
        %get3A_367 = arith.index_cast %add3A_352 : i32 to index
        %get3A_368 = tpu.vector_load %get3A_366[%get3A_367] {strides = array<i32>} : memref<2048xi32, #tpu.memory_space<vmem>>, vector<16xi32>,
        %get3A_369 = vector.shape_cast %get3A_368 : vector<16xi32> to vector<16xi32>
        %eq3A = arith.constant 1 : i32
        %eq3A_370 = vector.broadcast %eq3A : i32 to vector<16xi32>
        %eq3A_371 = arith.cmpi eq, %get3A_369, %eq3A_370 : vector<16xi32>
        %jit3A = arith.constant 0.000000e+00 : f32
        %broadcast_in_dim3A_372 = vector.broadcast %jit3A : f32 to vector<16xf32>
        %select_n3A = arith.select %eq3A_371, %sub3A, %broadcast_in_dim3A_372 : vector<16xi1>, vector<16xf32>
        %mul3A_373 = arith.mulf %select_n3A, %select_n3A : vector<16xf32>
        %add3A_374 = arith.addf %scan3A_341, %mul3A_373 : vector<16xf32>
        %jit3A_375 = arith.constant 1.000000e+00 : f32
        %jit3A_376 = arith.constant 0.000000e+00 : f32
        %broadcast_in_dim3A_377 = vector.broadcast %jit3A_375 : f32 to vector<16xf32>
        %broadcast_in_dim3A_378 = vector.broadcast %jit3A_376 : f32 to vector<16xf32>
        %select_n3A_379 = arith.select %eq3A_371, %broadcast_in_dim3A_377, %broadcast_in_dim3A_378 : vector<16xi1>, vector<16xf32>
        %add3A_380 = arith.addf %scan3A_345, %select_n3A_379 : vector<16xf32>
        %add3A_381 = arith.constant 16 : i32
        %add3A_382 = arith.addi %mul3A_350, %add3A_381 : i32
        %get3A_383 = arith.constant 0 : i32
        %get3A_384 = tpu.memref_slice %arg7[%scan3A_325, %get3A_383] : memref<8x2048xf32, #tpu.memory_space<vmem>> -> memref<1x2048xf32, #tpu.memory_space<vmem>>
        %get3A_385 = tpu.memref_squeeze %get3A_384 : memref<1x2048xf32, #tpu.memory_space<vmem>> -> memref<2048xf32, #tpu.memory_space<vmem>>
        %get3A_386 = arith.index_cast %add3A_382 : i32 to index
        %get3A_387 = tpu.vector_load %get3A_385[%get3A_386] {strides = array<i32>} : memref<2048xf32, #tpu.memory_space<vmem>>, vector<16xf32>,
        %get3A_388 = vector.shape_cast %get3A_387 : vector<16xf32> to vector<16xf32>
        %get3A_389 = arith.constant 0 : i32
        %get3A_390 = tpu.memref_slice %arg8[%scan3A_325, %get3A_389] : memref<8x2048xf32, #tpu.memory_space<vmem>> -> memref<1x2048xf32, #tpu.memory_space<vmem>>
        %get3A_391 = tpu.memref_squeeze %get3A_390 : memref<1x2048xf32, #tpu.memory_space<vmem>> -> memref<2048xf32, #tpu.memory_space<vmem>>
        %get3A_392 = arith.index_cast %add3A_382 : i32 to index
        %get3A_393 = tpu.vector_load %get3A_391[%get3A_392] {strides = array<i32>} : memref<2048xf32, #tpu.memory_space<vmem>>, vector<16xf32>,
        %get3A_394 = vector.shape_cast %get3A_393 : vector<16xf32> to vector<16xf32>
        %sub3A_395 = arith.subf %get3A_388, %get3A_394 : vector<16xf32>
        %get3A_396 = arith.constant 0 : i32
        %get3A_397 = tpu.memref_slice %arg9[%scan3A_325, %get3A_396] : memref<8x2048xi32, #tpu.memory_space<vmem>> -> memref<1x2048xi32, #tpu.memory_space<vmem>>
        %get3A_398 = tpu.memref_squeeze %get3A_397 : memref<1x2048xi32, #tpu.memory_space<vmem>> -> memref<2048xi32, #tpu.memory_space<vmem>>
        %get3A_399 = arith.index_cast %add3A_382 : i32 to index
        %get3A_400 = tpu.vector_load %get3A_398[%get3A_399] {strides = array<i32>} : memref<2048xi32, #tpu.memory_space<vmem>>, vector<16xi32>,
        %get3A_401 = vector.shape_cast %get3A_400 : vector<16xi32> to vector<16xi32>
        %eq3A_402 = arith.constant 1 : i32
        %eq3A_403 = vector.broadcast %eq3A_402 : i32 to vector<16xi32>
        %eq3A_404 = arith.cmpi eq, %get3A_401, %eq3A_403 : vector<16xi32>
        %jit3A_405 = arith.constant 0.000000e+00 : f32
        %broadcast_in_dim3A_406 = vector.broadcast %jit3A_405 : f32 to vector<16xf32>
        %select_n3A_407 = arith.select %eq3A_404, %sub3A_395, %broadcast_in_dim3A_406 : vector<16xi1>, vector<16xf32>
        %mul3A_408 = arith.mulf %select_n3A_407, %select_n3A_407 : vector<16xf32>
        %add3A_409 = arith.addf %scan3A_342, %mul3A_408 : vector<16xf32>
        %jit3A_410 = arith.constant 1.000000e+00 : f32
        %jit3A_411 = arith.constant 0.000000e+00 : f32
        %broadcast_in_dim3A_412 = vector.broadcast %jit3A_410 : f32 to vector<16xf32>
        %broadcast_in_dim3A_413 = vector.broadcast %jit3A_411 : f32 to vector<16xf32>
        %select_n3A_414 = arith.select %eq3A_404, %broadcast_in_dim3A_412, %broadcast_in_dim3A_413 : vector<16xi1>, vector<16xf32>
        %add3A_415 = arith.addf %scan3A_346, %select_n3A_414 : vector<16xf32>
        %add3A_416 = arith.constant 32 : i32
        %add3A_417 = arith.addi %mul3A_350, %add3A_416 : i32
        %get3A_418 = arith.constant 0 : i32
        %get3A_419 = tpu.memref_slice %arg7[%scan3A_325, %get3A_418] : memref<8x2048xf32, #tpu.memory_space<vmem>> -> memref<1x2048xf32, #tpu.memory_space<vmem>>
        %get3A_420 = tpu.memref_squeeze %get3A_419 : memref<1x2048xf32, #tpu.memory_space<vmem>> -> memref<2048xf32, #tpu.memory_space<vmem>>
        %get3A_421 = arith.index_cast %add3A_417 : i32 to index
        %get3A_422 = tpu.vector_load %get3A_420[%get3A_421] {strides = array<i32>} : memref<2048xf32, #tpu.memory_space<vmem>>, vector<16xf32>,
        %get3A_423 = vector.shape_cast %get3A_422 : vector<16xf32> to vector<16xf32>
        %get3A_424 = arith.constant 0 : i32
        %get3A_425 = tpu.memref_slice %arg8[%scan3A_325, %get3A_424] : memref<8x2048xf32, #tpu.memory_space<vmem>> -> memref<1x2048xf32, #tpu.memory_space<vmem>>
        %get3A_426 = tpu.memref_squeeze %get3A_425 : memref<1x2048xf32, #tpu.memory_space<vmem>> -> memref<2048xf32, #tpu.memory_space<vmem>>
        %get3A_427 = arith.index_cast %add3A_417 : i32 to index
        %get3A_428 = tpu.vector_load %get3A_426[%get3A_427] {strides = array<i32>} : memref<2048xf32, #tpu.memory_space<vmem>>, vector<16xf32>,
        %get3A_429 = vector.shape_cast %get3A_428 : vector<16xf32> to vector<16xf32>
        %sub3A_430 = arith.subf %get3A_423, %get3A_429 : vector<16xf32>
        %get3A_431 = arith.constant 0 : i32
        %get3A_432 = tpu.memref_slice %arg9[%scan3A_325, %get3A_431] : memref<8x2048xi32, #tpu.memory_space<vmem>> -> memref<1x2048xi32, #tpu.memory_space<vmem>>
        %get3A_433 = tpu.memref_squeeze %get3A_432 : memref<1x2048xi32, #tpu.memory_space<vmem>> -> memref<2048xi32, #tpu.memory_space<vmem>>
        %get3A_434 = arith.index_cast %add3A_417 : i32 to index
        %get3A_435 = tpu.vector_load %get3A_433[%get3A_434] {strides = array<i32>} : memref<2048xi32, #tpu.memory_space<vmem>>, vector<16xi32>,
        %get3A_436 = vector.shape_cast %get3A_435 : vector<16xi32> to vector<16xi32>
        %eq3A_437 = arith.constant 1 : i32
        %eq3A_438 = vector.broadcast %eq3A_437 : i32 to vector<16xi32>
        %eq3A_439 = arith.cmpi eq, %get3A_436, %eq3A_438 : vector<16xi32>
        %jit3A_440 = arith.constant 0.000000e+00 : f32
        %broadcast_in_dim3A_441 = vector.broadcast %jit3A_440 : f32 to vector<16xf32>
        %select_n3A_442 = arith.select %eq3A_439, %sub3A_430, %broadcast_in_dim3A_441 : vector<16xi1>, vector<16xf32>
        %mul3A_443 = arith.mulf %select_n3A_442, %select_n3A_442 : vector<16xf32>
        %add3A_444 = arith.addf %scan3A_343, %mul3A_443 : vector<16xf32>
        %jit3A_445 = arith.constant 1.000000e+00 : f32
        %jit3A_446 = arith.constant 0.000000e+00 : f32
        %broadcast_in_dim3A_447 = vector.broadcast %jit3A_445 : f32 to vector<16xf32>
        %broadcast_in_dim3A_448 = vector.broadcast %jit3A_446 : f32 to vector<16xf32>
        %select_n3A_449 = arith.select %eq3A_439, %broadcast_in_dim3A_447, %broadcast_in_dim3A_448 : vector<16xi1>, vector<16xf32>
        %add3A_450 = arith.addf %scan3A_347, %select_n3A_449 : vector<16xf32>
        %add3A_451 = arith.constant 48 : i32
        %add3A_452 = arith.addi %mul3A_350, %add3A_451 : i32
        %get3A_453 = arith.constant 0 : i32
        %get3A_454 = tpu.memref_slice %arg7[%scan3A_325, %get3A_453] : memref<8x2048xf32, #tpu.memory_space<vmem>> -> memref<1x2048xf32, #tpu.memory_space<vmem>>
        %get3A_455 = tpu.memref_squeeze %get3A_454 : memref<1x2048xf32, #tpu.memory_space<vmem>> -> memref<2048xf32, #tpu.memory_space<vmem>>
        %get3A_456 = arith.index_cast %add3A_452 : i32 to index
        %get3A_457 = tpu.vector_load %get3A_455[%get3A_456] {strides = array<i32>} : memref<2048xf32, #tpu.memory_space<vmem>>, vector<16xf32>,
        %get3A_458 = vector.shape_cast %get3A_457 : vector<16xf32> to vector<16xf32>
        %get3A_459 = arith.constant 0 : i32
        %get3A_460 = tpu.memref_slice %arg8[%scan3A_325, %get3A_459] : memref<8x2048xf32, #tpu.memory_space<vmem>> -> memref<1x2048xf32, #tpu.memory_space<vmem>>
        %get3A_461 = tpu.memref_squeeze %get3A_460 : memref<1x2048xf32, #tpu.memory_space<vmem>> -> memref<2048xf32, #tpu.memory_space<vmem>>
        %get3A_462 = arith.index_cast %add3A_452 : i32 to index
        %get3A_463 = tpu.vector_load %get3A_461[%get3A_462] {strides = array<i32>} : memref<2048xf32, #tpu.memory_space<vmem>>, vector<16xf32>,
        %get3A_464 = vector.shape_cast %get3A_463 : vector<16xf32> to vector<16xf32>
        %sub3A_465 = arith.subf %get3A_458, %get3A_464 : vector<16xf32>
        %get3A_466 = arith.constant 0 : i32
        %get3A_467 = tpu.memref_slice %arg9[%scan3A_325, %get3A_466] : memref<8x2048xi32, #tpu.memory_space<vmem>> -> memref<1x2048xi32, #tpu.memory_space<vmem>>
        %get3A_468 = tpu.memref_squeeze %get3A_467 : memref<1x2048xi32, #tpu.memory_space<vmem>> -> memref<2048xi32, #tpu.memory_space<vmem>>
        %get3A_469 = arith.index_cast %add3A_452 : i32 to index
        %get3A_470 = tpu.vector_load %get3A_468[%get3A_469] {strides = array<i32>} : memref<2048xi32, #tpu.memory_space<vmem>>, vector<16xi32>,
        %get3A_471 = vector.shape_cast %get3A_470 : vector<16xi32> to vector<16xi32>
        %eq3A_472 = arith.constant 1 : i32
        %eq3A_473 = vector.broadcast %eq3A_472 : i32 to vector<16xi32>
        %eq3A_474 = arith.cmpi eq, %get3A_471, %eq3A_473 : vector<16xi32>
        %jit3A_475 = arith.constant 0.000000e+00 : f32
        %broadcast_in_dim3A_476 = vector.broadcast %jit3A_475 : f32 to vector<16xf32>
        %select_n3A_477 = arith.select %eq3A_474, %sub3A_465, %broadcast_in_dim3A_476 : vector<16xi1>, vector<16xf32>
        %mul3A_478 = arith.mulf %select_n3A_477, %select_n3A_477 : vector<16xf32>
        %add3A_479 = arith.addf %scan3A_344, %mul3A_478 : vector<16xf32>
        %jit3A_480 = arith.constant 1.000000e+00 : f32
        %jit3A_481 = arith.constant 0.000000e+00 : f32
        %broadcast_in_dim3A_482 = vector.broadcast %jit3A_480 : f32 to vector<16xf32>
        %broadcast_in_dim3A_483 = vector.broadcast %jit3A_481 : f32 to vector<16xf32>
        %select_n3A_484 = arith.select %eq3A_474, %broadcast_in_dim3A_482, %broadcast_in_dim3A_483 : vector<16xi1>, vector<16xf32>
        %add3A_485 = arith.addf %scan3A_348, %select_n3A_484 : vector<16xf32>
        scf.yield %add3A_374, %add3A_409, %add3A_444, %add3A_479, %add3A_380, %add3A_415, %add3A_450, %add3A_485 : vector<16xf32>, vector<16xf32>, vector<16xf32>, vector<16xf32>, vector<16xf32>, vector<16xf32>, vector<16xf32>, vector<16xf32>
      }
      %scan3A_339 = arith.constant 32 : i32
      scf.yield %scan3A_338#0, %scan3A_338#1, %scan3A_338#2, %scan3A_338#3, %scan3A_338#4, %scan3A_338#5, %scan3A_338#6, %scan3A_338#7 : vector<16xf32>, vector<16xf32>, vector<16xf32>, vector<16xf32>, vector<16xf32>, vector<16xf32>, vector<16xf32>, vector<16xf32>
    }
    %scan3A_287 = arith.constant 8 : i32
    %dma_wait3A_288 = arith.constant 0 : i32
    %dma_wait3A_289 = arith.constant 0 : i32
    %dma_wait3A_290 = tpu.memref_slice %arg2[%dma_wait3A_288, %dma_wait3A_289] : memref<8192x4096xf32, #tpu.memory_space<hbm>> -> memref<8x2048xf32, #tpu.memory_space<hbm>>
    %dma_wait3A_291 = arith.constant 0 : i32
    %dma_wait3A_292 = arith.constant 0 : i32
    %dma_wait3A_293 = tpu.memref_slice %arg2[%dma_wait3A_291, %dma_wait3A_292] : memref<8192x4096xf32, #tpu.memory_space<hbm>> -> memref<8x2048xf32, #tpu.memory_space<hbm>>
    tpu.wait_dma2 semaphore(%arg16 : memref<!tpu.dma_semaphore, #tpu.memory_space<semaphore_mem>>) src(%dma_wait3A_293 : memref<8x2048xf32, #tpu.memory_space<hbm>>) dst(%arg10 : memref<8x2048xf32, #tpu.memory_space<vmem>>)
    %dma_wait3A_294 = arith.constant 0 : i32
    %dma_wait3A_295 = arith.constant 0 : i32
    %dma_wait3A_296 = tpu.memref_slice %arg3[%dma_wait3A_294, %dma_wait3A_295] : memref<8192x4096xf32, #tpu.memory_space<hbm>> -> memref<8x2048xf32, #tpu.memory_space<hbm>>
    %dma_wait3A_297 = arith.constant 0 : i32
    %dma_wait3A_298 = arith.constant 0 : i32
    %dma_wait3A_299 = tpu.memref_slice %arg3[%dma_wait3A_297, %dma_wait3A_298] : memref<8192x4096xf32, #tpu.memory_space<hbm>> -> memref<8x2048xf32, #tpu.memory_space<hbm>>
    tpu.wait_dma2 semaphore(%arg16 : memref<!tpu.dma_semaphore, #tpu.memory_space<semaphore_mem>>) src(%dma_wait3A_299 : memref<8x2048xf32, #tpu.memory_space<hbm>>) dst(%arg11 : memref<8x2048xf32, #tpu.memory_space<vmem>>)
    %dma_wait3A_300 = arith.constant 0 : i32
    %dma_wait3A_301 = arith.constant 0 : i32
    %dma_wait3A_302 = tpu.memref_slice %arg4[%dma_wait3A_300, %dma_wait3A_301] : memref<8192x4096xi32, #tpu.memory_space<hbm>> -> memref<8x2048xi32, #tpu.memory_space<hbm>>
    %dma_wait3A_303 = arith.constant 0 : i32
    %dma_wait3A_304 = arith.constant 0 : i32
    %dma_wait3A_305 = tpu.memref_slice %arg4[%dma_wait3A_303, %dma_wait3A_304] : memref<8192x4096xi32, #tpu.memory_space<hbm>> -> memref<8x2048xi32, #tpu.memory_space<hbm>>
    tpu.wait_dma2 semaphore(%arg16 : memref<!tpu.dma_semaphore, #tpu.memory_space<semaphore_mem>>) src(%dma_wait3A_305 : memref<8x2048xi32, #tpu.memory_space<hbm>>) dst(%arg12 : memref<8x2048xi32, #tpu.memory_space<vmem>>)
    %scan3A_306 = arith.constant 0 : i32
    %scan3A_307 = arith.constant 8 : i32
    %scan3A_308 = arith.addi %scan3A_306, %scan3A_307 : i32
    %scan3A_309 = arith.constant 1 : i32
    %scan3A_310:8 = scf.for %scan3A_325 = %scan3A_306 to %scan3A_308 step %scan3A_309 iter_args(%scan3A_326 = %scan3A_286#0, %scan3A_327 = %scan3A_286#1, %scan3A_328 = %scan3A_286#2, %scan3A_329 = %scan3A_286#3, %scan3A_330 = %scan3A_286#4, %scan3A_331 = %scan3A_286#5, %scan3A_332 = %scan3A_286#6, %scan3A_333 = %scan3A_286#7) -> (vector<16xf32>, vector<16xf32>, vector<16xf32>, vector<16xf32>, vector<16xf32>, vector<16xf32>, vector<16xf32>, vector<16xf32>)  : i32 {
      %scan3A_334 = arith.constant 0 : i32
      %scan3A_335 = arith.constant 32 : i32
      %scan3A_336 = arith.addi %scan3A_334, %scan3A_335 : i32
      %scan3A_337 = arith.constant 1 : i32
      %scan3A_338:8 = scf.for %scan3A_340 = %scan3A_334 to %scan3A_336 step %scan3A_337 iter_args(%scan3A_341 = %scan3A_326, %scan3A_342 = %scan3A_327, %scan3A_343 = %scan3A_328, %scan3A_344 = %scan3A_329, %scan3A_345 = %scan3A_330, %scan3A_346 = %scan3A_331, %scan3A_347 = %scan3A_332, %scan3A_348 = %scan3A_333) -> (vector<16xf32>, vector<16xf32>, vector<16xf32>, vector<16xf32>, vector<16xf32>, vector<16xf32>, vector<16xf32>, vector<16xf32>)  : i32 {
        %mul3A_349 = arith.constant 64 : i32
        %mul3A_350 = arith.muli %scan3A_340, %mul3A_349 : i32
        %add3A_351 = arith.constant 0 : i32
        %add3A_352 = arith.addi %mul3A_350, %add3A_351 : i32
        %get3A = arith.constant 0 : i32
        %get3A_353 = tpu.memref_slice %arg10[%scan3A_325, %get3A] : memref<8x2048xf32, #tpu.memory_space<vmem>> -> memref<1x2048xf32, #tpu.memory_space<vmem>>
        %get3A_354 = tpu.memref_squeeze %get3A_353 : memref<1x2048xf32, #tpu.memory_space<vmem>> -> memref<2048xf32, #tpu.memory_space<vmem>>
        %get3A_355 = arith.index_cast %add3A_352 : i32 to index
        %get3A_356 = tpu.vector_load %get3A_354[%get3A_355] {strides = array<i32>} : memref<2048xf32, #tpu.memory_space<vmem>>, vector<16xf32>,
        %get3A_357 = vector.shape_cast %get3A_356 : vector<16xf32> to vector<16xf32>
        %get3A_358 = arith.constant 0 : i32
        %get3A_359 = tpu.memref_slice %arg11[%scan3A_325, %get3A_358] : memref<8x2048xf32, #tpu.memory_space<vmem>> -> memref<1x2048xf32, #tpu.memory_space<vmem>>
        %get3A_360 = tpu.memref_squeeze %get3A_359 : memref<1x2048xf32, #tpu.memory_space<vmem>> -> memref<2048xf32, #tpu.memory_space<vmem>>
        %get3A_361 = arith.index_cast %add3A_352 : i32 to index
        %get3A_362 = tpu.vector_load %get3A_360[%get3A_361] {strides = array<i32>} : memref<2048xf32, #tpu.memory_space<vmem>>, vector<16xf32>,
        %get3A_363 = vector.shape_cast %get3A_362 : vector<16xf32> to vector<16xf32>
        %sub3A = arith.subf %get3A_357, %get3A_363 : vector<16xf32>
        %get3A_364 = arith.constant 0 : i32
        %get3A_365 = tpu.memref_slice %arg12[%scan3A_325, %get3A_364] : memref<8x2048xi32, #tpu.memory_space<vmem>> -> memref<1x2048xi32, #tpu.memory_space<vmem>>
        %get3A_366 = tpu.memref_squeeze %get3A_365 : memref<1x2048xi32, #tpu.memory_space<vmem>> -> memref<2048xi32, #tpu.memory_space<vmem>>
        %get3A_367 = arith.index_cast %add3A_352 : i32 to index
        %get3A_368 = tpu.vector_load %get3A_366[%get3A_367] {strides = array<i32>} : memref<2048xi32, #tpu.memory_space<vmem>>, vector<16xi32>,
        %get3A_369 = vector.shape_cast %get3A_368 : vector<16xi32> to vector<16xi32>
        %eq3A = arith.constant 1 : i32
        %eq3A_370 = vector.broadcast %eq3A : i32 to vector<16xi32>
        %eq3A_371 = arith.cmpi eq, %get3A_369, %eq3A_370 : vector<16xi32>
        %jit3A = arith.constant 0.000000e+00 : f32
        %broadcast_in_dim3A_372 = vector.broadcast %jit3A : f32 to vector<16xf32>
        %select_n3A = arith.select %eq3A_371, %sub3A, %broadcast_in_dim3A_372 : vector<16xi1>, vector<16xf32>
        %mul3A_373 = arith.mulf %select_n3A, %select_n3A : vector<16xf32>
        %add3A_374 = arith.addf %scan3A_341, %mul3A_373 : vector<16xf32>
        %jit3A_375 = arith.constant 1.000000e+00 : f32
        %jit3A_376 = arith.constant 0.000000e+00 : f32
        %broadcast_in_dim3A_377 = vector.broadcast %jit3A_375 : f32 to vector<16xf32>
        %broadcast_in_dim3A_378 = vector.broadcast %jit3A_376 : f32 to vector<16xf32>
        %select_n3A_379 = arith.select %eq3A_371, %broadcast_in_dim3A_377, %broadcast_in_dim3A_378 : vector<16xi1>, vector<16xf32>
        %add3A_380 = arith.addf %scan3A_345, %select_n3A_379 : vector<16xf32>
        %add3A_381 = arith.constant 16 : i32
        %add3A_382 = arith.addi %mul3A_350, %add3A_381 : i32
        %get3A_383 = arith.constant 0 : i32
        %get3A_384 = tpu.memref_slice %arg10[%scan3A_325, %get3A_383] : memref<8x2048xf32, #tpu.memory_space<vmem>> -> memref<1x2048xf32, #tpu.memory_space<vmem>>
        %get3A_385 = tpu.memref_squeeze %get3A_384 : memref<1x2048xf32, #tpu.memory_space<vmem>> -> memref<2048xf32, #tpu.memory_space<vmem>>
        %get3A_386 = arith.index_cast %add3A_382 : i32 to index
        %get3A_387 = tpu.vector_load %get3A_385[%get3A_386] {strides = array<i32>} : memref<2048xf32, #tpu.memory_space<vmem>>, vector<16xf32>,
        %get3A_388 = vector.shape_cast %get3A_387 : vector<16xf32> to vector<16xf32>
        %get3A_389 = arith.constant 0 : i32
        %get3A_390 = tpu.memref_slice %arg11[%scan3A_325, %get3A_389] : memref<8x2048xf32, #tpu.memory_space<vmem>> -> memref<1x2048xf32, #tpu.memory_space<vmem>>
        %get3A_391 = tpu.memref_squeeze %get3A_390 : memref<1x2048xf32, #tpu.memory_space<vmem>> -> memref<2048xf32, #tpu.memory_space<vmem>>
        %get3A_392 = arith.index_cast %add3A_382 : i32 to index
        %get3A_393 = tpu.vector_load %get3A_391[%get3A_392] {strides = array<i32>} : memref<2048xf32, #tpu.memory_space<vmem>>, vector<16xf32>,
        %get3A_394 = vector.shape_cast %get3A_393 : vector<16xf32> to vector<16xf32>
        %sub3A_395 = arith.subf %get3A_388, %get3A_394 : vector<16xf32>
        %get3A_396 = arith.constant 0 : i32
        %get3A_397 = tpu.memref_slice %arg12[%scan3A_325, %get3A_396] : memref<8x2048xi32, #tpu.memory_space<vmem>> -> memref<1x2048xi32, #tpu.memory_space<vmem>>
        %get3A_398 = tpu.memref_squeeze %get3A_397 : memref<1x2048xi32, #tpu.memory_space<vmem>> -> memref<2048xi32, #tpu.memory_space<vmem>>
        %get3A_399 = arith.index_cast %add3A_382 : i32 to index
        %get3A_400 = tpu.vector_load %get3A_398[%get3A_399] {strides = array<i32>} : memref<2048xi32, #tpu.memory_space<vmem>>, vector<16xi32>,
        %get3A_401 = vector.shape_cast %get3A_400 : vector<16xi32> to vector<16xi32>
        %eq3A_402 = arith.constant 1 : i32
        %eq3A_403 = vector.broadcast %eq3A_402 : i32 to vector<16xi32>
        %eq3A_404 = arith.cmpi eq, %get3A_401, %eq3A_403 : vector<16xi32>
        %jit3A_405 = arith.constant 0.000000e+00 : f32
        %broadcast_in_dim3A_406 = vector.broadcast %jit3A_405 : f32 to vector<16xf32>
        %select_n3A_407 = arith.select %eq3A_404, %sub3A_395, %broadcast_in_dim3A_406 : vector<16xi1>, vector<16xf32>
        %mul3A_408 = arith.mulf %select_n3A_407, %select_n3A_407 : vector<16xf32>
        %add3A_409 = arith.addf %scan3A_342, %mul3A_408 : vector<16xf32>
        %jit3A_410 = arith.constant 1.000000e+00 : f32
        %jit3A_411 = arith.constant 0.000000e+00 : f32
        %broadcast_in_dim3A_412 = vector.broadcast %jit3A_410 : f32 to vector<16xf32>
        %broadcast_in_dim3A_413 = vector.broadcast %jit3A_411 : f32 to vector<16xf32>
        %select_n3A_414 = arith.select %eq3A_404, %broadcast_in_dim3A_412, %broadcast_in_dim3A_413 : vector<16xi1>, vector<16xf32>
        %add3A_415 = arith.addf %scan3A_346, %select_n3A_414 : vector<16xf32>
        %add3A_416 = arith.constant 32 : i32
        %add3A_417 = arith.addi %mul3A_350, %add3A_416 : i32
        %get3A_418 = arith.constant 0 : i32
        %get3A_419 = tpu.memref_slice %arg10[%scan3A_325, %get3A_418] : memref<8x2048xf32, #tpu.memory_space<vmem>> -> memref<1x2048xf32, #tpu.memory_space<vmem>>
        %get3A_420 = tpu.memref_squeeze %get3A_419 : memref<1x2048xf32, #tpu.memory_space<vmem>> -> memref<2048xf32, #tpu.memory_space<vmem>>
        %get3A_421 = arith.index_cast %add3A_417 : i32 to index
        %get3A_422 = tpu.vector_load %get3A_420[%get3A_421] {strides = array<i32>} : memref<2048xf32, #tpu.memory_space<vmem>>, vector<16xf32>,
        %get3A_423 = vector.shape_cast %get3A_422 : vector<16xf32> to vector<16xf32>
        %get3A_424 = arith.constant 0 : i32
        %get3A_425 = tpu.memref_slice %arg11[%scan3A_325, %get3A_424] : memref<8x2048xf32, #tpu.memory_space<vmem>> -> memref<1x2048xf32, #tpu.memory_space<vmem>>
        %get3A_426 = tpu.memref_squeeze %get3A_425 : memref<1x2048xf32, #tpu.memory_space<vmem>> -> memref<2048xf32, #tpu.memory_space<vmem>>
        %get3A_427 = arith.index_cast %add3A_417 : i32 to index
        %get3A_428 = tpu.vector_load %get3A_426[%get3A_427] {strides = array<i32>} : memref<2048xf32, #tpu.memory_space<vmem>>, vector<16xf32>,
        %get3A_429 = vector.shape_cast %get3A_428 : vector<16xf32> to vector<16xf32>
        %sub3A_430 = arith.subf %get3A_423, %get3A_429 : vector<16xf32>
        %get3A_431 = arith.constant 0 : i32
        %get3A_432 = tpu.memref_slice %arg12[%scan3A_325, %get3A_431] : memref<8x2048xi32, #tpu.memory_space<vmem>> -> memref<1x2048xi32, #tpu.memory_space<vmem>>
        %get3A_433 = tpu.memref_squeeze %get3A_432 : memref<1x2048xi32, #tpu.memory_space<vmem>> -> memref<2048xi32, #tpu.memory_space<vmem>>
        %get3A_434 = arith.index_cast %add3A_417 : i32 to index
        %get3A_435 = tpu.vector_load %get3A_433[%get3A_434] {strides = array<i32>} : memref<2048xi32, #tpu.memory_space<vmem>>, vector<16xi32>,
        %get3A_436 = vector.shape_cast %get3A_435 : vector<16xi32> to vector<16xi32>
        %eq3A_437 = arith.constant 1 : i32
        %eq3A_438 = vector.broadcast %eq3A_437 : i32 to vector<16xi32>
        %eq3A_439 = arith.cmpi eq, %get3A_436, %eq3A_438 : vector<16xi32>
        %jit3A_440 = arith.constant 0.000000e+00 : f32
        %broadcast_in_dim3A_441 = vector.broadcast %jit3A_440 : f32 to vector<16xf32>
        %select_n3A_442 = arith.select %eq3A_439, %sub3A_430, %broadcast_in_dim3A_441 : vector<16xi1>, vector<16xf32>
        %mul3A_443 = arith.mulf %select_n3A_442, %select_n3A_442 : vector<16xf32>
        %add3A_444 = arith.addf %scan3A_343, %mul3A_443 : vector<16xf32>
        %jit3A_445 = arith.constant 1.000000e+00 : f32
        %jit3A_446 = arith.constant 0.000000e+00 : f32
        %broadcast_in_dim3A_447 = vector.broadcast %jit3A_445 : f32 to vector<16xf32>
        %broadcast_in_dim3A_448 = vector.broadcast %jit3A_446 : f32 to vector<16xf32>
        %select_n3A_449 = arith.select %eq3A_439, %broadcast_in_dim3A_447, %broadcast_in_dim3A_448 : vector<16xi1>, vector<16xf32>
        %add3A_450 = arith.addf %scan3A_347, %select_n3A_449 : vector<16xf32>
        %add3A_451 = arith.constant 48 : i32
        %add3A_452 = arith.addi %mul3A_350, %add3A_451 : i32
        %get3A_453 = arith.constant 0 : i32
        %get3A_454 = tpu.memref_slice %arg10[%scan3A_325, %get3A_453] : memref<8x2048xf32, #tpu.memory_space<vmem>> -> memref<1x2048xf32, #tpu.memory_space<vmem>>
        %get3A_455 = tpu.memref_squeeze %get3A_454 : memref<1x2048xf32, #tpu.memory_space<vmem>> -> memref<2048xf32, #tpu.memory_space<vmem>>
        %get3A_456 = arith.index_cast %add3A_452 : i32 to index
        %get3A_457 = tpu.vector_load %get3A_455[%get3A_456] {strides = array<i32>} : memref<2048xf32, #tpu.memory_space<vmem>>, vector<16xf32>,
        %get3A_458 = vector.shape_cast %get3A_457 : vector<16xf32> to vector<16xf32>
        %get3A_459 = arith.constant 0 : i32
        %get3A_460 = tpu.memref_slice %arg11[%scan3A_325, %get3A_459] : memref<8x2048xf32, #tpu.memory_space<vmem>> -> memref<1x2048xf32, #tpu.memory_space<vmem>>
        %get3A_461 = tpu.memref_squeeze %get3A_460 : memref<1x2048xf32, #tpu.memory_space<vmem>> -> memref<2048xf32, #tpu.memory_space<vmem>>
        %get3A_462 = arith.index_cast %add3A_452 : i32 to index
        %get3A_463 = tpu.vector_load %get3A_461[%get3A_462] {strides = array<i32>} : memref<2048xf32, #tpu.memory_space<vmem>>, vector<16xf32>,
        %get3A_464 = vector.shape_cast %get3A_463 : vector<16xf32> to vector<16xf32>
        %sub3A_465 = arith.subf %get3A_458, %get3A_464 : vector<16xf32>
        %get3A_466 = arith.constant 0 : i32
        %get3A_467 = tpu.memref_slice %arg12[%scan3A_325, %get3A_466] : memref<8x2048xi32, #tpu.memory_space<vmem>> -> memref<1x2048xi32, #tpu.memory_space<vmem>>
        %get3A_468 = tpu.memref_squeeze %get3A_467 : memref<1x2048xi32, #tpu.memory_space<vmem>> -> memref<2048xi32, #tpu.memory_space<vmem>>
        %get3A_469 = arith.index_cast %add3A_452 : i32 to index
        %get3A_470 = tpu.vector_load %get3A_468[%get3A_469] {strides = array<i32>} : memref<2048xi32, #tpu.memory_space<vmem>>, vector<16xi32>,
        %get3A_471 = vector.shape_cast %get3A_470 : vector<16xi32> to vector<16xi32>
        %eq3A_472 = arith.constant 1 : i32
        %eq3A_473 = vector.broadcast %eq3A_472 : i32 to vector<16xi32>
        %eq3A_474 = arith.cmpi eq, %get3A_471, %eq3A_473 : vector<16xi32>
        %jit3A_475 = arith.constant 0.000000e+00 : f32
        %broadcast_in_dim3A_476 = vector.broadcast %jit3A_475 : f32 to vector<16xf32>
        %select_n3A_477 = arith.select %eq3A_474, %sub3A_465, %broadcast_in_dim3A_476 : vector<16xi1>, vector<16xf32>
        %mul3A_478 = arith.mulf %select_n3A_477, %select_n3A_477 : vector<16xf32>
        %add3A_479 = arith.addf %scan3A_344, %mul3A_478 : vector<16xf32>
        %jit3A_480 = arith.constant 1.000000e+00 : f32
        %jit3A_481 = arith.constant 0.000000e+00 : f32
        %broadcast_in_dim3A_482 = vector.broadcast %jit3A_480 : f32 to vector<16xf32>
        %broadcast_in_dim3A_483 = vector.broadcast %jit3A_481 : f32 to vector<16xf32>
        %select_n3A_484 = arith.select %eq3A_474, %broadcast_in_dim3A_482, %broadcast_in_dim3A_483 : vector<16xi1>, vector<16xf32>
        %add3A_485 = arith.addf %scan3A_348, %select_n3A_484 : vector<16xf32>
        scf.yield %add3A_374, %add3A_409, %add3A_444, %add3A_479, %add3A_380, %add3A_415, %add3A_450, %add3A_485 : vector<16xf32>, vector<16xf32>, vector<16xf32>, vector<16xf32>, vector<16xf32>, vector<16xf32>, vector<16xf32>, vector<16xf32>
      }
      %scan3A_339 = arith.constant 32 : i32
      scf.yield %scan3A_338#0, %scan3A_338#1, %scan3A_338#2, %scan3A_338#3, %scan3A_338#4, %scan3A_338#5, %scan3A_338#6, %scan3A_338#7 : vector<16xf32>, vector<16xf32>, vector<16xf32>, vector<16xf32>, vector<16xf32>, vector<16xf32>, vector<16xf32>, vector<16xf32>
    }
    %scan3A_311 = arith.constant 8 : i32
    %add3A_312 = arith.addf %scan3A_310#0, %scan3A_310#1 : vector<16xf32>
    %add3A_313 = arith.addf %add3A_312, %scan3A_310#2 : vector<16xf32>
    %add3A_314 = arith.addf %add3A_313, %scan3A_310#3 : vector<16xf32>
    %swap3A = arith.constant 0 : index
    %swap3A_315 = tpu.vector_load %arg13[%swap3A] {strides = array<i32>} : memref<16xf32, #tpu.memory_space<vmem>>, vector<16xf32>,
    %swap3A_316 = vector.shape_cast %swap3A_315 : vector<16xf32> to vector<16xf32>
    %swap3A_317 = vector.shape_cast %add3A_314 : vector<16xf32> to vector<16xf32>
    tpu.vector_store %arg13[%swap3A], %swap3A_317 {strides = array<i32>} : memref<16xf32, #tpu.memory_space<vmem>>, vector<16xf32>,
    %add3A_318 = arith.addf %scan3A_310#4, %scan3A_310#5 : vector<16xf32>
    %add3A_319 = arith.addf %add3A_318, %scan3A_310#6 : vector<16xf32>
    %add3A_320 = arith.addf %add3A_319, %scan3A_310#7 : vector<16xf32>
    %swap3A_321 = arith.constant 0 : index
    %swap3A_322 = tpu.vector_load %arg14[%swap3A_321] {strides = array<i32>} : memref<16xf32, #tpu.memory_space<vmem>>, vector<16xf32>,
    %swap3A_323 = vector.shape_cast %swap3A_322 : vector<16xf32> to vector<16xf32>
    %swap3A_324 = vector.shape_cast %add3A_320 : vector<16xf32> to vector<16xf32>
    tpu.vector_store %arg14[%swap3A_321], %swap3A_324 {strides = array<i32>} : memref<16xf32, #tpu.memory_space<vmem>>, vector<16xf32>,
    "tpu.region"() ({
      %run_scoped3A = tpu.sem_alloc : memref<!tpu.dma_semaphore, #tpu.memory_space<semaphore_mem>>
      %dma_start3A_325 = arith.constant 0 : i32
      %dma_start3A_326 = tpu.memref_slice %arg5[%add3A, %dma_start3A_325] : memref<32x16xf32, #tpu.memory_space<hbm>> -> memref<1x16xf32, #tpu.memory_space<hbm>>
      %dma_start3A_327 = tpu.memref_squeeze %dma_start3A_326 : memref<1x16xf32, #tpu.memory_space<hbm>> -> memref<16xf32, #tpu.memory_space<hbm>>
      %dma_start3A_328 = arith.constant 0 : i32
      %dma_start3A_329 = tpu.memref_slice %arg5[%add3A, %dma_start3A_328] : memref<32x16xf32, #tpu.memory_space<hbm>> -> memref<1x16xf32, #tpu.memory_space<hbm>>
      %dma_start3A_330 = tpu.memref_squeeze %dma_start3A_329 : memref<1x16xf32, #tpu.memory_space<hbm>> -> memref<16xf32, #tpu.memory_space<hbm>>
      tpu.enqueue_dma source(%arg13 : memref<16xf32, #tpu.memory_space<vmem>>) target(%dma_start3A_330 : memref<16xf32, #tpu.memory_space<hbm>>) target_semaphore(%run_scoped3A : memref<!tpu.dma_semaphore, #tpu.memory_space<semaphore_mem>>)
      %dma_wait3A_331 = arith.constant 0 : i32
      %dma_wait3A_332 = tpu.memref_slice %arg5[%add3A, %dma_wait3A_331] : memref<32x16xf32, #tpu.memory_space<hbm>> -> memref<1x16xf32, #tpu.memory_space<hbm>>
      %dma_wait3A_333 = tpu.memref_squeeze %dma_wait3A_332 : memref<1x16xf32, #tpu.memory_space<hbm>> -> memref<16xf32, #tpu.memory_space<hbm>>
      %dma_wait3A_334 = arith.constant 0 : i32
      %dma_wait3A_335 = tpu.memref_slice %arg5[%add3A, %dma_wait3A_334] : memref<32x16xf32, #tpu.memory_space<hbm>> -> memref<1x16xf32, #tpu.memory_space<hbm>>
      %dma_wait3A_336 = tpu.memref_squeeze %dma_wait3A_335 : memref<1x16xf32, #tpu.memory_space<hbm>> -> memref<16xf32, #tpu.memory_space<hbm>>
      tpu.wait_dma2 semaphore(%run_scoped3A : memref<!tpu.dma_semaphore, #tpu.memory_space<semaphore_mem>>) src(%arg13 : memref<16xf32, #tpu.memory_space<vmem>>) dst(%dma_wait3A_336 : memref<16xf32, #tpu.memory_space<hbm>>)
      tpu.yield
    }) : () -> ()
    "tpu.region"() ({
      %run_scoped3A = tpu.sem_alloc : memref<!tpu.dma_semaphore, #tpu.memory_space<semaphore_mem>>
      %dma_start3A_325 = arith.constant 0 : i32
      %dma_start3A_326 = tpu.memref_slice %arg6[%add3A, %dma_start3A_325] : memref<32x16xf32, #tpu.memory_space<hbm>> -> memref<1x16xf32, #tpu.memory_space<hbm>>
      %dma_start3A_327 = tpu.memref_squeeze %dma_start3A_326 : memref<1x16xf32, #tpu.memory_space<hbm>> -> memref<16xf32, #tpu.memory_space<hbm>>
      %dma_start3A_328 = arith.constant 0 : i32
      %dma_start3A_329 = tpu.memref_slice %arg6[%add3A, %dma_start3A_328] : memref<32x16xf32, #tpu.memory_space<hbm>> -> memref<1x16xf32, #tpu.memory_space<hbm>>
      %dma_start3A_330 = tpu.memref_squeeze %dma_start3A_329 : memref<1x16xf32, #tpu.memory_space<hbm>> -> memref<16xf32, #tpu.memory_space<hbm>>
      tpu.enqueue_dma source(%arg14 : memref<16xf32, #tpu.memory_space<vmem>>) target(%dma_start3A_330 : memref<16xf32, #tpu.memory_space<hbm>>) target_semaphore(%run_scoped3A : memref<!tpu.dma_semaphore, #tpu.memory_space<semaphore_mem>>)
      %dma_wait3A_331 = arith.constant 0 : i32
      %dma_wait3A_332 = tpu.memref_slice %arg6[%add3A, %dma_wait3A_331] : memref<32x16xf32, #tpu.memory_space<hbm>> -> memref<1x16xf32, #tpu.memory_space<hbm>>
      %dma_wait3A_333 = tpu.memref_squeeze %dma_wait3A_332 : memref<1x16xf32, #tpu.memory_space<hbm>> -> memref<16xf32, #tpu.memory_space<hbm>>
      %dma_wait3A_334 = arith.constant 0 : i32
      %dma_wait3A_335 = tpu.memref_slice %arg6[%add3A, %dma_wait3A_334] : memref<32x16xf32, #tpu.memory_space<hbm>> -> memref<1x16xf32, #tpu.memory_space<hbm>>
      %dma_wait3A_336 = tpu.memref_squeeze %dma_wait3A_335 : memref<1x16xf32, #tpu.memory_space<hbm>> -> memref<16xf32, #tpu.memory_space<hbm>>
      tpu.wait_dma2 semaphore(%run_scoped3A : memref<!tpu.dma_semaphore, #tpu.memory_space<semaphore_mem>>) src(%arg14 : memref<16xf32, #tpu.memory_space<vmem>>) dst(%dma_wait3A_336 : memref<16xf32, #tpu.memory_space<hbm>>)
      tpu.yield
    }) : () -> ()
    return
  }
}

module attributes {stable_mosaic.version = 14 : i64} {
  func.func @_tc_kernel(%arg0: i32, %arg1: memref<256x4096xf32, #tpu.memory_space<vmem>>, %arg2: memref<256x4096xf32, #tpu.memory_space<vmem>>, %arg3: memref<256x4096xi32, #tpu.memory_space<vmem>>, %arg4: memref<2xf32, #tpu.memory_space<smem>>, %arg5: memref<2xf32, #tpu.memory_space<smem>>) attributes {dimension_semantics = [#tpu.dimension_semantics<arbitrary>], iteration_bounds = array<i64: 28>, scalar_prefetch = 0 : i64, scratch_operands = 1 : i64, tpu.core_type = #tpu.core_type<tc>, window_params = [{transform_indices = @transform_0, window_bounds = array<i64: 256, 4096>}, {transform_indices = @transform_1, window_bounds = array<i64: 256, 4096>}, {transform_indices = @transform_2, window_bounds = array<i64: 256, 4096>}, {transform_indices = @transform_3, window_bounds = array<i64: 2>}]} {
    %eq3A = arith.constant 0 : i32
    %eq3A_0 = arith.cmpi eq, %arg0, %eq3A : i32
    %convert_element_type3A = arith.extui %eq3A_0 : i1 to i32
    %cond3A = arith.constant 0 : i32
    %cond3A_1 = arith.cmpi ne, %convert_element_type3A, %cond3A : i32
    scf.if %cond3A_1 {
      %swap3A_38 = arith.constant 0.000000e+00 : f32
      %swap3A_39 = arith.constant 0 : index
      %swap3A_40 = memref.load %arg5[%swap3A_39] : memref<2xf32, #tpu.memory_space<smem>>
      memref.store %swap3A_38, %arg5[%swap3A_39] : memref<2xf32, #tpu.memory_space<smem>>
      %swap3A_41 = arith.constant 0.000000e+00 : f32
      %swap3A_42 = arith.constant 1 : index
      %swap3A_43 = memref.load %arg5[%swap3A_42] : memref<2xf32, #tpu.memory_space<smem>>
      memref.store %swap3A_41, %arg5[%swap3A_42] : memref<2xf32, #tpu.memory_space<smem>>
    } else {
    }
    %get3A = arith.constant 0 : index
    %get3A_2 = arith.constant 0 : index
    %get3A_3 = vector.load %arg3[%get3A, %get3A_2] : memref<256x4096xi32, #tpu.memory_space<vmem>>, vector<256x4096xi32>
    %eq3A_4 = arith.constant 1 : i32
    %eq3A_5 = vector.broadcast %eq3A_4 : i32 to vector<256x4096xi32>
    %eq3A_6 = arith.cmpi eq, %get3A_3, %eq3A_5 : vector<256x4096xi32>
    %convert_element_type3A_7 = arith.extui %eq3A_6 : vector<256x4096xi1> to vector<256x4096xi32>
    %convert_element_type3A_8 = arith.sitofp %convert_element_type3A_7 : vector<256x4096xi32> to vector<256x4096xf32>
    %get3A_9 = arith.constant 0 : index
    %get3A_10 = arith.constant 0 : index
    %get3A_11 = vector.load %arg1[%get3A_9, %get3A_10] : memref<256x4096xf32, #tpu.memory_space<vmem>>, vector<256x4096xf32>
    %get3A_12 = arith.constant 0 : index
    %get3A_13 = arith.constant 0 : index
    %get3A_14 = vector.load %arg2[%get3A_12, %get3A_13] : memref<256x4096xf32, #tpu.memory_space<vmem>>, vector<256x4096xf32>
    %sub3A = arith.subf %get3A_11, %get3A_14 : vector<256x4096xf32>
    %mul3A = arith.mulf %sub3A, %convert_element_type3A_8 : vector<256x4096xf32>
    %get3A_15 = arith.constant 0 : index
    %get3A_16 = memref.load %arg5[%get3A_15] : memref<2xf32, #tpu.memory_space<smem>>
    %mul3A_17 = arith.mulf %mul3A, %mul3A : vector<256x4096xf32>
    %reduce_sum3A = vector.shape_cast %mul3A_17 : vector<256x4096xf32> to vector<1x256x4096xf32>
    %reduce_sum3A_18 = arith.constant dense<0.000000e+00> : vector<1xf32>
    %reduce_sum3A_19 = vector.multi_reduction <add>, %reduce_sum3A, %reduce_sum3A_18 [1, 2] : vector<1x256x4096xf32> to vector<1xf32>
    %reduce_sum3A_20 = vector.shape_cast %reduce_sum3A_19 : vector<1xf32> to vector<1x1x1xf32>
    %reduce_sum3A_21 = vector.extract %reduce_sum3A_20[0, 0, 0] : f32 from vector<1x1x1xf32>
    %add3A = arith.addf %get3A_16, %reduce_sum3A_21 : f32
    %swap3A = arith.constant 0 : index
    %swap3A_22 = memref.load %arg5[%swap3A] : memref<2xf32, #tpu.memory_space<smem>>
    memref.store %add3A, %arg5[%swap3A] : memref<2xf32, #tpu.memory_space<smem>>
    %get3A_23 = arith.constant 1 : index
    %get3A_24 = memref.load %arg5[%get3A_23] : memref<2xf32, #tpu.memory_space<smem>>
    %reduce_sum3A_25 = vector.shape_cast %convert_element_type3A_8 : vector<256x4096xf32> to vector<1x256x4096xf32>
    %reduce_sum3A_26 = arith.constant dense<0.000000e+00> : vector<1xf32>
    %reduce_sum3A_27 = vector.multi_reduction <add>, %reduce_sum3A_25, %reduce_sum3A_26 [1, 2] : vector<1x256x4096xf32> to vector<1xf32>
    %reduce_sum3A_28 = vector.shape_cast %reduce_sum3A_27 : vector<1xf32> to vector<1x1x1xf32>
    %reduce_sum3A_29 = vector.extract %reduce_sum3A_28[0, 0, 0] : f32 from vector<1x1x1xf32>
    %add3A_30 = arith.addf %get3A_24, %reduce_sum3A_29 : f32
    %swap3A_31 = arith.constant 1 : index
    %swap3A_32 = memref.load %arg5[%swap3A_31] : memref<2xf32, #tpu.memory_space<smem>>
    memref.store %add3A_30, %arg5[%swap3A_31] : memref<2xf32, #tpu.memory_space<smem>>
    %eq3A_33 = arith.constant 27 : i32
    %eq3A_34 = arith.cmpi eq, %arg0, %eq3A_33 : i32
    %convert_element_type3A_35 = arith.extui %eq3A_34 : i1 to i32
    %cond3A_36 = arith.constant 0 : i32
    %cond3A_37 = arith.cmpi ne, %convert_element_type3A_35, %cond3A_36 : i32
    scf.if %cond3A_37 {
      %get3A_38 = arith.constant 0 : index
      %get3A_39 = memref.load %arg5[%get3A_38] : memref<2xf32, #tpu.memory_space<smem>>
      %swap3A_40 = arith.constant 0 : index
      %swap3A_41 = memref.load %arg4[%swap3A_40] : memref<2xf32, #tpu.memory_space<smem>>
      memref.store %get3A_39, %arg4[%swap3A_40] : memref<2xf32, #tpu.memory_space<smem>>
      %get3A_42 = arith.constant 1 : index
      %get3A_43 = memref.load %arg5[%get3A_42] : memref<2xf32, #tpu.memory_space<smem>>
      %swap3A_44 = arith.constant 1 : index
      %swap3A_45 = memref.load %arg4[%swap3A_44] : memref<2xf32, #tpu.memory_space<smem>>
      memref.store %get3A_43, %arg4[%swap3A_44] : memref<2xf32, #tpu.memory_space<smem>>
    } else {
    }
    return
  }
  func.func @transform_0(%arg0: i32) -> (i32, i32) {
    %add3A = arith.constant 4 : i32
    %add3A_0 = arith.addi %arg0, %add3A : i32
    %c0_i32 = arith.constant 0 : i32
    %c0_i32_1 = arith.constant 0 : i32
    return %add3A_0, %c0_i32 : i32, i32
  }
  func.func @transform_1(%arg0: i32) -> (i32, i32) {
    %add3A = arith.constant 4 : i32
    %add3A_0 = arith.addi %arg0, %add3A : i32
    %c0_i32 = arith.constant 0 : i32
    %c0_i32_1 = arith.constant 0 : i32
    return %add3A_0, %c0_i32 : i32, i32
  }
  func.func @transform_2(%arg0: i32) -> (i32, i32) {
    %add3A = arith.constant 4 : i32
    %add3A_0 = arith.addi %arg0, %add3A : i32
    %c0_i32 = arith.constant 0 : i32
    %c0_i32_1 = arith.constant 0 : i32
    return %add3A_0, %c0_i32 : i32, i32
  }
  func.func @transform_3(%arg0: i32) -> i32 {
    %c0_i32 = arith.constant 0 : i32
    %c0_i32_0 = arith.constant 0 : i32
    return %c0_i32 : i32
  }
}

</mosaic_0001>

<sc_bundles>
// kernel: kernel.4.cloned.1.call-start
scs
__scs_entry_jumppad:
0x0: {  	(pc) =	sbr.rel $0x88, $3  }
0x1: {  	(tag) =	ssettag $0x0;
	lr =	simm.s32 $0x1  }
0x2: {  	[smem:$0x3F9E] =	sst lr;
	_ =	strace $0xD0000000  }
0x3: {  	_ = 	snop  }
0x4: {  	_ = 	snop  }
0x5: {  	_ = 	snop  }
0x6: {  	_ = 	snop  }
0x7: {  	_ = 	snop  }
__scs_overlays_trampoline_lowered:
0x8: {  	[smem:$0x3FAD] =	sst s0  }
0x9: {  	[smem:$0x3FAE] =	sst s1  }
0xa: {  	[smem:$0x3FAF] =	sst s2  }
0xb: {  	[smem:$0x3FB0] =	sst s3  }
0xc: {  	[smem:$0x3FB1] =	sst s4  }
0xd: {  	[smem:$0x3FB2] =	sst s5  }
0xe: {  	[smem:$0x3FB3] =	sst s6  }
0xf: {  	[smem:$0x3FB4] =	sst s7  }
0x10: {  	[smem:$0x3FB5] =	sst s8  }
0x11: {  	[smem:$0x3FB6] =	sst s9;
	s0 =	simm.s32 @!p0 $0x0  }
0x12: {  	s1 =	sld [smem:$0x3F9C];
	s0 =	simm.s32 @p0 $0x1  }
0x13: {  	[smem:$0x3FB7] =	sst s0;
	s0 =	simm.s32 @!p1 $0x0  }
0x14: {  	s2 =	sld [smem:$0x3F9B];
	s0 =	simm.s32 @p1 $0x1  }
0x15: {  	[smem:$0x3FB8] =	sst s0;
	s0 =	simm.s32 @!p2 $0x0  }
0x16: {  	s3 =	sld [smem:$0x3FDB];
	s0 =	simm.s32 @p2 $0x1  }
0x17: {  	s4 =	simm.s32 $0x1BF5;
	[smem:$0x3FBA] =	sst s0  }
0x18: {  	s0 =	sld [smem:$0x3F9D];
	_ =	swait.ge [sflag:s4], $0x0  }
0x19: {  	s7 =	sld [smem:$0x3F9E]  }
0x1a: {  	s8 =	sadd.s32 $0xFFFFE003, lr  }
0x1b: {  	s9 =	sadd.s32 $0xFFFFFEF7, lr;
	s5 =	simm.s32 $0xFFFFFFFF;
	p2 =	slt.u32 s8, $0xFFFFF086  }
0x1c: {  	p1 =	slt.u32 s9, $0xF7A;
	s5 =	simm.s32 @!p2 $0x0  }
0x1d: {  	s5 =	simm.s32 @p1 $0x1;
	p0 =	seq.s32 s7, s2  }
0x1e: {  	s7 =	smul.u32 @!p0 $0xF7A, s2;
	p2 =	seq.s32 @!p0 s5, $0x0  }
0x1f: {  	s9 =	smul.u32 $0xF7A, s1;
	s8 =	simm.s32 @!p0 $0x1BF5;
	p2 =	por !p2, p0  }
0x20: {  	[sflag:s8] =	ssyncset.s32 @!p0 $0xFFFFF086;
	s6 =	sadd.s32 @!p0 s3, s7;
	s7 =	simm.s32 @!p0 $0x108  }
0x21: {  	s3 =	sadd.s32 s3, s9;
	s6 =	sadd.s32 @!p0 $0x88, s6;
	s7 =	simm.s32 @p2 $0x1082  }
0x22: {  	[simem:s7], [sflag:s8] =	dma.local @!p0 [hbm:s6], $0xF7A  }
0x23: {  	s9 =	sor.u32 $0xD0000000, s2;
	s6 =	simm.s32 $0x108;
	_ =	swait.ge @!p0 [sflag:s8], $0x0  }
0x24: {  	s3 =	sadd.s32 $0x88, s3;
	s6 =	simm.s32 @!p1 $0x1082;
	[sflag:s4] =	ssyncset.s32 $0xFFFFF086  }
0x25: {  	[simem:s6], [sflag:s4] =	dma.local [hbm:s3], $0xF7A  }
0x26: {  	[smem:$0x3F9E] =	sst s1;
	(tag) =	ssettag s2;
	_ =	strace s9  }
0x27: {  	s1 =	sld [smem:$0x3FAE]  }
0x28: {  	s2 =	sld [smem:$0x3FAF]  }
0x29: {  	s4 =	sld [smem:$0x3FB1]  }
0x2a: {  	p0 =	seq.s32 s5, $0x0;
	s5 =	sld [smem:$0x3FB2]  }
0x2b: {  	s6 =	sld [smem:$0x3FB3]  }
0x2c: {  	s7 =	sld [smem:$0x3FB4]  }
0x2d: {  	s3 =	simm.s32 $0x108;
	s8 =	sld [smem:$0x3FB5]  }
0x2e: {  	s3 =	simm.s32 @!p0 $0x1082;
	s9 =	sld [smem:$0x3FB6]  }
0x2f: {  	lr =	sadd.s32 s0, s3;
	s0 =	sld [smem:$0x3FAD]  }
0x30: {  	s3 =	sld [smem:$0x3FB0]  }
0x31: {  	[smem:$0x3FB9] =	sst s10  }
0x32: {  	s10 =	sld [smem:$0x3FB7];
	_ =	sdelay $0x3  }
0x33: {  	p0 =	seq.s32 s10, $0x1;
	s10 =	sld [smem:$0x3FB9];
	_ =	sdelay $0x3  }
0x34: {  	[smem:$0x3FB9] =	sst s10  }
0x35: {  	s10 =	sld [smem:$0x3FB8];
	_ =	sdelay $0x3  }
0x36: {  	p1 =	seq.s32 s10, $0x1;
	s10 =	sld [smem:$0x3FB9];
	_ =	sdelay $0x3  }
0x37: {  	[smem:$0x3FB9] =	sst s10  }
0x38: {  	s10 =	sld [smem:$0x3FBA]  }
0x39: {  	_ = 	snop;
	(pc) =	sbr.ind lr, $3  }
0x3a: {  	_ = 	snop  }
0x3b: {  	_ = 	snop  }
0x3c: {  	p2 =	seq.s32 s10, $0x1;
	s10 =	sld [smem:$0x3FB9]  }
0x3d: {  	_ =	shalt  }
0x3e: {  	_ =	shalt  }
0x3f: {  	_ =	shalt  }
0x40: {  	_ =	shalt  }
0x41: {  	_ =	shalt  }
0x42: {  	_ =	shalt  }
0x43: {  	_ =	shalt  }
0x44: {  	_ =	shalt  }
0x45: {  	_ =	shalt  }
0x46: {  	_ =	shalt  }
0x47: {  	_ =	shalt  }
0x48: {  	_ =	shalt  }
0x49: {  	_ =	shalt  }
0x4a: {  	_ =	shalt  }
0x4b: {  	_ =	shalt  }
0x4c: {  	_ =	shalt  }
0x4d: {  	_ =	shalt  }
0x4e: {  	_ =	shalt  }
0x4f: {  	_ =	shalt  }
0x50: {  	_ =	shalt  }
0x51: {  	_ =	shalt  }
0x52: {  	_ =	shalt  }
0x53: {  	_ =	shalt  }
0x54: {  	_ =	shalt  }
0x55: {  	_ =	shalt  }
0x56: {  	_ =	shalt  }
0x57: {  	_ =	shalt  }
0x58: {  	_ =	shalt  }
0x59: {  	_ =	shalt  }
0x5a: {  	_ =	shalt  }
0x5b: {  	_ =	shalt  }
0x5c: {  	_ =	shalt  }
0x5d: {  	_ =	shalt  }
0x5e: {  	_ =	shalt  }
0x5f: {  	_ =	shalt  }
0x60: {  	_ =	shalt  }
0x61: {  	_ =	shalt  }
0x62: {  	_ =	shalt  }
0x63: {  	_ =	shalt  }
0x64: {  	_ =	shalt  }
0x65: {  	_ =	shalt  }
0x66: {  	_ =	shalt  }
0x67: {  	_ =	shalt  }
0x68: {  	_ =	shalt  }
0x69: {  	_ =	shalt  }
0x6a: {  	_ =	shalt  }
0x6b: {  	_ =	shalt  }
0x6c: {  	_ =	shalt  }
0x6d: {  	_ =	shalt  }
0x6e: {  	_ =	shalt  }
0x6f: {  	_ =	shalt  }
0x70: {  	_ =	shalt  }
0x71: {  	_ =	shalt  }
0x72: {  	_ =	shalt  }
0x73: {  	_ =	shalt  }
0x74: {  	_ =	shalt  }
0x75: {  	_ =	shalt  }
0x76: {  	_ =	shalt  }
0x77: {  	_ =	shalt  }
0x78: {  	_ =	shalt  }
0x79: {  	_ =	shalt  }
0x7a: {  	_ =	shalt  }
0x7b: {  	_ =	shalt  }
0x7c: {  	_ =	shalt  }
0x7d: {  	_ =	shalt  }
0x7e: {  	_ =	shalt  }
0x7f: {  	_ =	shalt  }
0x80: {  	_ =	shalt  }
0x81: {  	_ =	shalt  }
0x82: {  	_ =	shalt  }
0x83: {  	_ =	shalt  }
0x84: {  	_ =	shalt  }
0x85: {  	_ =	shalt  }
0x86: {  	_ =	shalt  }
0x87: {  	_ =	shalt  }
.Lfunc_end0:
.L_simem_size_0:
called_computation_lowered:
.L_overlay_start_0:
0x88: {  	s2 =	sld [smem:$0x3FD9]  }
0x89: {  	s3 =	sld [smem:$0x3FFE];
	_ =	sdelay $0x1  }
0x8a: {  	s1 =	srdreg.scid  }
0x8b: {  	s0 =	sand.u32 $0x1, s1  }
0x8c: {  	s17 =	sshll.u32 s0, $0xA;
	s2 =	sadd.s32 s3, s2  }
0x8d: {  	s2 =	sadd.s32 s2, s17  }
0x8e: {  	[smem:$0x3FC5] =	sst s2  }
0x8f: {  	_ = 	snop  }
0x90: {  	s2 =	sld [smem:$0x3FC9]  }
0x91: {  	s18 =	sld [smem:$0x3FC8]  }
0x92: {  	s4 =	sld [smem:$0x3FC7];
	(tm) =	ssettm $0x1  }
0x93: {  	s5 =	sld [smem:$0x3FFB];
	_ =	sdelay $0x3  }
0x94: {  	_ =	strace s5  }
0x95: {  	s5 =	sld [smem:$0x3FFC];
	_ =	sdelay $0x3  }
0x96: {  	_ =	strace s5  }
0x97: {  	s5 =	sld [smem:$0x3FFD];
	_ =	sdelay $0x3  }
0x98: {  	_ =	strace s5  }
0x99: {  	_ =	strace $0x8FFFFFFF  }
0x9a: {  	s19 =	sld [smem:$0x3FDB];
	_ =	sdelay $0x1  }
0x9b: {  	s6 =	simm.s32 $_scs_section_size  }
0x9c: {  	s7 =	simm.s32 $_size__tile_overlayer_lowered;
	s8 =	simm.s32 $_tile_overlayer_lowered  }
0x9d: {  	s22 =	simm.s32 $0x1BFF;
	s21 =	sshll.u32 s8, $0x1;
	s5 =	sadd.s32 s6, s19  }
0x9e: {  	s9 =	simm.s32 $0x0;
	s20 =	sshll.u32 s7, $0x1;
	s7 =	sadd.s32 s21, s5  }
0x9f: {  	[timem:s9], [sflag:s22] =	dma.local [hbm:s7], s20  }
0xa0: {  	_ =	swait.ge [sflag:s22], s20  }
0xa1: {  	s6 =	ssub.s32 $0x0, s20;
	[sflag:s22] =	ssyncset.done $0x0  }
0xa2: {  	[sflag:s22] =	ssyncadd.s32 s6;
	_ =	sdelay $0x1  }
0xa3: {  	s23 =	simm.s32 $0x1B8B  }
0xa4: {  	_ =	swait.ge [sflag:s23], $0x1  }
0xa5: {  	[sflag:s23] =	ssyncset.done $0x0  }
0xa6: {  	s25 =	simm.s32 $0x1B8E;
	s24 =	sld [smem:$0x3FFE];
	[sflag:s23] =	ssyncadd.s32 $0xFFFFFFFF  }
0xa7: {  	s26 =	simm.s32 $execute0_lowered;
	[smem:$0x3FD2] =	sst s25  }
0xa8: {  	s7 =	sshll.u32 s26, $0x1;
	_ =	strace $0x80000046;
	[dreg:$0x1] =	wrdreg $0xFFFFFFFF  }
0xa9: {  	s28 =	simm.s32 $_size_execute0_lowered;
	s5 =	sadd.s32 s5, s7;
	[dreg:$0x0] =	wrdreg $0x0  }
0xaa: {  	s7 =	sshll.u32 s28, $0x1;
	[dreg:$0x2] =	wrdreg s5  }
0xab: {  	[dreg:$0x3] =	wrdreg s7  }
0xac: {  	[dreg:$0x4] =	wrdreg $0xC0  }
0xad: {  	_ =	task [dreg:s9], $0x5FFFF  }
0xae: {  	[dreg:$0x1] =	wrdreg $0xFFFFFFFF  }
0xaf: {  	[dreg:$0x0] =	wrdreg $0x60  }
0xb0: {  	[dreg:$0x2] =	wrdreg s2  }
0xb1: {  	[dreg:$0x3] =	wrdreg s18  }
0xb2: {  	[dreg:$0x4] =	wrdreg s4  }
0xb3: {  	[dreg:$0x5] =	wrdreg s24  }
0xb4: {  	[dreg:$0x6] =	wrdreg $0x9  }
0xb5: {  	_ =	task.clear_ibuf [dreg:s9], $0x7FFFF;
	_ =	strace $0x90000046  }
0xb6: {  	s29 =	simm.s32 $0x9;
	_ =	strace $0x80000048  }
0xb7: {  	_ =	swait.ge [sflag:s29], $0x1  }
0xb8: {  	[sflag:s29] =	ssyncadd.s32 $0xFFFFFFFF  }
0xb9: {  	_ =	strace $0x90000048  }
0xba: {  	_ =	sfence  }
0xbb: {  	s30 =	sld [smem:$0x0];
	_ =	sdelay $0x2  }
0xbc: {  	s31 =	sshll.u32 s1, $0xD;
	s1 =	sshrl.u32 s1, $0x2  }
0xbd: {  	s3 =	sand.u32 $0x4000, s31;
	s1 =	sadd.s32 s1, s30  }
0xbe: {  	s0 =	sor.u32 s3, s0;
	s1 =	sshll.u32 s1, $0x11  }
0xbf: {  	s0 =	sor.u32 s1, s0  }
0xc0: {  	s0 =	sadd.s32 $0x8F2B, s0  }
0xc1: {  	[sflag:s0] =	ssyncadd.remote.s32 $0x1  }
0xc2: {  	_ =	sfence.sel $0xFFFF  }
0xc3: {  	[dreg:$0x0] =	wrdreg $0xFFFFFFFF;
	(pc) =	sbr.abs _section_cstart, $3  }
0xc4: {  	[dreg:$0x1] =	wrdreg $0xFFFFFFFF  }
0xc5: {  	_ =	task.clear_ibuf [dreg:s9], $0x2FFFF;
	_ =	strace $0x9FFFFFFF  }
0xc6: {  	(tm) =	ssettm $0x7FFFFFFF  }
0xc7: {  	_ =	shalt  }
tec
execute0_lowered:
.L_overlay_start_1:
0x0: {  	(tag) =	ssettag $0x1  }
0x1: {  	s0 =	rddreg [dreg:$0x0]  }
0x2: {  	s1 =	srdreg.scid;
	s2 =	rddreg [dreg:$0x1]  }
0x3: {  	s3 =	stileid.u32;
	s4 =	rddreg [dreg:$0x2]  }
0x4: {  	s15 =	rddreg [dreg:$0x3];
	s1 =	sand.u32 $0x1, s1;
	s3 =	sshll.u32 s3, $0x1  }
0x5: {  	s31 =	simm.s32 $0x4000;
	s5 =	ssub.s32 $0x2, s1;
	s3 =	sor.u32 s1, s3  }
0x6: {  	s1 =	simm.s32 $0x0;
	s6 =	sshrl.u32 s5, $0x1;
	s7 =	sshll.u32 s3, $0xE  }
0x7: {  	[smem:$0x7FF] =	sst s1;
	s5 =	ssub.s32 s5, s6;
	s18 =	sor.u32 $0x800, s7  }
0x8: {  	s20 =	sor.u32 $0x1000, s7;
	s22 =	sor.u32 $0x1800, s7;
	s25 =	sor.u32 $0x2000, s7  }
0x9: {  	s10 =	sor.u32 $0x2800, s7;
	s12 =	sor.u32 $0x3000, s7;
	s8 =	sadd.s32 s0, s18  }
0xa: {  	s14 =	sor.u32 $0x3800, s7;
	s19 =	sadd.s32 s2, s18;
	[dreg:$0x5] =	wrdreg s8  }
0xb: {  	s6 =	sadd.s32 s4, s18;
	s21 =	sadd.s32 s0, s20;
	[dreg:$0x6] =	wrdreg s19  }
0xc: {  	s9 =	sadd.s32 s2, s20;
	s23 =	sadd.s32 s0, s22;
	[dreg:$0x7] =	wrdreg s6  }
0xd: {  	s24 =	sadd.s32 s2, s22;
	s26 =	sadd.s32 s0, s25;
	[dreg:$0x8] =	wrdreg s21  }
0xe: {  	s11 =	sadd.s32 s0, s10;
	s13 =	sadd.s32 s2, s10;
	[dreg:$0x9] =	wrdreg s9  }
0xf: {  	s16 =	sadd.s32 s4, s10;
	s17 =	sadd.s32 s0, s12;
	[dreg:$0xb] =	wrdreg s23  }
0x10: {  	s18 =	sadd.s32 s2, s12;
	s29 =	smax.u32 s5, $0x1;
	[dreg:$0xc] =	wrdreg s24  }
0x11: {  	s5 =	simm.s32 $0x2;
	s8 =	sadd.s32 s4, s20;
	[dreg:$0xe] =	wrdreg s26  }
0x12: {  	s6 =	sadd.s32 s4, s22;
	s9 =	sadd.s32 s2, s25;
	[dreg:$0x11] =	wrdreg s11  }
0x13: {  	[dreg:$0x12] =	wrdreg s13;
	s19 =	sadd.s32 s4, s12;
	s20 =	sadd.s32 s0, s7  }
0x14: {  	s21 =	sadd.s32 s2, s7;
	s22 =	sadd.s32 s4, s7;
	s24 =	sadd.s32 s0, s14  }
0x15: {  	s26 =	sadd.s32 s4, s14;
	s23 =	sshll.u32 s3, $0x4;
	[dreg:$0xa] =	wrdreg s8  }
0x16: {  	s0 =	simm.s32 $0xC000;
	s3 =	simm.s32 $0x14000;
	[dreg:$0xd] =	wrdreg s6  }
0x17: {  	s7 =	simm.s32 $0x0;
	[dreg:$0xf] =	wrdreg s9;
	s6 =	sadd.s32 s4, s25  }
0x18: {  	s25 =	sadd.s32 s2, s14;
	s28 =	sadd.s32 s15, s23;
	s23 =	simm.s32 $0x8000  }
0x19: {  	s2 =	simm.s32 $0x10000;
	s4 =	simm.s32 $0x1;
	[dreg:$0x10] =	wrdreg s6  }
0x1a: {  	v0 =	vimm.f32 $0.0e+00;
	s30 =	sadd.s32 $0x200, s28;
	s6 =	simm.s32 $0x3;
	_ =	strace $0x80000047  }
.LBB2_1:
0x1b: {  	[tilespmem:s1], [sflag:$0x1] =	stream.linear.gather [hbm4b:s20+s1], $0x4000, $0x38;
	[tilespmem:$0x18100] =	vst v63  }
0x1c: {  	_ = 	snop  }
0x1d: {  	[tilespmem:s31], [sflag:$0x1] =	stream.linear.gather [hbm4b:s21+s1], $0x4000, $0x38;
	[tilespmem:$0x18100] =	vst v63  }
0x1e: {  	_ = 	snop  }
0x1f: {  	[tilespmem:s23], [sflag:$0x1] =	stream.linear.gather [hbm4b:s22+s1], $0x4000, $0x38;
	[tilespmem:$0x18100] =	vst v63  }
0x20: {  	s8 =	rddreg [dreg:$0x5]  }
0x21: {  	[tilespmem:s0], [sflag:$0x2] =	stream.linear.gather [hbm4b:s8+s1], $0x4000, $0x38;
	[tilespmem:$0x18100] =	vst v63  }
0x22: {  	s14 =	rddreg [dreg:$0x6]  }
0x23: {  	[tilespmem:s2], [sflag:$0x2] =	stream.linear.gather [hbm4b:s14+s1], $0x4000, $0x38;
	[tilespmem:$0x18100] =	vst v63  }
0x24: {  	s15 =	rddreg [dreg:$0x7]  }
0x25: {  	[tilespmem:s3], [sflag:$0x2] =	stream.linear.gather [hbm4b:s15+s1], $0x4000, $0x38;
	[tilespmem:$0x18100] =	vst v63  }
0x26: {  	_ =	swait.ge [sflag:s4], $0x4000  }
0x27: {  	[sflag:s4] =	ssyncset.done $0x0  }
0x28: {  	[sflag:s4] =	ssyncadd.s32 $0xFFFFC000  }
0x29: {  	_ =	swait.ge [sflag:s4], $0x4000  }
0x2a: {  	[sflag:s4] =	ssyncset.done $0x0  }
0x2b: {  	[sflag:s4] =	ssyncadd.s32 $0xFFFFC000  }
0x2c: {  	v8 =	vimm.f32 $0.0e+00;
	v2 =	vimm.f32 $0.0e+00;
	_ =	swait.ge [sflag:s4], $0x4000  }
0x2d: {  	v3 =	vimm.f32 $0.0e+00;
	v1 =	vimm.f32 $0.0e+00;
	v7 =	vimm.f32 $0.0e+00;
	[sflag:s4] =	ssyncset.done $0x0  }
0x2e: {  	v5 =	vimm.f32 $0.0e+00;
	v6 =	vimm.f32 $0.0e+00;
	v4 =	vimm.f32 $0.0e+00;
	s8 =	simm.s32 $0x0;
	[sflag:s4] =	ssyncadd.s32 $0xFFFFC000  }
.LBB2_2:
0x2f: {  	s9 =	sshll.u32 s8, $0x7  }
0x30: {  	v11 =	vmov s9;
	_ =	sdelay $0x1  }
0x31: {  	s11 =	simm.s32 $0x0;
	s10 =	sadd.s32 $0x4000, s9  }
0x32: {  	s9 =	sadd.s32 $0x8000, s9;
	s12 =	sand.u32 $0x3C00, s11;
	v10 =	vmov s10;
	s10 =	sand.u32 $0x40, s11  }
0x33: {  	v9 =	vmov s9;
	s9 =	sor.u32 s10, s12  }
0x34: {  	s10 =	sor.u32 $0x30, s9;
	v13 =	vld.idx.msk [tilespmem:v11+s9+$0x0 ss:$0x1], $0xffff  }
0x35: {  	s13 =	sor.u32 $0x10, s9;
	v12 =	vld.idx.msk [tilespmem:v11+s10+$0x0 ss:$0x1], $0xffff  }
0x36: {  	s14 =	sor.u32 $0x20, s9;
	v16 =	vld.idx.msk [tilespmem:v11+s13+$0x0 ss:$0x1], $0xffff  }
0x37: {  	v18 =	vld.idx.msk [tilespmem:v11+s14+$0x0 ss:$0x1], $0xffff  }
0x38: {  	v14 =	vld.idx.msk [tilespmem:v10+s10+$0x0 ss:$0x1], $0xffff  }
0x39: {  	v15 =	vld.idx.msk [tilespmem:v9+s10+$0x0 ss:$0x1], $0xffff  }
0x3a: {  	v17 =	vld.idx.msk [tilespmem:v10+s13+$0x0 ss:$0x1], $0xffff  }
0x3b: {  	s15 =	simm.s32 $0x200;
	s12 =	simm.s32 $0x40;
	v20 =	vld.idx.msk [tilespmem:v10+s9+$0x0 ss:$0x1], $0xffff  }
0x3c: {  	s11 =	sand.u32 $0x3C00, s15;
	s12 =	sand.u32 $0x40, s12;
	v21 =	vld.idx.msk [tilespmem:v9+s13+$0x0 ss:$0x1], $0xffff  }
0x3d: {  	s12 =	sor.u32 s12, s11;
	v22 =	vld.idx.msk [tilespmem:v9+s14+$0x0 ss:$0x1], $0xffff  }
0x3e: {  	s11 =	sor.u32 $0x30, s12;
	v23 =	vld.idx.msk [tilespmem:v9+s9+$0x0 ss:$0x1], $0xffff  }
0x3f: {  	v24 =	vld.idx.msk [tilespmem:v11+s11+$0x0 ss:$0x1], $0xffff  }
0x40: {  	v25 =	vld.idx.msk [tilespmem:v10+s11+$0x0 ss:$0x1], $0xffff  }
0x41: {  	v19 =	vld.idx.msk [tilespmem:v10+s14+$0x0 ss:$0x1], $0xffff  }
0x42: {  	v14 =	vsub.f32 v12, v14  }
0x43: {  	vm0 =	veq.s32 v15, $0x1;
	v16 =	vsub.f32 v16, v17;
	v17 =	vsub.f32 v13, v20  }
0x44: {  	s13 =	sor.u32 $0x10, s12;
	v12 =	vld.idx.msk [tilespmem:v11+s12+$0x0 ss:$0x1], $0xffff;
	vm13 =	veq.s32 v21, $0x1;
	vm14 =	veq.s32 v22, $0x1;
	vm1 =	veq.s32 v23, $0x1  }
0x45: {  	v20 =	vld.idx.msk [tilespmem:v11+s13+$0x0 ss:$0x1], $0xffff;
	v24 =	vsub.f32 v24, v25;
	v15 =	vsel vm0, $0x3F800000, v0;
	v23 =	vsel vm14, $0x3F800000, v0  }
0x46: {  	v14 =	vnsel vm0, $0x0, v14;
	v8 =	vadd.f32 v15, v8;
	v15 =	vsub.f32 v18, v19;
	v18 =	vld.idx.msk [tilespmem:v9+s11+$0x0 ss:$0x1], $0xffff  }
0x47: {  	s14 =	sor.u32 $0x20, s12;
	v21 =	vld.idx.msk [tilespmem:v10+s13+$0x0 ss:$0x1], $0xffff;
	v13 =	vnsel vm13, $0x0, v16;
	v19 =	vsel vm13, $0x3F800000, v0;
	v17 =	vnsel vm1, $0x0, v17  }
0x48: {  	v2 =	vadd.f32 v23, v2;
	v14 =	vmul.f32 v14, v14;
	v16 =	vmul.f32 v13, v13;
	v13 =	vld.idx.msk [tilespmem:v11+s14+$0x0 ss:$0x1], $0xffff  }
0x49: {  	v26 =	vmul.f32 v17, v17;
	v3 =	vadd.f32 v19, v3;
	v19 =	vld.idx.msk [tilespmem:v9+s12+$0x0 ss:$0x1], $0xffff;
	v15 =	vnsel vm14, $0x0, v15  }
0x4a: {  	v17 =	vsel vm1, $0x3F800000, v0;
	v7 =	vadd.f32 v14, v7;
	v22 =	vmul.f32 v15, v15;
	v14 =	vld.idx.msk [tilespmem:v10+s14+$0x0 ss:$0x1], $0xffff  }
0x4b: {  	s15 =	simm.s32 $0x80;
	s10 =	simm.s32 $0x400;
	v6 =	vadd.f32 v16, v6;
	v15 =	vld.idx.msk [tilespmem:v10+s12+$0x0 ss:$0x1], $0xffff;
	v4 =	vadd.f32 v26, v4;
	vm15 =	veq.s32 v18, $0x1  }
0x4c: {  	s11 =	sand.u32 $0x40, s15;
	v16 =	vld.idx.msk [tilespmem:v9+s13+$0x0 ss:$0x1], $0xffff;
	s13 =	sand.u32 $0x3C00, s10;
	v5 =	vadd.f32 v22, v5;
	v22 =	vnsel vm15, $0x0, v24;
	v63 =	vsel vm15, $0x3F800000, v0  }
0x4d: {  	v20 =	vsub.f32 v20, v21;
	s9 =	sor.u32 s11, s13;
	s11 =	simm.s32 $0xC0;
	v18 =	vld.idx.msk [tilespmem:v9+s14+$0x0 ss:$0x1], $0xffff;
	v21 =	vmul.f32 v22, v22;
	v8 =	vadd.f32 v63, v8  }
.LBB2_3:
0x4e: {  	p0 =	sne.s32 s11, $0x7C0;
	v22 =	vld.idx.msk [tilespmem:v11+s9+$0x0 ss:$0x1], $0xffff;
	s12 =	sor.u32 $0x10, s9;
	s13 =	sor.u32 $0x30, s9;
	v1 =	vadd.f32 v17, v1  }
0x4f: {  	s14 =	sor.u32 $0x20, s9;
	v13 =	vsub.f32 v13, v14;
	v23 =	vld.idx.msk [tilespmem:v11+s13+$0x0 ss:$0x1], $0xffff;
	v7 =	vadd.f32 v21, v7  }
0x50: {  	v12 =	vsub.f32 v12, v15;
	v21 =	vld.idx.msk [tilespmem:v10+s13+$0x0 ss:$0x1], $0xffff  }
0x51: {  	vm0 =	veq.s32 v16, $0x1;
	v24 =	vld.idx.msk [tilespmem:v9+s13+$0x0 ss:$0x1], $0xffff  }
0x52: {  	v14 =	vnsel vm0, $0x0, v20;
	v20 =	vsel vm0, $0x3F800000, v0;
	vm0 =	veq.s32 v18, $0x1;
	v25 =	vld.idx.msk [tilespmem:v11+s12+$0x0 ss:$0x1], $0xffff  }
0x53: {  	vm1 =	veq.s32 v19, $0x1;
	v15 =	vmul.f32 v14, v14;
	v14 =	vnsel vm0, $0x0, v13;
	v26 =	vld.idx.msk [tilespmem:v10+s12+$0x0 ss:$0x1], $0xffff  }
0x54: {  	v19 =	vsel vm0, $0x3F800000, v0;
	v16 =	vnsel vm1, $0x0, v12;
	v18 =	vmul.f32 v14, v14;
	v12 =	vmovc v22;
	v13 =	vld.idx.msk [tilespmem:v11+s14+$0x0 ss:$0x1], $0xffff  }
.Ltmp0:
0x55: {  	v17 =	vsel vm1, $0x3F800000, v0;
	v22 =	vmul.f32 v16, v16;
	v6 =	vadd.f32 v15, v6;
	v14 =	vld.idx.msk [tilespmem:v10+s14+$0x0 ss:$0x1], $0xffff;
	(pc) =	sbr.rel @p0 .LBB2_3-.Ltmp0, $4  }
0x56: {  	v21 =	vsub.f32 v23, v21;
	v5 =	vadd.f32 v18, v5;
	v15 =	vld.idx.msk [tilespmem:v10+s9+$0x0 ss:$0x1], $0xffff  }
0x57: {  	s10 =	sadd.s32 $0x200, s10;
	v3 =	vadd.f32 v20, v3;
	vm0 =	veq.s32 v24, $0x1;
	v4 =	vadd.f32 v22, v4;
	v16 =	vld.idx.msk [tilespmem:v9+s12+$0x0 ss:$0x1], $0xffff  }
0x58: {  	s13 =	sand.u32 $0x3C00, s10;
	v2 =	vadd.f32 v19, v2;
	s12 =	sand.u32 $0x40, s11;
	v21 =	vnsel vm0, $0x0, v21;
	v22 =	vsel vm0, $0x3F800000, v0;
	v18 =	vld.idx.msk [tilespmem:v9+s14+$0x0 ss:$0x1], $0xffff  }
0x59: {  	s11 =	sadd.s32 $0x40, s11;
	v20 =	vsub.f32 v25, v26;
	v21 =	vmul.f32 v21, v21;
	v8 =	vadd.f32 v22, v8;
	v19 =	vld.idx.msk [tilespmem:v9+s9+$0x0 ss:$0x1], $0xffff;
	s9 =	sor.u32 s12, s13  }
0x5a: {  	_ =	sdelay $0x3  }
0x5b: {  	v22 =	vld.idx.msk [tilespmem:v11+s9+$0x0 ss:$0x1], $0xffff;
	s10 =	sor.u32 $0x30, s9  }
0x5c: {  	v23 =	vld.idx.msk [tilespmem:v11+s10+$0x0 ss:$0x1], $0xffff  }
0x5d: {  	v24 =	vld.idx.msk [tilespmem:v10+s10+$0x0 ss:$0x1], $0xffff  }
0x5e: {  	s11 =	sor.u32 $0x10, s9;
	v25 =	vld.idx.msk [tilespmem:v9+s10+$0x0 ss:$0x1], $0xffff  }
0x5f: {  	v26 =	vld.idx.msk [tilespmem:v11+s11+$0x0 ss:$0x1], $0xffff  }
0x60: {  	s15 =	sor.u32 $0x20, s9;
	v53 =	vld.idx.msk [tilespmem:v10+s11+$0x0 ss:$0x1], $0xffff  }
0x61: {  	v11 =	vld.idx.msk [tilespmem:v11+s15+$0x0 ss:$0x1], $0xffff  }
0x62: {  	v1 =	vadd.f32 v17, v1;
	v55 =	vld.idx.msk [tilespmem:v10+s15+$0x0 ss:$0x1], $0xffff  }
0x63: {  	v13 =	vsub.f32 v13, v14;
	v12 =	vsub.f32 v12, v15;
	v10 =	vld.idx.msk [tilespmem:v10+s9+$0x0 ss:$0x1], $0xffff;
	vm0 =	veq.s32 v16, $0x1  }
0x64: {  	v7 =	vadd.f32 v21, v7;
	v56 =	vld.idx.msk [tilespmem:v9+s11+$0x0 ss:$0x1], $0xffff;
	v54 =	vnsel vm0, $0x0, v20;
	v16 =	vsel vm0, $0x3F800000, v0  }
0x65: {  	v58 =	vld.idx.msk [tilespmem:v9+s15+$0x0 ss:$0x1], $0xffff;
	vm11 =	veq.s32 v18, $0x1;
	vm1 =	veq.s32 v19, $0x1;
	v15 =	vmul.f32 v54, v54  }
0x66: {  	v9 =	vld.idx.msk [tilespmem:v9+s9+$0x0 ss:$0x1], $0xffff;
	v13 =	vnsel vm11, $0x0, v13;
	v18 =	vsel vm11, $0x3F800000, v0;
	v3 =	vadd.f32 v16, v3  }
0x67: {  	v12 =	vnsel vm1, $0x0, v12;
	v13 =	vmul.f32 v13, v13;
	v19 =	vsel vm1, $0x3F800000, v0  }
0x68: {  	v2 =	vadd.f32 v18, v2;
	v12 =	vmul.f32 v12, v12;
	v6 =	vadd.f32 v15, v6  }
0x69: {  	v57 =	vsub.f32 v23, v24;
	vm12 =	veq.s32 v25, $0x1;
	v14 =	vsub.f32 v26, v53  }
0x6a: {  	v11 =	vsub.f32 v11, v55;
	vm13 =	veq.s32 v56, $0x1;
	v10 =	vsub.f32 v22, v10  }
0x6b: {  	vm14 =	veq.s32 v58, $0x1;
	vm15 =	veq.s32 v9, $0x1;
	v1 =	vadd.f32 v19, v1  }
0x6c: {  	v5 =	vadd.f32 v13, v5;
	v60 =	vsel vm12, $0x3F800000, v0;
	v62 =	vsel vm13, $0x3F800000, v0  }
0x6d: {  	s8 =	sadd.s32 $0x1, s8;
	v63 =	vsel vm14, $0x3F800000, v0;
	v4 =	vadd.f32 v12, v4;
	v59 =	vnsel vm12, $0x0, v57  }
0x6e: {  	p0 =	sne.s32 s8, $0x8;
	v8 =	vadd.f32 v60, v8;
	v61 =	vnsel vm13, $0x0, v14;
	v9 =	vnsel vm14, $0x0, v11  }
.Ltmp1:
0x6f: {  	v10 =	vnsel vm15, $0x0, v10;
	v3 =	vadd.f32 v62, v3;
	v9 =	vmul.f32 v9, v9;
	(pc) =	sbr.rel @p0 .LBB2_2-.Ltmp1, $4  }
0x70: {  	v2 =	vadd.f32 v63, v2;
	v12 =	vmul.f32 v59, v59;
	v11 =	vmul.f32 v61, v61  }
0x71: {  	v10 =	vmul.f32 v10, v10;
	v5 =	vadd.f32 v9, v5;
	v9 =	vsel vm15, $0x3F800000, v0  }
0x72: {  	v7 =	vadd.f32 v12, v7;
	v1 =	vadd.f32 v9, v1  }
0x73: {  	v6 =	vadd.f32 v11, v6;
	v4 =	vadd.f32 v10, v4  }
0x74: {  	s8 =	simm.s32 $0x0;
	s9 =	rddreg [dreg:$0x8]  }
0x75: {  	[tilespmem:s8], [sflag:$0x1] =	stream.linear.gather [hbm4b:s9+s8], $0x4000, $0x38;
	[tilespmem:$0x18100] =	vst v63  }
0x76: {  	s14 =	rddreg [dreg:$0x9]  }
0x77: {  	[tilespmem:s31], [sflag:$0x1] =	stream.linear.gather [hbm4b:s14+s8], $0x4000, $0x38;
	[tilespmem:$0x18100] =	vst v63  }
0x78: {  	s15 =	rddreg [dreg:$0xa]  }
0x79: {  	[tilespmem:s23], [sflag:$0x1] =	stream.linear.gather [hbm4b:s15+s8], $0x4000, $0x38;
	[tilespmem:$0x18100] =	vst v63  }
0x7a: {  	_ =	swait.ge [sflag:s5], $0x4000  }
0x7b: {  	[sflag:s5] =	ssyncset.done $0x0  }
0x7c: {  	[sflag:s5] =	ssyncadd.s32 $0xFFFFC000  }
0x7d: {  	_ =	swait.ge [sflag:s5], $0x4000  }
0x7e: {  	[sflag:s5] =	ssyncset.done $0x0  }
0x7f: {  	[sflag:s5] =	ssyncadd.s32 $0xFFFFC000  }
0x80: {  	_ =	swait.ge [sflag:s5], $0x4000  }
0x81: {  	[sflag:s5] =	ssyncset.done $0x0  }
0x82: {  	s9 =	simm.s32 $0x0;
	[sflag:s5] =	ssyncadd.s32 $0xFFFFC000  }
.LBB2_6:
0x83: {  	s10 =	sshll.u32 s9, $0x7  }
0x84: {  	s11 =	sadd.s32 $0xC000, s10  }
0x85: {  	v11 =	vmov s11  }
0x86: {  	s15 =	sadd.s32 $0x10000, s10  }
0x87: {  	s10 =	sadd.s32 $0x14000, s10;
	v10 =	vmov s15  }
0x88: {  	s12 =	sand.u32 $0x40, s8;
	s13 =	sand.u32 $0x3C00, s8;
	v9 =	vmov s10  }
0x89: {  	s10 =	sor.u32 s12, s13  }
0x8a: {  	s11 =	sor.u32 $0x30, s10;
	v13 =	vld.idx.msk [tilespmem:v11+s10+$0x0 ss:$0x1], $0xffff  }
0x8b: {  	v12 =	vld.idx.msk [tilespmem:v11+s11+$0x0 ss:$0x1], $0xffff  }
0x8c: {  	v14 =	vld.idx.msk [tilespmem:v10+s11+$0x0 ss:$0x1], $0xffff  }
0x8d: {  	s12 =	sor.u32 $0x10, s10;
	v15 =	vld.idx.msk [tilespmem:v9+s11+$0x0 ss:$0x1], $0xffff  }
0x8e: {  	v16 =	vld.idx.msk [tilespmem:v11+s12+$0x0 ss:$0x1], $0xffff  }
0x8f: {  	v17 =	vld.idx.msk [tilespmem:v10+s12+$0x0 ss:$0x1], $0xffff  }
0x90: {  	v20 =	vld.idx.msk [tilespmem:v10+s10+$0x0 ss:$0x1], $0xffff  }
0x91: {  	s14 =	sor.u32 $0x20, s10;
	v21 =	vld.idx.msk [tilespmem:v9+s12+$0x0 ss:$0x1], $0xffff  }
0x92: {  	s13 =	simm.s32 $0x40;
	s15 =	simm.s32 $0x200;
	v22 =	vld.idx.msk [tilespmem:v9+s14+$0x0 ss:$0x1], $0xffff  }
0x93: {  	s13 =	sand.u32 $0x40, s13;
	s12 =	sand.u32 $0x3C00, s15;
	v23 =	vld.idx.msk [tilespmem:v9+s10+$0x0 ss:$0x1], $0xffff  }
0x94: {  	v18 =	vld.idx.msk [tilespmem:v11+s14+$0x0 ss:$0x1], $0xffff;
	s13 =	sor.u32 s13, s12  }
0x95: {  	v19 =	vld.idx.msk [tilespmem:v10+s14+$0x0 ss:$0x1], $0xffff;
	s12 =	sor.u32 $0x30, s13  }
0x96: {  	v24 =	vld.idx.msk [tilespmem:v11+s12+$0x0 ss:$0x1], $0xffff;
	v14 =	vsub.f32 v12, v14  }
0x97: {  	v25 =	vld.idx.msk [tilespmem:v10+s12+$0x0 ss:$0x1], $0xffff;
	vm0 =	veq.s32 v15, $0x1;
	v16 =	vsub.f32 v16, v17;
	v17 =	vsub.f32 v13, v20  }
0x98: {  	s14 =	sor.u32 $0x10, s13;
	v12 =	vld.idx.msk [tilespmem:v11+s13+$0x0 ss:$0x1], $0xffff;
	vm13 =	veq.s32 v21, $0x1;
	vm14 =	veq.s32 v22, $0x1;
	vm1 =	veq.s32 v23, $0x1  }
0x99: {  	v20 =	vld.idx.msk [tilespmem:v11+s14+$0x0 ss:$0x1], $0xffff;
	v15 =	vsel vm0, $0x3F800000, v0;
	v23 =	vsel vm14, $0x3F800000, v0;
	v14 =	vnsel vm0, $0x0, v14  }
0x9a: {  	v8 =	vadd.f32 v15, v8;
	v15 =	vsub.f32 v18, v19;
	v18 =	vld.idx.msk [tilespmem:v9+s12+$0x0 ss:$0x1], $0xffff;
	v13 =	vnsel vm13, $0x0, v16  }
0x9b: {  	s10 =	sor.u32 $0x20, s13;
	v21 =	vld.idx.msk [tilespmem:v10+s14+$0x0 ss:$0x1], $0xffff;
	v19 =	vsel vm13, $0x3F800000, v0;
	v17 =	vnsel vm1, $0x0, v17;
	v14 =	vmul.f32 v14, v14  }
0x9c: {  	v2 =	vadd.f32 v23, v2;
	v16 =	vmul.f32 v13, v13;
	v13 =	vld.idx.msk [tilespmem:v11+s10+$0x0 ss:$0x1], $0xffff;
	v26 =	vmul.f32 v17, v17  }
0x9d: {  	v17 =	vsel vm1, $0x3F800000, v0;
	v3 =	vadd.f32 v19, v3;
	v19 =	vld.idx.msk [tilespmem:v9+s13+$0x0 ss:$0x1], $0xffff;
	v15 =	vnsel vm14, $0x0, v15  }
0x9e: {  	v24 =	vsub.f32 v24, v25;
	v7 =	vadd.f32 v14, v7;
	v22 =	vmul.f32 v15, v15;
	v14 =	vld.idx.msk [tilespmem:v10+s10+$0x0 ss:$0x1], $0xffff  }
0x9f: {  	s15 =	simm.s32 $0x80;
	s11 =	simm.s32 $0x400;
	v6 =	vadd.f32 v16, v6;
	v15 =	vld.idx.msk [tilespmem:v10+s13+$0x0 ss:$0x1], $0xffff;
	v4 =	vadd.f32 v26, v4;
	vm15 =	veq.s32 v18, $0x1  }
0xa0: {  	s12 =	sand.u32 $0x40, s15;
	v16 =	vld.idx.msk [tilespmem:v9+s14+$0x0 ss:$0x1], $0xffff;
	s14 =	sand.u32 $0x3C00, s11;
	v5 =	vadd.f32 v22, v5;
	v22 =	vnsel vm15, $0x0, v24;
	v63 =	vsel vm15, $0x3F800000, v0  }
0xa1: {  	v20 =	vsub.f32 v20, v21;
	v18 =	vld.idx.msk [tilespmem:v9+s10+$0x0 ss:$0x1], $0xffff;
	s10 =	sor.u32 s12, s14;
	s12 =	simm.s32 $0xC0;
	v21 =	vmul.f32 v22, v22;
	v8 =	vadd.f32 v63, v8  }
.LBB2_7:
0xa2: {  	p0 =	sne.s32 s12, $0x7C0;
	v22 =	vld.idx.msk [tilespmem:v11+s10+$0x0 ss:$0x1], $0xffff;
	s13 =	sor.u32 $0x10, s10;
	s14 =	sor.u32 $0x30, s10;
	v1 =	vadd.f32 v17, v1  }
0xa3: {  	s15 =	sor.u32 $0x20, s10;
	v13 =	vsub.f32 v13, v14;
	v23 =	vld.idx.msk [tilespmem:v11+s14+$0x0 ss:$0x1], $0xffff;
	v7 =	vadd.f32 v21, v7  }
0xa4: {  	v12 =	vsub.f32 v12, v15;
	v21 =	vld.idx.msk [tilespmem:v10+s14+$0x0 ss:$0x1], $0xffff  }
0xa5: {  	vm0 =	veq.s32 v16, $0x1;
	v24 =	vld.idx.msk [tilespmem:v9+s14+$0x0 ss:$0x1], $0xffff  }
0xa6: {  	v14 =	vnsel vm0, $0x0, v20;
	v20 =	vsel vm0, $0x3F800000, v0;
	vm0 =	veq.s32 v18, $0x1;
	v25 =	vld.idx.msk [tilespmem:v11+s13+$0x0 ss:$0x1], $0xffff  }
0xa7: {  	vm1 =	veq.s32 v19, $0x1;
	v15 =	vmul.f32 v14, v14;
	v14 =	vnsel vm0, $0x0, v13;
	v26 =	vld.idx.msk [tilespmem:v10+s13+$0x0 ss:$0x1], $0xffff  }
0xa8: {  	v19 =	vsel vm0, $0x3F800000, v0;
	v16 =	vnsel vm1, $0x0, v12;
	v18 =	vmul.f32 v14, v14;
	v12 =	vmovc v22;
	v13 =	vld.idx.msk [tilespmem:v11+s15+$0x0 ss:$0x1], $0xffff  }
.Ltmp2:
0xa9: {  	v17 =	vsel vm1, $0x3F800000, v0;
	v22 =	vmul.f32 v16, v16;
	v6 =	vadd.f32 v15, v6;
	v14 =	vld.idx.msk [tilespmem:v10+s15+$0x0 ss:$0x1], $0xffff;
	(pc) =	sbr.rel @p0 .LBB2_7-.Ltmp2, $4  }
0xaa: {  	v21 =	vsub.f32 v23, v21;
	v5 =	vadd.f32 v18, v5;
	v15 =	vld.idx.msk [tilespmem:v10+s10+$0x0 ss:$0x1], $0xffff  }
0xab: {  	s11 =	sadd.s32 $0x200, s11;
	v3 =	vadd.f32 v20, v3;
	vm0 =	veq.s32 v24, $0x1;
	v4 =	vadd.f32 v22, v4;
	v16 =	vld.idx.msk [tilespmem:v9+s13+$0x0 ss:$0x1], $0xffff  }
0xac: {  	s14 =	sand.u32 $0x3C00, s11;
	v2 =	vadd.f32 v19, v2;
	s13 =	sand.u32 $0x40, s12;
	v21 =	vnsel vm0, $0x0, v21;
	v22 =	vsel vm0, $0x3F800000, v0;
	v18 =	vld.idx.msk [tilespmem:v9+s15+$0x0 ss:$0x1], $0xffff  }
0xad: {  	s12 =	sadd.s32 $0x40, s12;
	v20 =	vsub.f32 v25, v26;
	v21 =	vmul.f32 v21, v21;
	v8 =	vadd.f32 v22, v8;
	v19 =	vld.idx.msk [tilespmem:v9+s10+$0x0 ss:$0x1], $0xffff;
	s10 =	sor.u32 s13, s14  }
0xae: {  	_ =	sdelay $0x3  }
0xaf: {  	v22 =	vld.idx.msk [tilespmem:v11+s10+$0x0 ss:$0x1], $0xffff;
	s11 =	sor.u32 $0x30, s10  }
0xb0: {  	v23 =	vld.idx.msk [tilespmem:v11+s11+$0x0 ss:$0x1], $0xffff  }
0xb1: {  	v24 =	vld.idx.msk [tilespmem:v10+s11+$0x0 ss:$0x1], $0xffff  }
0xb2: {  	s12 =	sor.u32 $0x10, s10;
	v25 =	vld.idx.msk [tilespmem:v9+s11+$0x0 ss:$0x1], $0xffff  }
0xb3: {  	v26 =	vld.idx.msk [tilespmem:v11+s12+$0x0 ss:$0x1], $0xffff  }
0xb4: {  	s15 =	sor.u32 $0x20, s10;
	v53 =	vld.idx.msk [tilespmem:v10+s12+$0x0 ss:$0x1], $0xffff  }
0xb5: {  	v11 =	vld.idx.msk [tilespmem:v11+s15+$0x0 ss:$0x1], $0xffff  }
0xb6: {  	v1 =	vadd.f32 v17, v1;
	v55 =	vld.idx.msk [tilespmem:v10+s15+$0x0 ss:$0x1], $0xffff  }
0xb7: {  	v13 =	vsub.f32 v13, v14;
	v12 =	vsub.f32 v12, v15;
	v10 =	vld.idx.msk [tilespmem:v10+s10+$0x0 ss:$0x1], $0xffff;
	vm0 =	veq.s32 v16, $0x1  }
0xb8: {  	v7 =	vadd.f32 v21, v7;
	v56 =	vld.idx.msk [tilespmem:v9+s12+$0x0 ss:$0x1], $0xffff;
	v54 =	vnsel vm0, $0x0, v20;
	v16 =	vsel vm0, $0x3F800000, v0  }
0xb9: {  	v58 =	vld.idx.msk [tilespmem:v9+s15+$0x0 ss:$0x1], $0xffff;
	vm11 =	veq.s32 v18, $0x1;
	vm1 =	veq.s32 v19, $0x1;
	v15 =	vmul.f32 v54, v54  }
0xba: {  	v9 =	vld.idx.msk [tilespmem:v9+s10+$0x0 ss:$0x1], $0xffff;
	v13 =	vnsel vm11, $0x0, v13;
	v18 =	vsel vm11, $0x3F800000, v0;
	v3 =	vadd.f32 v16, v3  }
0xbb: {  	v12 =	vnsel vm1, $0x0, v12;
	v13 =	vmul.f32 v13, v13;
	v19 =	vsel vm1, $0x3F800000, v0  }
0xbc: {  	v2 =	vadd.f32 v18, v2;
	v12 =	vmul.f32 v12, v12;
	v6 =	vadd.f32 v15, v6  }
0xbd: {  	v57 =	vsub.f32 v23, v24;
	vm12 =	veq.s32 v25, $0x1;
	v14 =	vsub.f32 v26, v53  }
0xbe: {  	v11 =	vsub.f32 v11, v55;
	vm13 =	veq.s32 v56, $0x1;
	v10 =	vsub.f32 v22, v10  }
0xbf: {  	vm14 =	veq.s32 v58, $0x1;
	vm15 =	veq.s32 v9, $0x1;
	v1 =	vadd.f32 v19, v1  }
0xc0: {  	v5 =	vadd.f32 v13, v5;
	v60 =	vsel vm12, $0x3F800000, v0;
	v62 =	vsel vm13, $0x3F800000, v0  }
0xc1: {  	s9 =	sadd.s32 $0x1, s9;
	v63 =	vsel vm14, $0x3F800000, v0;
	v4 =	vadd.f32 v12, v4;
	v59 =	vnsel vm12, $0x0, v57  }
0xc2: {  	p0 =	sne.s32 s9, $0x8;
	v8 =	vadd.f32 v60, v8;
	v61 =	vnsel vm13, $0x0, v14;
	v9 =	vnsel vm14, $0x0, v11  }
.Ltmp3:
0xc3: {  	v10 =	vnsel vm15, $0x0, v10;
	v3 =	vadd.f32 v62, v3;
	v9 =	vmul.f32 v9, v9;
	(pc) =	sbr.rel @p0 .LBB2_6-.Ltmp3, $4  }
0xc4: {  	v2 =	vadd.f32 v63, v2;
	v12 =	vmul.f32 v59, v59;
	v11 =	vmul.f32 v61, v61  }
0xc5: {  	v10 =	vmul.f32 v10, v10;
	v5 =	vadd.f32 v9, v5;
	v9 =	vsel vm15, $0x3F800000, v0  }
0xc6: {  	v7 =	vadd.f32 v12, v7;
	v1 =	vadd.f32 v9, v1  }
0xc7: {  	v6 =	vadd.f32 v11, v6;
	v4 =	vadd.f32 v10, v4  }
0xc8: {  	s8 =	simm.s32 $0x0;
	s9 =	rddreg [dreg:$0xb]  }
0xc9: {  	[tilespmem:s0], [sflag:$0x2] =	stream.linear.gather [hbm4b:s9+s8], $0x4000, $0x38;
	[tilespmem:$0x18100] =	vst v63  }
0xca: {  	s14 =	rddreg [dreg:$0xc]  }
0xcb: {  	[tilespmem:s2], [sflag:$0x2] =	stream.linear.gather [hbm4b:s14+s8], $0x4000, $0x38;
	[tilespmem:$0x18100] =	vst v63  }
0xcc: {  	s15 =	rddreg [dreg:$0xd]  }
0xcd: {  	[tilespmem:s3], [sflag:$0x2] =	stream.linear.gather [hbm4b:s15+s8], $0x4000, $0x38;
	[tilespmem:$0x18100] =	vst v63  }
0xce: {  	_ =	swait.ge [sflag:s4], $0x4000  }
0xcf: {  	[sflag:s4] =	ssyncset.done $0x0  }
0xd0: {  	[sflag:s4] =	ssyncadd.s32 $0xFFFFC000  }
0xd1: {  	_ =	swait.ge [sflag:s4], $0x4000  }
0xd2: {  	[sflag:s4] =	ssyncset.done $0x0  }
0xd3: {  	[sflag:s4] =	ssyncadd.s32 $0xFFFFC000  }
0xd4: {  	_ =	swait.ge [sflag:s4], $0x4000  }
0xd5: {  	[sflag:s4] =	ssyncset.done $0x0  }
0xd6: {  	s9 =	simm.s32 $0x0;
	[sflag:s4] =	ssyncadd.s32 $0xFFFFC000  }
.LBB2_10:
0xd7: {  	s10 =	sshll.u32 s9, $0x7  }
0xd8: {  	v11 =	vmov s10;
	_ =	sdelay $0x1  }
0xd9: {  	s11 =	sadd.s32 $0x4000, s10  }
0xda: {  	s12 =	sand.u32 $0x40, s8;
	s13 =	sand.u32 $0x3C00, s8;
	s10 =	sadd.s32 $0x8000, s10;
	v10 =	vmov s11  }
0xdb: {  	v9 =	vmov s10;
	s10 =	sor.u32 s12, s13  }
0xdc: {  	s11 =	sor.u32 $0x30, s10;
	v13 =	vld.idx.msk [tilespmem:v11+s10+$0x0 ss:$0x1], $0xffff  }
0xdd: {  	s12 =	sor.u32 $0x10, s10;
	v12 =	vld.idx.msk [tilespmem:v11+s11+$0x0 ss:$0x1], $0xffff  }
0xde: {  	v16 =	vld.idx.msk [tilespmem:v11+s12+$0x0 ss:$0x1], $0xffff  }
0xdf: {  	v14 =	vld.idx.msk [tilespmem:v10+s11+$0x0 ss:$0x1], $0xffff  }
0xe0: {  	v15 =	vld.idx.msk [tilespmem:v9+s11+$0x0 ss:$0x1], $0xffff  }
0xe1: {  	v17 =	vld.idx.msk [tilespmem:v10+s12+$0x0 ss:$0x1], $0xffff  }
0xe2: {  	v20 =	vld.idx.msk [tilespmem:v10+s10+$0x0 ss:$0x1], $0xffff  }
0xe3: {  	s14 =	sor.u32 $0x20, s10;
	v21 =	vld.idx.msk [tilespmem:v9+s12+$0x0 ss:$0x1], $0xffff  }
0xe4: {  	s15 =	simm.s32 $0x200;
	s13 =	simm.s32 $0x40;
	v22 =	vld.idx.msk [tilespmem:v9+s14+$0x0 ss:$0x1], $0xffff  }
0xe5: {  	s13 =	sand.u32 $0x40, s13;
	s12 =	sand.u32 $0x3C00, s15;
	v23 =	vld.idx.msk [tilespmem:v9+s10+$0x0 ss:$0x1], $0xffff  }
0xe6: {  	v18 =	vld.idx.msk [tilespmem:v11+s14+$0x0 ss:$0x1], $0xffff;
	s13 =	sor.u32 s13, s12  }
0xe7: {  	v19 =	vld.idx.msk [tilespmem:v10+s14+$0x0 ss:$0x1], $0xffff;
	s12 =	sor.u32 $0x30, s13  }
0xe8: {  	v24 =	vld.idx.msk [tilespmem:v11+s12+$0x0 ss:$0x1], $0xffff;
	v14 =	vsub.f32 v12, v14  }
0xe9: {  	v25 =	vld.idx.msk [tilespmem:v10+s12+$0x0 ss:$0x1], $0xffff;
	vm0 =	veq.s32 v15, $0x1;
	v16 =	vsub.f32 v16, v17;
	v17 =	vsub.f32 v13, v20  }
0xea: {  	s14 =	sor.u32 $0x10, s13;
	v12 =	vld.idx.msk [tilespmem:v11+s13+$0x0 ss:$0x1], $0xffff;
	vm13 =	veq.s32 v21, $0x1;
	vm14 =	veq.s32 v22, $0x1;
	vm1 =	veq.s32 v23, $0x1  }
0xeb: {  	v20 =	vld.idx.msk [tilespmem:v11+s14+$0x0 ss:$0x1], $0xffff;
	v15 =	vsel vm0, $0x3F800000, v0;
	v23 =	vsel vm14, $0x3F800000, v0;
	v14 =	vnsel vm0, $0x0, v14  }
0xec: {  	v8 =	vadd.f32 v15, v8;
	v15 =	vsub.f32 v18, v19;
	v18 =	vld.idx.msk [tilespmem:v9+s12+$0x0 ss:$0x1], $0xffff;
	v13 =	vnsel vm13, $0x0, v16  }
0xed: {  	s10 =	sor.u32 $0x20, s13;
	v21 =	vld.idx.msk [tilespmem:v10+s14+$0x0 ss:$0x1], $0xffff;
	v19 =	vsel vm13, $0x3F800000, v0;
	v17 =	vnsel vm1, $0x0, v17;
	v14 =	vmul.f32 v14, v14  }
0xee: {  	v2 =	vadd.f32 v23, v2;
	v16 =	vmul.f32 v13, v13;
	v13 =	vld.idx.msk [tilespmem:v11+s10+$0x0 ss:$0x1], $0xffff;
	v26 =	vmul.f32 v17, v17  }
0xef: {  	v17 =	vsel vm1, $0x3F800000, v0;
	v3 =	vadd.f32 v19, v3;
	v19 =	vld.idx.msk [tilespmem:v9+s13+$0x0 ss:$0x1], $0xffff;
	v15 =	vnsel vm14, $0x0, v15  }
0xf0: {  	v24 =	vsub.f32 v24, v25;
	v7 =	vadd.f32 v14, v7;
	v22 =	vmul.f32 v15, v15;
	v14 =	vld.idx.msk [tilespmem:v10+s10+$0x0 ss:$0x1], $0xffff  }
0xf1: {  	s15 =	simm.s32 $0x80;
	s11 =	simm.s32 $0x400;
	v6 =	vadd.f32 v16, v6;
	v15 =	vld.idx.msk [tilespmem:v10+s13+$0x0 ss:$0x1], $0xffff;
	v4 =	vadd.f32 v26, v4;
	vm15 =	veq.s32 v18, $0x1  }
0xf2: {  	s12 =	sand.u32 $0x40, s15;
	v16 =	vld.idx.msk [tilespmem:v9+s14+$0x0 ss:$0x1], $0xffff;
	s14 =	sand.u32 $0x3C00, s11;
	v5 =	vadd.f32 v22, v5;
	v22 =	vnsel vm15, $0x0, v24;
	v63 =	vsel vm15, $0x3F800000, v0  }
0xf3: {  	v20 =	vsub.f32 v20, v21;
	v18 =	vld.idx.msk [tilespmem:v9+s10+$0x0 ss:$0x1], $0xffff;
	s10 =	sor.u32 s12, s14;
	s12 =	simm.s32 $0xC0;
	v21 =	vmul.f32 v22, v22;
	v8 =	vadd.f32 v63, v8  }
.LBB2_11:
0xf4: {  	p0 =	sne.s32 s12, $0x7C0;
	v22 =	vld.idx.msk [tilespmem:v11+s10+$0x0 ss:$0x1], $0xffff;
	s13 =	sor.u32 $0x10, s10;
	s14 =	sor.u32 $0x30, s10;
	v1 =	vadd.f32 v17, v1  }
0xf5: {  	s15 =	sor.u32 $0x20, s10;
	v13 =	vsub.f32 v13, v14;
	v23 =	vld.idx.msk [tilespmem:v11+s14+$0x0 ss:$0x1], $0xffff;
	v7 =	vadd.f32 v21, v7  }
0xf6: {  	v12 =	vsub.f32 v12, v15;
	v21 =	vld.idx.msk [tilespmem:v10+s14+$0x0 ss:$0x1], $0xffff  }
0xf7: {  	vm0 =	veq.s32 v16, $0x1;
	v24 =	vld.idx.msk [tilespmem:v9+s14+$0x0 ss:$0x1], $0xffff  }
0xf8: {  	v14 =	vnsel vm0, $0x0, v20;
	v20 =	vsel vm0, $0x3F800000, v0;
	vm0 =	veq.s32 v18, $0x1;
	v25 =	vld.idx.msk [tilespmem:v11+s13+$0x0 ss:$0x1], $0xffff  }
0xf9: {  	vm1 =	veq.s32 v19, $0x1;
	v15 =	vmul.f32 v14, v14;
	v14 =	vnsel vm0, $0x0, v13;
	v26 =	vld.idx.msk [tilespmem:v10+s13+$0x0 ss:$0x1], $0xffff  }
0xfa: {  	v19 =	vsel vm0, $0x3F800000, v0;
	v16 =	vnsel vm1, $0x0, v12;
	v18 =	vmul.f32 v14, v14;
	v12 =	vmovc v22;
	v13 =	vld.idx.msk [tilespmem:v11+s15+$0x0 ss:$0x1], $0xffff  }
.Ltmp4:
0xfb: {  	v17 =	vsel vm1, $0x3F800000, v0;
	v22 =	vmul.f32 v16, v16;
	v6 =	vadd.f32 v15, v6;
	v14 =	vld.idx.msk [tilespmem:v10+s15+$0x0 ss:$0x1], $0xffff;
	(pc) =	sbr.rel @p0 .LBB2_11-.Ltmp4, $4  }
0xfc: {  	v21 =	vsub.f32 v23, v21;
	v5 =	vadd.f32 v18, v5;
	v15 =	vld.idx.msk [tilespmem:v10+s10+$0x0 ss:$0x1], $0xffff  }
0xfd: {  	s11 =	sadd.s32 $0x200, s11;
	v3 =	vadd.f32 v20, v3;
	vm0 =	veq.s32 v24, $0x1;
	v4 =	vadd.f32 v22, v4;
	v16 =	vld.idx.msk [tilespmem:v9+s13+$0x0 ss:$0x1], $0xffff  }
0xfe: {  	s14 =	sand.u32 $0x3C00, s11;
	v2 =	vadd.f32 v19, v2;
	s13 =	sand.u32 $0x40, s12;
	v21 =	vnsel vm0, $0x0, v21;
	v22 =	vsel vm0, $0x3F800000, v0;
	v18 =	vld.idx.msk [tilespmem:v9+s15+$0x0 ss:$0x1], $0xffff  }
0xff: {  	s12 =	sadd.s32 $0x40, s12;
	v20 =	vsub.f32 v25, v26;
	v21 =	vmul.f32 v21, v21;
	v8 =	vadd.f32 v22, v8;
	v19 =	vld.idx.msk [tilespmem:v9+s10+$0x0 ss:$0x1], $0xffff;
	s10 =	sor.u32 s13, s14  }
0x100: {  	_ =	sdelay $0x3  }
0x101: {  	v22 =	vld.idx.msk [tilespmem:v11+s10+$0x0 ss:$0x1], $0xffff;
	s11 =	sor.u32 $0x30, s10  }
0x102: {  	v23 =	vld.idx.msk [tilespmem:v11+s11+$0x0 ss:$0x1], $0xffff  }
0x103: {  	v24 =	vld.idx.msk [tilespmem:v10+s11+$0x0 ss:$0x1], $0xffff  }
0x104: {  	s12 =	sor.u32 $0x10, s10;
	v25 =	vld.idx.msk [tilespmem:v9+s11+$0x0 ss:$0x1], $0xffff  }
0x105: {  	v26 =	vld.idx.msk [tilespmem:v11+s12+$0x0 ss:$0x1], $0xffff  }
0x106: {  	s15 =	sor.u32 $0x20, s10;
	v53 =	vld.idx.msk [tilespmem:v10+s12+$0x0 ss:$0x1], $0xffff  }
0x107: {  	v11 =	vld.idx.msk [tilespmem:v11+s15+$0x0 ss:$0x1], $0xffff  }
0x108: {  	v1 =	vadd.f32 v17, v1;
	v55 =	vld.idx.msk [tilespmem:v10+s15+$0x0 ss:$0x1], $0xffff  }
0x109: {  	v13 =	vsub.f32 v13, v14;
	v12 =	vsub.f32 v12, v15;
	v10 =	vld.idx.msk [tilespmem:v10+s10+$0x0 ss:$0x1], $0xffff;
	vm0 =	veq.s32 v16, $0x1  }
0x10a: {  	v7 =	vadd.f32 v21, v7;
	v56 =	vld.idx.msk [tilespmem:v9+s12+$0x0 ss:$0x1], $0xffff;
	v54 =	vnsel vm0, $0x0, v20;
	v16 =	vsel vm0, $0x3F800000, v0  }
0x10b: {  	v58 =	vld.idx.msk [tilespmem:v9+s15+$0x0 ss:$0x1], $0xffff;
	vm11 =	veq.s32 v18, $0x1;
	vm1 =	veq.s32 v19, $0x1;
	v15 =	vmul.f32 v54, v54  }
0x10c: {  	v9 =	vld.idx.msk [tilespmem:v9+s10+$0x0 ss:$0x1], $0xffff;
	v13 =	vnsel vm11, $0x0, v13;
	v18 =	vsel vm11, $0x3F800000, v0;
	v3 =	vadd.f32 v16, v3  }
0x10d: {  	v12 =	vnsel vm1, $0x0, v12;
	v13 =	vmul.f32 v13, v13;
	v19 =	vsel vm1, $0x3F800000, v0  }
0x10e: {  	v2 =	vadd.f32 v18, v2;
	v12 =	vmul.f32 v12, v12;
	v6 =	vadd.f32 v15, v6  }
0x10f: {  	v57 =	vsub.f32 v23, v24;
	vm12 =	veq.s32 v25, $0x1;
	v14 =	vsub.f32 v26, v53  }
0x110: {  	v11 =	vsub.f32 v11, v55;
	vm13 =	veq.s32 v56, $0x1;
	v10 =	vsub.f32 v22, v10  }
0x111: {  	vm14 =	veq.s32 v58, $0x1;
	vm15 =	veq.s32 v9, $0x1;
	v1 =	vadd.f32 v19, v1  }
0x112: {  	v5 =	vadd.f32 v13, v5;
	v60 =	vsel vm12, $0x3F800000, v0;
	v62 =	vsel vm13, $0x3F800000, v0  }
0x113: {  	s9 =	sadd.s32 $0x1, s9;
	v63 =	vsel vm14, $0x3F800000, v0;
	v4 =	vadd.f32 v12, v4;
	v59 =	vnsel vm12, $0x0, v57  }
0x114: {  	p0 =	sne.s32 s9, $0x8;
	v8 =	vadd.f32 v60, v8;
	v61 =	vnsel vm13, $0x0, v14;
	v9 =	vnsel vm14, $0x0, v11  }
.Ltmp5:
0x115: {  	v10 =	vnsel vm15, $0x0, v10;
	v3 =	vadd.f32 v62, v3;
	v9 =	vmul.f32 v9, v9;
	(pc) =	sbr.rel @p0 .LBB2_10-.Ltmp5, $4  }
0x116: {  	v2 =	vadd.f32 v63, v2;
	v12 =	vmul.f32 v59, v59;
	v11 =	vmul.f32 v61, v61  }
0x117: {  	v10 =	vmul.f32 v10, v10;
	v5 =	vadd.f32 v9, v5;
	v9 =	vsel vm15, $0x3F800000, v0  }
0x118: {  	v7 =	vadd.f32 v12, v7;
	v1 =	vadd.f32 v9, v1  }
0x119: {  	v6 =	vadd.f32 v11, v6;
	v4 =	vadd.f32 v10, v4  }
0x11a: {  	s8 =	simm.s32 $0x0;
	s9 =	rddreg [dreg:$0xe]  }
0x11b: {  	[tilespmem:s8], [sflag:$0x1] =	stream.linear.gather [hbm4b:s9+s8], $0x4000, $0x38;
	[tilespmem:$0x18100] =	vst v63  }
0x11c: {  	s14 =	rddreg [dreg:$0xf]  }
0x11d: {  	[tilespmem:s31], [sflag:$0x1] =	stream.linear.gather [hbm4b:s14+s8], $0x4000, $0x38;
	[tilespmem:$0x18100] =	vst v63  }
0x11e: {  	s15 =	rddreg [dreg:$0x10]  }
0x11f: {  	[tilespmem:s23], [sflag:$0x1] =	stream.linear.gather [hbm4b:s15+s8], $0x4000, $0x38;
	[tilespmem:$0x18100] =	vst v63  }
0x120: {  	_ =	swait.ge [sflag:s5], $0x4000  }
0x121: {  	[sflag:s5] =	ssyncset.done $0x0  }
0x122: {  	[sflag:s5] =	ssyncadd.s32 $0xFFFFC000  }
0x123: {  	_ =	swait.ge [sflag:s5], $0x4000  }
0x124: {  	[sflag:s5] =	ssyncset.done $0x0  }
0x125: {  	[sflag:s5] =	ssyncadd.s32 $0xFFFFC000  }
0x126: {  	_ =	swait.ge [sflag:s5], $0x4000  }
0x127: {  	[sflag:s5] =	ssyncset.done $0x0  }
0x128: {  	s9 =	simm.s32 $0x0;
	[sflag:s5] =	ssyncadd.s32 $0xFFFFC000  }
.LBB2_14:
0x129: {  	s10 =	sshll.u32 s9, $0x7  }
0x12a: {  	s11 =	sadd.s32 $0xC000, s10  }
0x12b: {  	v11 =	vmov s11  }
0x12c: {  	s15 =	sadd.s32 $0x10000, s10  }
0x12d: {  	s10 =	sadd.s32 $0x14000, s10;
	v10 =	vmov s15  }
0x12e: {  	s12 =	sand.u32 $0x40, s8;
	s13 =	sand.u32 $0x3C00, s8;
	v9 =	vmov s10  }
0x12f: {  	s10 =	sor.u32 s12, s13  }
0x130: {  	s11 =	sor.u32 $0x30, s10;
	v13 =	vld.idx.msk [tilespmem:v11+s10+$0x0 ss:$0x1], $0xffff  }
0x131: {  	v12 =	vld.idx.msk [tilespmem:v11+s11+$0x0 ss:$0x1], $0xffff  }
0x132: {  	v14 =	vld.idx.msk [tilespmem:v10+s11+$0x0 ss:$0x1], $0xffff  }
0x133: {  	s12 =	sor.u32 $0x10, s10;
	v15 =	vld.idx.msk [tilespmem:v9+s11+$0x0 ss:$0x1], $0xffff  }
0x134: {  	v16 =	vld.idx.msk [tilespmem:v11+s12+$0x0 ss:$0x1], $0xffff  }
0x135: {  	v17 =	vld.idx.msk [tilespmem:v10+s12+$0x0 ss:$0x1], $0xffff  }
0x136: {  	v20 =	vld.idx.msk [tilespmem:v10+s10+$0x0 ss:$0x1], $0xffff  }
0x137: {  	s14 =	sor.u32 $0x20, s10;
	v21 =	vld.idx.msk [tilespmem:v9+s12+$0x0 ss:$0x1], $0xffff  }
0x138: {  	s13 =	simm.s32 $0x40;
	s15 =	simm.s32 $0x200;
	v22 =	vld.idx.msk [tilespmem:v9+s14+$0x0 ss:$0x1], $0xffff  }
0x139: {  	s13 =	sand.u32 $0x40, s13;
	s12 =	sand.u32 $0x3C00, s15;
	v23 =	vld.idx.msk [tilespmem:v9+s10+$0x0 ss:$0x1], $0xffff  }
0x13a: {  	v18 =	vld.idx.msk [tilespmem:v11+s14+$0x0 ss:$0x1], $0xffff;
	s13 =	sor.u32 s13, s12  }
0x13b: {  	v19 =	vld.idx.msk [tilespmem:v10+s14+$0x0 ss:$0x1], $0xffff;
	s12 =	sor.u32 $0x30, s13  }
0x13c: {  	v24 =	vld.idx.msk [tilespmem:v11+s12+$0x0 ss:$0x1], $0xffff;
	v14 =	vsub.f32 v12, v14  }
0x13d: {  	v25 =	vld.idx.msk [tilespmem:v10+s12+$0x0 ss:$0x1], $0xffff;
	vm0 =	veq.s32 v15, $0x1;
	v16 =	vsub.f32 v16, v17;
	v17 =	vsub.f32 v13, v20  }
0x13e: {  	s14 =	sor.u32 $0x10, s13;
	v12 =	vld.idx.msk [tilespmem:v11+s13+$0x0 ss:$0x1], $0xffff;
	vm13 =	veq.s32 v21, $0x1;
	vm14 =	veq.s32 v22, $0x1;
	vm1 =	veq.s32 v23, $0x1  }
0x13f: {  	v20 =	vld.idx.msk [tilespmem:v11+s14+$0x0 ss:$0x1], $0xffff;
	v15 =	vsel vm0, $0x3F800000, v0;
	v23 =	vsel vm14, $0x3F800000, v0;
	v14 =	vnsel vm0, $0x0, v14  }
0x140: {  	v8 =	vadd.f32 v15, v8;
	v15 =	vsub.f32 v18, v19;
	v18 =	vld.idx.msk [tilespmem:v9+s12+$0x0 ss:$0x1], $0xffff;
	v13 =	vnsel vm13, $0x0, v16  }
0x141: {  	s10 =	sor.u32 $0x20, s13;
	v21 =	vld.idx.msk [tilespmem:v10+s14+$0x0 ss:$0x1], $0xffff;
	v19 =	vsel vm13, $0x3F800000, v0;
	v17 =	vnsel vm1, $0x0, v17;
	v14 =	vmul.f32 v14, v14  }
0x142: {  	v2 =	vadd.f32 v23, v2;
	v16 =	vmul.f32 v13, v13;
	v13 =	vld.idx.msk [tilespmem:v11+s10+$0x0 ss:$0x1], $0xffff;
	v26 =	vmul.f32 v17, v17  }
0x143: {  	v17 =	vsel vm1, $0x3F800000, v0;
	v3 =	vadd.f32 v19, v3;
	v19 =	vld.idx.msk [tilespmem:v9+s13+$0x0 ss:$0x1], $0xffff;
	v15 =	vnsel vm14, $0x0, v15  }
0x144: {  	v24 =	vsub.f32 v24, v25;
	v7 =	vadd.f32 v14, v7;
	v22 =	vmul.f32 v15, v15;
	v14 =	vld.idx.msk [tilespmem:v10+s10+$0x0 ss:$0x1], $0xffff  }
0x145: {  	s15 =	simm.s32 $0x80;
	s11 =	simm.s32 $0x400;
	v6 =	vadd.f32 v16, v6;
	v15 =	vld.idx.msk [tilespmem:v10+s13+$0x0 ss:$0x1], $0xffff;
	v4 =	vadd.f32 v26, v4;
	vm15 =	veq.s32 v18, $0x1  }
0x146: {  	s12 =	sand.u32 $0x40, s15;
	v16 =	vld.idx.msk [tilespmem:v9+s14+$0x0 ss:$0x1], $0xffff;
	s14 =	sand.u32 $0x3C00, s11;
	v5 =	vadd.f32 v22, v5;
	v22 =	vnsel vm15, $0x0, v24;
	v63 =	vsel vm15, $0x3F800000, v0  }
0x147: {  	v20 =	vsub.f32 v20, v21;
	v18 =	vld.idx.msk [tilespmem:v9+s10+$0x0 ss:$0x1], $0xffff;
	s10 =	sor.u32 s12, s14;
	s12 =	simm.s32 $0xC0;
	v21 =	vmul.f32 v22, v22;
	v8 =	vadd.f32 v63, v8  }
.LBB2_15:
0x148: {  	p0 =	sne.s32 s12, $0x7C0;
	v22 =	vld.idx.msk [tilespmem:v11+s10+$0x0 ss:$0x1], $0xffff;
	s13 =	sor.u32 $0x10, s10;
	s14 =	sor.u32 $0x30, s10;
	v1 =	vadd.f32 v17, v1  }
0x149: {  	s15 =	sor.u32 $0x20, s10;
	v13 =	vsub.f32 v13, v14;
	v23 =	vld.idx.msk [tilespmem:v11+s14+$0x0 ss:$0x1], $0xffff;
	v7 =	vadd.f32 v21, v7  }
0x14a: {  	v12 =	vsub.f32 v12, v15;
	v21 =	vld.idx.msk [tilespmem:v10+s14+$0x0 ss:$0x1], $0xffff  }
0x14b: {  	vm0 =	veq.s32 v16, $0x1;
	v24 =	vld.idx.msk [tilespmem:v9+s14+$0x0 ss:$0x1], $0xffff  }
0x14c: {  	v14 =	vnsel vm0, $0x0, v20;
	v20 =	vsel vm0, $0x3F800000, v0;
	vm0 =	veq.s32 v18, $0x1;
	v25 =	vld.idx.msk [tilespmem:v11+s13+$0x0 ss:$0x1], $0xffff  }
0x14d: {  	vm1 =	veq.s32 v19, $0x1;
	v15 =	vmul.f32 v14, v14;
	v14 =	vnsel vm0, $0x0, v13;
	v26 =	vld.idx.msk [tilespmem:v10+s13+$0x0 ss:$0x1], $0xffff  }
0x14e: {  	v19 =	vsel vm0, $0x3F800000, v0;
	v16 =	vnsel vm1, $0x0, v12;
	v18 =	vmul.f32 v14, v14;
	v12 =	vmovc v22;
	v13 =	vld.idx.msk [tilespmem:v11+s15+$0x0 ss:$0x1], $0xffff  }
.Ltmp6:
0x14f: {  	v17 =	vsel vm1, $0x3F800000, v0;
	v22 =	vmul.f32 v16, v16;
	v6 =	vadd.f32 v15, v6;
	v14 =	vld.idx.msk [tilespmem:v10+s15+$0x0 ss:$0x1], $0xffff;
	(pc) =	sbr.rel @p0 .LBB2_15-.Ltmp6, $4  }
0x150: {  	v21 =	vsub.f32 v23, v21;
	v5 =	vadd.f32 v18, v5;
	v15 =	vld.idx.msk [tilespmem:v10+s10+$0x0 ss:$0x1], $0xffff  }
0x151: {  	s11 =	sadd.s32 $0x200, s11;
	v3 =	vadd.f32 v20, v3;
	vm0 =	veq.s32 v24, $0x1;
	v4 =	vadd.f32 v22, v4;
	v16 =	vld.idx.msk [tilespmem:v9+s13+$0x0 ss:$0x1], $0xffff  }
0x152: {  	s14 =	sand.u32 $0x3C00, s11;
	v2 =	vadd.f32 v19, v2;
	s13 =	sand.u32 $0x40, s12;
	v21 =	vnsel vm0, $0x0, v21;
	v22 =	vsel vm0, $0x3F800000, v0;
	v18 =	vld.idx.msk [tilespmem:v9+s15+$0x0 ss:$0x1], $0xffff  }
0x153: {  	s12 =	sadd.s32 $0x40, s12;
	v20 =	vsub.f32 v25, v26;
	v21 =	vmul.f32 v21, v21;
	v8 =	vadd.f32 v22, v8;
	v19 =	vld.idx.msk [tilespmem:v9+s10+$0x0 ss:$0x1], $0xffff;
	s10 =	sor.u32 s13, s14  }
0x154: {  	_ =	sdelay $0x3  }
0x155: {  	v22 =	vld.idx.msk [tilespmem:v11+s10+$0x0 ss:$0x1], $0xffff;
	s11 =	sor.u32 $0x30, s10  }
0x156: {  	v23 =	vld.idx.msk [tilespmem:v11+s11+$0x0 ss:$0x1], $0xffff  }
0x157: {  	v24 =	vld.idx.msk [tilespmem:v10+s11+$0x0 ss:$0x1], $0xffff  }
0x158: {  	s12 =	sor.u32 $0x10, s10;
	v25 =	vld.idx.msk [tilespmem:v9+s11+$0x0 ss:$0x1], $0xffff  }
0x159: {  	v26 =	vld.idx.msk [tilespmem:v11+s12+$0x0 ss:$0x1], $0xffff  }
0x15a: {  	s15 =	sor.u32 $0x20, s10;
	v53 =	vld.idx.msk [tilespmem:v10+s12+$0x0 ss:$0x1], $0xffff  }
0x15b: {  	v11 =	vld.idx.msk [tilespmem:v11+s15+$0x0 ss:$0x1], $0xffff  }
0x15c: {  	v1 =	vadd.f32 v17, v1;
	v55 =	vld.idx.msk [tilespmem:v10+s15+$0x0 ss:$0x1], $0xffff  }
0x15d: {  	v13 =	vsub.f32 v13, v14;
	v12 =	vsub.f32 v12, v15;
	v10 =	vld.idx.msk [tilespmem:v10+s10+$0x0 ss:$0x1], $0xffff;
	vm0 =	veq.s32 v16, $0x1  }
0x15e: {  	v7 =	vadd.f32 v21, v7;
	v56 =	vld.idx.msk [tilespmem:v9+s12+$0x0 ss:$0x1], $0xffff;
	v54 =	vnsel vm0, $0x0, v20;
	v16 =	vsel vm0, $0x3F800000, v0  }
0x15f: {  	v58 =	vld.idx.msk [tilespmem:v9+s15+$0x0 ss:$0x1], $0xffff;
	vm11 =	veq.s32 v18, $0x1;
	vm1 =	veq.s32 v19, $0x1;
	v15 =	vmul.f32 v54, v54  }
0x160: {  	v9 =	vld.idx.msk [tilespmem:v9+s10+$0x0 ss:$0x1], $0xffff;
	v13 =	vnsel vm11, $0x0, v13;
	v18 =	vsel vm11, $0x3F800000, v0;
	v3 =	vadd.f32 v16, v3  }
0x161: {  	v12 =	vnsel vm1, $0x0, v12;
	v13 =	vmul.f32 v13, v13;
	v19 =	vsel vm1, $0x3F800000, v0  }
0x162: {  	v2 =	vadd.f32 v18, v2;
	v12 =	vmul.f32 v12, v12;
	v6 =	vadd.f32 v15, v6  }
0x163: {  	v57 =	vsub.f32 v23, v24;
	vm12 =	veq.s32 v25, $0x1;
	v14 =	vsub.f32 v26, v53  }
0x164: {  	v11 =	vsub.f32 v11, v55;
	vm13 =	veq.s32 v56, $0x1;
	v10 =	vsub.f32 v22, v10  }
0x165: {  	vm14 =	veq.s32 v58, $0x1;
	vm15 =	veq.s32 v9, $0x1;
	v1 =	vadd.f32 v19, v1  }
0x166: {  	v5 =	vadd.f32 v13, v5;
	v60 =	vsel vm12, $0x3F800000, v0;
	v62 =	vsel vm13, $0x3F800000, v0  }
0x167: {  	s9 =	sadd.s32 $0x1, s9;
	v63 =	vsel vm14, $0x3F800000, v0;
	v4 =	vadd.f32 v12, v4;
	v59 =	vnsel vm12, $0x0, v57  }
0x168: {  	p0 =	sne.s32 s9, $0x8;
	v8 =	vadd.f32 v60, v8;
	v61 =	vnsel vm13, $0x0, v14;
	v9 =	vnsel vm14, $0x0, v11  }
.Ltmp7:
0x169: {  	v10 =	vnsel vm15, $0x0, v10;
	v3 =	vadd.f32 v62, v3;
	v9 =	vmul.f32 v9, v9;
	(pc) =	sbr.rel @p0 .LBB2_14-.Ltmp7, $4  }
0x16a: {  	v2 =	vadd.f32 v63, v2;
	v12 =	vmul.f32 v59, v59;
	v11 =	vmul.f32 v61, v61  }
0x16b: {  	v10 =	vmul.f32 v10, v10;
	v5 =	vadd.f32 v9, v5;
	v9 =	vsel vm15, $0x3F800000, v0  }
0x16c: {  	v7 =	vadd.f32 v12, v7;
	v1 =	vadd.f32 v9, v1  }
0x16d: {  	v6 =	vadd.f32 v11, v6;
	v4 =	vadd.f32 v10, v4  }
0x16e: {  	s8 =	simm.s32 $0x0;
	s9 =	rddreg [dreg:$0x11]  }
0x16f: {  	[tilespmem:s0], [sflag:$0x2] =	stream.linear.gather [hbm4b:s9+s8], $0x4000, $0x38;
	[tilespmem:$0x18100] =	vst v63  }
0x170: {  	s15 =	rddreg [dreg:$0x12]  }
0x171: {  	[tilespmem:s2], [sflag:$0x2] =	stream.linear.gather [hbm4b:s15+s8], $0x4000, $0x38;
	[tilespmem:$0x18100] =	vst v63  }
0x172: {  	_ = 	snop  }
0x173: {  	[tilespmem:s3], [sflag:$0x2] =	stream.linear.gather [hbm4b:s16+s8], $0x4000, $0x38;
	[tilespmem:$0x18100] =	vst v63  }
0x174: {  	_ =	swait.ge [sflag:s4], $0x4000  }
0x175: {  	[sflag:s4] =	ssyncset.done $0x0  }
0x176: {  	[sflag:s4] =	ssyncadd.s32 $0xFFFFC000  }
0x177: {  	_ =	swait.ge [sflag:s4], $0x4000  }
0x178: {  	[sflag:s4] =	ssyncset.done $0x0  }
0x179: {  	[sflag:s4] =	ssyncadd.s32 $0xFFFFC000  }
0x17a: {  	_ =	swait.ge [sflag:s4], $0x4000  }
0x17b: {  	[sflag:s4] =	ssyncset.done $0x0  }
0x17c: {  	s9 =	simm.s32 $0x0;
	[sflag:s4] =	ssyncadd.s32 $0xFFFFC000  }
.LBB2_18:
0x17d: {  	s10 =	sshll.u32 s9, $0x7  }
0x17e: {  	v11 =	vmov s10;
	_ =	sdelay $0x1  }
0x17f: {  	s11 =	sadd.s32 $0x4000, s10  }
0x180: {  	s12 =	sand.u32 $0x40, s8;
	s13 =	sand.u32 $0x3C00, s8;
	s10 =	sadd.s32 $0x8000, s10;
	v10 =	vmov s11  }
0x181: {  	v9 =	vmov s10;
	s10 =	sor.u32 s12, s13  }
0x182: {  	s11 =	sor.u32 $0x30, s10;
	v13 =	vld.idx.msk [tilespmem:v11+s10+$0x0 ss:$0x1], $0xffff  }
0x183: {  	s12 =	sor.u32 $0x10, s10;
	v12 =	vld.idx.msk [tilespmem:v11+s11+$0x0 ss:$0x1], $0xffff  }
0x184: {  	v16 =	vld.idx.msk [tilespmem:v11+s12+$0x0 ss:$0x1], $0xffff  }
0x185: {  	v14 =	vld.idx.msk [tilespmem:v10+s11+$0x0 ss:$0x1], $0xffff  }
0x186: {  	v15 =	vld.idx.msk [tilespmem:v9+s11+$0x0 ss:$0x1], $0xffff  }
0x187: {  	v17 =	vld.idx.msk [tilespmem:v10+s12+$0x0 ss:$0x1], $0xffff  }
0x188: {  	v20 =	vld.idx.msk [tilespmem:v10+s10+$0x0 ss:$0x1], $0xffff  }
0x189: {  	s14 =	sor.u32 $0x20, s10;
	v21 =	vld.idx.msk [tilespmem:v9+s12+$0x0 ss:$0x1], $0xffff  }
0x18a: {  	s15 =	simm.s32 $0x200;
	s13 =	simm.s32 $0x40;
	v22 =	vld.idx.msk [tilespmem:v9+s14+$0x0 ss:$0x1], $0xffff  }
0x18b: {  	s13 =	sand.u32 $0x40, s13;
	s12 =	sand.u32 $0x3C00, s15;
	v23 =	vld.idx.msk [tilespmem:v9+s10+$0x0 ss:$0x1], $0xffff  }
0x18c: {  	v18 =	vld.idx.msk [tilespmem:v11+s14+$0x0 ss:$0x1], $0xffff;
	s13 =	sor.u32 s13, s12  }
0x18d: {  	v19 =	vld.idx.msk [tilespmem:v10+s14+$0x0 ss:$0x1], $0xffff;
	s12 =	sor.u32 $0x30, s13  }
0x18e: {  	v24 =	vld.idx.msk [tilespmem:v11+s12+$0x0 ss:$0x1], $0xffff;
	v14 =	vsub.f32 v12, v14  }
0x18f: {  	v25 =	vld.idx.msk [tilespmem:v10+s12+$0x0 ss:$0x1], $0xffff;
	vm0 =	veq.s32 v15, $0x1;
	v16 =	vsub.f32 v16, v17;
	v17 =	vsub.f32 v13, v20  }
0x190: {  	s14 =	sor.u32 $0x10, s13;
	v12 =	vld.idx.msk [tilespmem:v11+s13+$0x0 ss:$0x1], $0xffff;
	vm13 =	veq.s32 v21, $0x1;
	vm14 =	veq.s32 v22, $0x1;
	vm1 =	veq.s32 v23, $0x1  }
0x191: {  	v20 =	vld.idx.msk [tilespmem:v11+s14+$0x0 ss:$0x1], $0xffff;
	v15 =	vsel vm0, $0x3F800000, v0;
	v23 =	vsel vm14, $0x3F800000, v0;
	v14 =	vnsel vm0, $0x0, v14  }
0x192: {  	v8 =	vadd.f32 v15, v8;
	v15 =	vsub.f32 v18, v19;
	v18 =	vld.idx.msk [tilespmem:v9+s12+$0x0 ss:$0x1], $0xffff;
	v13 =	vnsel vm13, $0x0, v16  }
0x193: {  	s10 =	sor.u32 $0x20, s13;
	v21 =	vld.idx.msk [tilespmem:v10+s14+$0x0 ss:$0x1], $0xffff;
	v19 =	vsel vm13, $0x3F800000, v0;
	v17 =	vnsel vm1, $0x0, v17;
	v14 =	vmul.f32 v14, v14  }
0x194: {  	v2 =	vadd.f32 v23, v2;
	v16 =	vmul.f32 v13, v13;
	v13 =	vld.idx.msk [tilespmem:v11+s10+$0x0 ss:$0x1], $0xffff;
	v26 =	vmul.f32 v17, v17  }
0x195: {  	v17 =	vsel vm1, $0x3F800000, v0;
	v3 =	vadd.f32 v19, v3;
	v19 =	vld.idx.msk [tilespmem:v9+s13+$0x0 ss:$0x1], $0xffff;
	v15 =	vnsel vm14, $0x0, v15  }
0x196: {  	v24 =	vsub.f32 v24, v25;
	v7 =	vadd.f32 v14, v7;
	v22 =	vmul.f32 v15, v15;
	v14 =	vld.idx.msk [tilespmem:v10+s10+$0x0 ss:$0x1], $0xffff  }
0x197: {  	s15 =	simm.s32 $0x80;
	s11 =	simm.s32 $0x400;
	v6 =	vadd.f32 v16, v6;
	v15 =	vld.idx.msk [tilespmem:v10+s13+$0x0 ss:$0x1], $0xffff;
	v4 =	vadd.f32 v26, v4;
	vm15 =	veq.s32 v18, $0x1  }
0x198: {  	s12 =	sand.u32 $0x40, s15;
	v16 =	vld.idx.msk [tilespmem:v9+s14+$0x0 ss:$0x1], $0xffff;
	s14 =	sand.u32 $0x3C00, s11;
	v5 =	vadd.f32 v22, v5;
	v22 =	vnsel vm15, $0x0, v24;
	v63 =	vsel vm15, $0x3F800000, v0  }
0x199: {  	v20 =	vsub.f32 v20, v21;
	v18 =	vld.idx.msk [tilespmem:v9+s10+$0x0 ss:$0x1], $0xffff;
	s10 =	sor.u32 s12, s14;
	s12 =	simm.s32 $0xC0;
	v21 =	vmul.f32 v22, v22;
	v8 =	vadd.f32 v63, v8  }
.LBB2_19:
0x19a: {  	p0 =	sne.s32 s12, $0x7C0;
	v22 =	vld.idx.msk [tilespmem:v11+s10+$0x0 ss:$0x1], $0xffff;
	s13 =	sor.u32 $0x10, s10;
	s14 =	sor.u32 $0x30, s10;
	v1 =	vadd.f32 v17, v1  }
0x19b: {  	s15 =	sor.u32 $0x20, s10;
	v13 =	vsub.f32 v13, v14;
	v23 =	vld.idx.msk [tilespmem:v11+s14+$0x0 ss:$0x1], $0xffff;
	v7 =	vadd.f32 v21, v7  }
0x19c: {  	v12 =	vsub.f32 v12, v15;
	v21 =	vld.idx.msk [tilespmem:v10+s14+$0x0 ss:$0x1], $0xffff  }
0x19d: {  	vm0 =	veq.s32 v16, $0x1;
	v24 =	vld.idx.msk [tilespmem:v9+s14+$0x0 ss:$0x1], $0xffff  }
0x19e: {  	v14 =	vnsel vm0, $0x0, v20;
	v20 =	vsel vm0, $0x3F800000, v0;
	vm0 =	veq.s32 v18, $0x1;
	v25 =	vld.idx.msk [tilespmem:v11+s13+$0x0 ss:$0x1], $0xffff  }
0x19f: {  	vm1 =	veq.s32 v19, $0x1;
	v15 =	vmul.f32 v14, v14;
	v14 =	vnsel vm0, $0x0, v13;
	v26 =	vld.idx.msk [tilespmem:v10+s13+$0x0 ss:$0x1], $0xffff  }
0x1a0: {  	v19 =	vsel vm0, $0x3F800000, v0;
	v16 =	vnsel vm1, $0x0, v12;
	v18 =	vmul.f32 v14, v14;
	v12 =	vmovc v22;
	v13 =	vld.idx.msk [tilespmem:v11+s15+$0x0 ss:$0x1], $0xffff  }
.Ltmp8:
0x1a1: {  	v17 =	vsel vm1, $0x3F800000, v0;
	v22 =	vmul.f32 v16, v16;
	v6 =	vadd.f32 v15, v6;
	v14 =	vld.idx.msk [tilespmem:v10+s15+$0x0 ss:$0x1], $0xffff;
	(pc) =	sbr.rel @p0 .LBB2_19-.Ltmp8, $4  }
0x1a2: {  	v21 =	vsub.f32 v23, v21;
	v5 =	vadd.f32 v18, v5;
	v15 =	vld.idx.msk [tilespmem:v10+s10+$0x0 ss:$0x1], $0xffff  }
0x1a3: {  	s11 =	sadd.s32 $0x200, s11;
	v3 =	vadd.f32 v20, v3;
	vm0 =	veq.s32 v24, $0x1;
	v4 =	vadd.f32 v22, v4;
	v16 =	vld.idx.msk [tilespmem:v9+s13+$0x0 ss:$0x1], $0xffff  }
0x1a4: {  	s14 =	sand.u32 $0x3C00, s11;
	v2 =	vadd.f32 v19, v2;
	s13 =	sand.u32 $0x40, s12;
	v21 =	vnsel vm0, $0x0, v21;
	v22 =	vsel vm0, $0x3F800000, v0;
	v18 =	vld.idx.msk [tilespmem:v9+s15+$0x0 ss:$0x1], $0xffff  }
0x1a5: {  	s12 =	sadd.s32 $0x40, s12;
	v20 =	vsub.f32 v25, v26;
	v21 =	vmul.f32 v21, v21;
	v8 =	vadd.f32 v22, v8;
	v19 =	vld.idx.msk [tilespmem:v9+s10+$0x0 ss:$0x1], $0xffff;
	s10 =	sor.u32 s13, s14  }
0x1a6: {  	_ =	sdelay $0x3  }
0x1a7: {  	v22 =	vld.idx.msk [tilespmem:v11+s10+$0x0 ss:$0x1], $0xffff;
	s11 =	sor.u32 $0x30, s10  }
0x1a8: {  	v23 =	vld.idx.msk [tilespmem:v11+s11+$0x0 ss:$0x1], $0xffff  }
0x1a9: {  	v24 =	vld.idx.msk [tilespmem:v10+s11+$0x0 ss:$0x1], $0xffff  }
0x1aa: {  	s12 =	sor.u32 $0x10, s10;
	v25 =	vld.idx.msk [tilespmem:v9+s11+$0x0 ss:$0x1], $0xffff  }
0x1ab: {  	v26 =	vld.idx.msk [tilespmem:v11+s12+$0x0 ss:$0x1], $0xffff  }
0x1ac: {  	s15 =	sor.u32 $0x20, s10;
	v53 =	vld.idx.msk [tilespmem:v10+s12+$0x0 ss:$0x1], $0xffff  }
0x1ad: {  	v11 =	vld.idx.msk [tilespmem:v11+s15+$0x0 ss:$0x1], $0xffff  }
0x1ae: {  	v1 =	vadd.f32 v17, v1;
	v55 =	vld.idx.msk [tilespmem:v10+s15+$0x0 ss:$0x1], $0xffff  }
0x1af: {  	v13 =	vsub.f32 v13, v14;
	v12 =	vsub.f32 v12, v15;
	v10 =	vld.idx.msk [tilespmem:v10+s10+$0x0 ss:$0x1], $0xffff;
	vm0 =	veq.s32 v16, $0x1  }
0x1b0: {  	v7 =	vadd.f32 v21, v7;
	v56 =	vld.idx.msk [tilespmem:v9+s12+$0x0 ss:$0x1], $0xffff;
	v54 =	vnsel vm0, $0x0, v20;
	v16 =	vsel vm0, $0x3F800000, v0  }
0x1b1: {  	v58 =	vld.idx.msk [tilespmem:v9+s15+$0x0 ss:$0x1], $0xffff;
	vm11 =	veq.s32 v18, $0x1;
	vm1 =	veq.s32 v19, $0x1;
	v15 =	vmul.f32 v54, v54  }
0x1b2: {  	v9 =	vld.idx.msk [tilespmem:v9+s10+$0x0 ss:$0x1], $0xffff;
	v13 =	vnsel vm11, $0x0, v13;
	v18 =	vsel vm11, $0x3F800000, v0;
	v3 =	vadd.f32 v16, v3  }
0x1b3: {  	v12 =	vnsel vm1, $0x0, v12;
	v13 =	vmul.f32 v13, v13;
	v19 =	vsel vm1, $0x3F800000, v0  }
0x1b4: {  	v2 =	vadd.f32 v18, v2;
	v12 =	vmul.f32 v12, v12;
	v6 =	vadd.f32 v15, v6  }
0x1b5: {  	v57 =	vsub.f32 v23, v24;
	vm12 =	veq.s32 v25, $0x1;
	v14 =	vsub.f32 v26, v53  }
0x1b6: {  	v11 =	vsub.f32 v11, v55;
	vm13 =	veq.s32 v56, $0x1;
	v10 =	vsub.f32 v22, v10  }
0x1b7: {  	vm14 =	veq.s32 v58, $0x1;
	vm15 =	veq.s32 v9, $0x1;
	v1 =	vadd.f32 v19, v1  }
0x1b8: {  	v5 =	vadd.f32 v13, v5;
	v60 =	vsel vm12, $0x3F800000, v0;
	v62 =	vsel vm13, $0x3F800000, v0  }
0x1b9: {  	s9 =	sadd.s32 $0x1, s9;
	v63 =	vsel vm14, $0x3F800000, v0;
	v4 =	vadd.f32 v12, v4;
	v59 =	vnsel vm12, $0x0, v57  }
0x1ba: {  	p0 =	sne.s32 s9, $0x8;
	v8 =	vadd.f32 v60, v8;
	v61 =	vnsel vm13, $0x0, v14;
	v9 =	vnsel vm14, $0x0, v11  }
.Ltmp9:
0x1bb: {  	v10 =	vnsel vm15, $0x0, v10;
	v3 =	vadd.f32 v62, v3;
	v9 =	vmul.f32 v9, v9;
	(pc) =	sbr.rel @p0 .LBB2_18-.Ltmp9, $4  }
0x1bc: {  	v2 =	vadd.f32 v63, v2;
	v12 =	vmul.f32 v59, v59;
	v11 =	vmul.f32 v61, v61  }
0x1bd: {  	v10 =	vmul.f32 v10, v10;
	v5 =	vadd.f32 v9, v5;
	v9 =	vsel vm15, $0x3F800000, v0  }
0x1be: {  	v7 =	vadd.f32 v12, v7;
	v1 =	vadd.f32 v9, v1  }
0x1bf: {  	v6 =	vadd.f32 v11, v6;
	v4 =	vadd.f32 v10, v4  }
0x1c0: {  	s8 =	simm.s32 $0x0  }
0x1c1: {  	[tilespmem:s8], [sflag:$0x1] =	stream.linear.gather [hbm4b:s17+s8], $0x4000, $0x38;
	[tilespmem:$0x18100] =	vst v63  }
0x1c2: {  	_ = 	snop  }
0x1c3: {  	[tilespmem:s31], [sflag:$0x1] =	stream.linear.gather [hbm4b:s18+s8], $0x4000, $0x38;
	[tilespmem:$0x18100] =	vst v63  }
0x1c4: {  	_ = 	snop  }
0x1c5: {  	[tilespmem:s23], [sflag:$0x1] =	stream.linear.gather [hbm4b:s19+s8], $0x4000, $0x38;
	[tilespmem:$0x18100] =	vst v63  }
0x1c6: {  	_ =	swait.ge [sflag:s5], $0x4000  }
0x1c7: {  	[sflag:s5] =	ssyncset.done $0x0  }
0x1c8: {  	[sflag:s5] =	ssyncadd.s32 $0xFFFFC000  }
0x1c9: {  	_ =	swait.ge [sflag:s5], $0x4000  }
0x1ca: {  	[sflag:s5] =	ssyncset.done $0x0  }
0x1cb: {  	[sflag:s5] =	ssyncadd.s32 $0xFFFFC000  }
0x1cc: {  	_ =	swait.ge [sflag:s5], $0x4000  }
0x1cd: {  	[sflag:s5] =	ssyncset.done $0x0  }
0x1ce: {  	s9 =	simm.s32 $0x0;
	[sflag:s5] =	ssyncadd.s32 $0xFFFFC000  }
.LBB2_22:
0x1cf: {  	s10 =	sshll.u32 s9, $0x7  }
0x1d0: {  	s11 =	sadd.s32 $0xC000, s10  }
0x1d1: {  	v11 =	vmov s11  }
0x1d2: {  	s15 =	sadd.s32 $0x10000, s10  }
0x1d3: {  	s10 =	sadd.s32 $0x14000, s10;
	v10 =	vmov s15  }
0x1d4: {  	s12 =	sand.u32 $0x40, s8;
	s13 =	sand.u32 $0x3C00, s8;
	v9 =	vmov s10  }
0x1d5: {  	s10 =	sor.u32 s12, s13  }
0x1d6: {  	s11 =	sor.u32 $0x30, s10;
	v13 =	vld.idx.msk [tilespmem:v11+s10+$0x0 ss:$0x1], $0xffff  }
0x1d7: {  	v12 =	vld.idx.msk [tilespmem:v11+s11+$0x0 ss:$0x1], $0xffff  }
0x1d8: {  	v14 =	vld.idx.msk [tilespmem:v10+s11+$0x0 ss:$0x1], $0xffff  }
0x1d9: {  	s12 =	sor.u32 $0x10, s10;
	v15 =	vld.idx.msk [tilespmem:v9+s11+$0x0 ss:$0x1], $0xffff  }
0x1da: {  	v16 =	vld.idx.msk [tilespmem:v11+s12+$0x0 ss:$0x1], $0xffff  }
0x1db: {  	v17 =	vld.idx.msk [tilespmem:v10+s12+$0x0 ss:$0x1], $0xffff  }
0x1dc: {  	v20 =	vld.idx.msk [tilespmem:v10+s10+$0x0 ss:$0x1], $0xffff  }
0x1dd: {  	s14 =	sor.u32 $0x20, s10;
	v21 =	vld.idx.msk [tilespmem:v9+s12+$0x0 ss:$0x1], $0xffff  }
0x1de: {  	s13 =	simm.s32 $0x40;
	s15 =	simm.s32 $0x200;
	v22 =	vld.idx.msk [tilespmem:v9+s14+$0x0 ss:$0x1], $0xffff  }
0x1df: {  	s13 =	sand.u32 $0x40, s13;
	s12 =	sand.u32 $0x3C00, s15;
	v23 =	vld.idx.msk [tilespmem:v9+s10+$0x0 ss:$0x1], $0xffff  }
0x1e0: {  	v18 =	vld.idx.msk [tilespmem:v11+s14+$0x0 ss:$0x1], $0xffff;
	s13 =	sor.u32 s13, s12  }
0x1e1: {  	v19 =	vld.idx.msk [tilespmem:v10+s14+$0x0 ss:$0x1], $0xffff;
	s12 =	sor.u32 $0x30, s13  }
0x1e2: {  	v24 =	vld.idx.msk [tilespmem:v11+s12+$0x0 ss:$0x1], $0xffff;
	v14 =	vsub.f32 v12, v14  }
0x1e3: {  	v25 =	vld.idx.msk [tilespmem:v10+s12+$0x0 ss:$0x1], $0xffff;
	vm0 =	veq.s32 v15, $0x1;
	v16 =	vsub.f32 v16, v17;
	v17 =	vsub.f32 v13, v20  }
0x1e4: {  	s14 =	sor.u32 $0x10, s13;
	v12 =	vld.idx.msk [tilespmem:v11+s13+$0x0 ss:$0x1], $0xffff;
	vm13 =	veq.s32 v21, $0x1;
	vm14 =	veq.s32 v22, $0x1;
	vm1 =	veq.s32 v23, $0x1  }
0x1e5: {  	v20 =	vld.idx.msk [tilespmem:v11+s14+$0x0 ss:$0x1], $0xffff;
	v15 =	vsel vm0, $0x3F800000, v0;
	v23 =	vsel vm14, $0x3F800000, v0;
	v14 =	vnsel vm0, $0x0, v14  }
0x1e6: {  	v8 =	vadd.f32 v15, v8;
	v15 =	vsub.f32 v18, v19;
	v18 =	vld.idx.msk [tilespmem:v9+s12+$0x0 ss:$0x1], $0xffff;
	v13 =	vnsel vm13, $0x0, v16  }
0x1e7: {  	s10 =	sor.u32 $0x20, s13;
	v21 =	vld.idx.msk [tilespmem:v10+s14+$0x0 ss:$0x1], $0xffff;
	v19 =	vsel vm13, $0x3F800000, v0;
	v17 =	vnsel vm1, $0x0, v17;
	v14 =	vmul.f32 v14, v14  }
0x1e8: {  	v2 =	vadd.f32 v23, v2;
	v16 =	vmul.f32 v13, v13;
	v13 =	vld.idx.msk [tilespmem:v11+s10+$0x0 ss:$0x1], $0xffff;
	v26 =	vmul.f32 v17, v17  }
0x1e9: {  	v17 =	vsel vm1, $0x3F800000, v0;
	v3 =	vadd.f32 v19, v3;
	v19 =	vld.idx.msk [tilespmem:v9+s13+$0x0 ss:$0x1], $0xffff;
	v15 =	vnsel vm14, $0x0, v15  }
0x1ea: {  	v24 =	vsub.f32 v24, v25;
	v7 =	vadd.f32 v14, v7;
	v22 =	vmul.f32 v15, v15;
	v14 =	vld.idx.msk [tilespmem:v10+s10+$0x0 ss:$0x1], $0xffff  }
0x1eb: {  	s15 =	simm.s32 $0x80;
	s11 =	simm.s32 $0x400;
	v6 =	vadd.f32 v16, v6;
	v15 =	vld.idx.msk [tilespmem:v10+s13+$0x0 ss:$0x1], $0xffff;
	v4 =	vadd.f32 v26, v4;
	vm15 =	veq.s32 v18, $0x1  }
0x1ec: {  	s12 =	sand.u32 $0x40, s15;
	v16 =	vld.idx.msk [tilespmem:v9+s14+$0x0 ss:$0x1], $0xffff;
	s14 =	sand.u32 $0x3C00, s11;
	v5 =	vadd.f32 v22, v5;
	v22 =	vnsel vm15, $0x0, v24;
	v63 =	vsel vm15, $0x3F800000, v0  }
0x1ed: {  	v20 =	vsub.f32 v20, v21;
	v18 =	vld.idx.msk [tilespmem:v9+s10+$0x0 ss:$0x1], $0xffff;
	s10 =	sor.u32 s12, s14;
	s12 =	simm.s32 $0xC0;
	v21 =	vmul.f32 v22, v22;
	v8 =	vadd.f32 v63, v8  }
.LBB2_23:
0x1ee: {  	p0 =	sne.s32 s12, $0x7C0;
	v22 =	vld.idx.msk [tilespmem:v11+s10+$0x0 ss:$0x1], $0xffff;
	s13 =	sor.u32 $0x10, s10;
	s14 =	sor.u32 $0x30, s10;
	v1 =	vadd.f32 v17, v1  }
0x1ef: {  	s15 =	sor.u32 $0x20, s10;
	v13 =	vsub.f32 v13, v14;
	v23 =	vld.idx.msk [tilespmem:v11+s14+$0x0 ss:$0x1], $0xffff;
	v7 =	vadd.f32 v21, v7  }
0x1f0: {  	v12 =	vsub.f32 v12, v15;
	v21 =	vld.idx.msk [tilespmem:v10+s14+$0x0 ss:$0x1], $0xffff  }
0x1f1: {  	vm0 =	veq.s32 v16, $0x1;
	v24 =	vld.idx.msk [tilespmem:v9+s14+$0x0 ss:$0x1], $0xffff  }
0x1f2: {  	v14 =	vnsel vm0, $0x0, v20;
	v20 =	vsel vm0, $0x3F800000, v0;
	vm0 =	veq.s32 v18, $0x1;
	v25 =	vld.idx.msk [tilespmem:v11+s13+$0x0 ss:$0x1], $0xffff  }
0x1f3: {  	vm1 =	veq.s32 v19, $0x1;
	v15 =	vmul.f32 v14, v14;
	v14 =	vnsel vm0, $0x0, v13;
	v26 =	vld.idx.msk [tilespmem:v10+s13+$0x0 ss:$0x1], $0xffff  }
0x1f4: {  	v19 =	vsel vm0, $0x3F800000, v0;
	v16 =	vnsel vm1, $0x0, v12;
	v18 =	vmul.f32 v14, v14;
	v12 =	vmovc v22;
	v13 =	vld.idx.msk [tilespmem:v11+s15+$0x0 ss:$0x1], $0xffff  }
.Ltmp10:
0x1f5: {  	v17 =	vsel vm1, $0x3F800000, v0;
	v22 =	vmul.f32 v16, v16;
	v6 =	vadd.f32 v15, v6;
	v14 =	vld.idx.msk [tilespmem:v10+s15+$0x0 ss:$0x1], $0xffff;
	(pc) =	sbr.rel @p0 .LBB2_23-.Ltmp10, $4  }
0x1f6: {  	v21 =	vsub.f32 v23, v21;
	v5 =	vadd.f32 v18, v5;
	v15 =	vld.idx.msk [tilespmem:v10+s10+$0x0 ss:$0x1], $0xffff  }
0x1f7: {  	s11 =	sadd.s32 $0x200, s11;
	v3 =	vadd.f32 v20, v3;
	vm0 =	veq.s32 v24, $0x1;
	v4 =	vadd.f32 v22, v4;
	v16 =	vld.idx.msk [tilespmem:v9+s13+$0x0 ss:$0x1], $0xffff  }
0x1f8: {  	s14 =	sand.u32 $0x3C00, s11;
	v2 =	vadd.f32 v19, v2;
	s13 =	sand.u32 $0x40, s12;
	v21 =	vnsel vm0, $0x0, v21;
	v22 =	vsel vm0, $0x3F800000, v0;
	v18 =	vld.idx.msk [tilespmem:v9+s15+$0x0 ss:$0x1], $0xffff  }
0x1f9: {  	s12 =	sadd.s32 $0x40, s12;
	v20 =	vsub.f32 v25, v26;
	v21 =	vmul.f32 v21, v21;
	v8 =	vadd.f32 v22, v8;
	v19 =	vld.idx.msk [tilespmem:v9+s10+$0x0 ss:$0x1], $0xffff;
	s10 =	sor.u32 s13, s14  }
0x1fa: {  	_ =	sdelay $0x3  }
0x1fb: {  	v22 =	vld.idx.msk [tilespmem:v11+s10+$0x0 ss:$0x1], $0xffff;
	s11 =	sor.u32 $0x30, s10  }
0x1fc: {  	v23 =	vld.idx.msk [tilespmem:v11+s11+$0x0 ss:$0x1], $0xffff  }
0x1fd: {  	v24 =	vld.idx.msk [tilespmem:v10+s11+$0x0 ss:$0x1], $0xffff  }
0x1fe: {  	s12 =	sor.u32 $0x10, s10;
	v25 =	vld.idx.msk [tilespmem:v9+s11+$0x0 ss:$0x1], $0xffff  }
0x1ff: {  	v26 =	vld.idx.msk [tilespmem:v11+s12+$0x0 ss:$0x1], $0xffff  }
0x200: {  	s15 =	sor.u32 $0x20, s10;
	v53 =	vld.idx.msk [tilespmem:v10+s12+$0x0 ss:$0x1], $0xffff  }
0x201: {  	v11 =	vld.idx.msk [tilespmem:v11+s15+$0x0 ss:$0x1], $0xffff  }
0x202: {  	v1 =	vadd.f32 v17, v1;
	v55 =	vld.idx.msk [tilespmem:v10+s15+$0x0 ss:$0x1], $0xffff  }
0x203: {  	v13 =	vsub.f32 v13, v14;
	v12 =	vsub.f32 v12, v15;
	v10 =	vld.idx.msk [tilespmem:v10+s10+$0x0 ss:$0x1], $0xffff;
	vm0 =	veq.s32 v16, $0x1  }
0x204: {  	v7 =	vadd.f32 v21, v7;
	v56 =	vld.idx.msk [tilespmem:v9+s12+$0x0 ss:$0x1], $0xffff;
	v54 =	vnsel vm0, $0x0, v20;
	v16 =	vsel vm0, $0x3F800000, v0  }
0x205: {  	v58 =	vld.idx.msk [tilespmem:v9+s15+$0x0 ss:$0x1], $0xffff;
	vm11 =	veq.s32 v18, $0x1;
	vm1 =	veq.s32 v19, $0x1;
	v15 =	vmul.f32 v54, v54  }
0x206: {  	v9 =	vld.idx.msk [tilespmem:v9+s10+$0x0 ss:$0x1], $0xffff;
	v13 =	vnsel vm11, $0x0, v13;
	v18 =	vsel vm11, $0x3F800000, v0;
	v3 =	vadd.f32 v16, v3  }
0x207: {  	v12 =	vnsel vm1, $0x0, v12;
	v13 =	vmul.f32 v13, v13;
	v19 =	vsel vm1, $0x3F800000, v0  }
0x208: {  	v2 =	vadd.f32 v18, v2;
	v12 =	vmul.f32 v12, v12;
	v6 =	vadd.f32 v15, v6  }
0x209: {  	v57 =	vsub.f32 v23, v24;
	vm12 =	veq.s32 v25, $0x1;
	v14 =	vsub.f32 v26, v53  }
0x20a: {  	v11 =	vsub.f32 v11, v55;
	vm13 =	veq.s32 v56, $0x1;
	v10 =	vsub.f32 v22, v10  }
0x20b: {  	vm14 =	veq.s32 v58, $0x1;
	vm15 =	veq.s32 v9, $0x1;
	v1 =	vadd.f32 v19, v1  }
0x20c: {  	v5 =	vadd.f32 v13, v5;
	v60 =	vsel vm12, $0x3F800000, v0;
	v62 =	vsel vm13, $0x3F800000, v0  }
0x20d: {  	s9 =	sadd.s32 $0x1, s9;
	v63 =	vsel vm14, $0x3F800000, v0;
	v4 =	vadd.f32 v12, v4;
	v59 =	vnsel vm12, $0x0, v57  }
0x20e: {  	p0 =	sne.s32 s9, $0x8;
	v8 =	vadd.f32 v60, v8;
	v61 =	vnsel vm13, $0x0, v14;
	v9 =	vnsel vm14, $0x0, v11  }
.Ltmp11:
0x20f: {  	v10 =	vnsel vm15, $0x0, v10;
	v3 =	vadd.f32 v62, v3;
	v9 =	vmul.f32 v9, v9;
	(pc) =	sbr.rel @p0 .LBB2_22-.Ltmp11, $4  }
0x210: {  	v2 =	vadd.f32 v63, v2;
	v12 =	vmul.f32 v59, v59;
	v11 =	vmul.f32 v61, v61  }
0x211: {  	v10 =	vmul.f32 v10, v10;
	v5 =	vadd.f32 v9, v5;
	v9 =	vsel vm15, $0x3F800000, v0  }
0x212: {  	v7 =	vadd.f32 v12, v7;
	v1 =	vadd.f32 v9, v1  }
0x213: {  	v6 =	vadd.f32 v11, v6;
	v4 =	vadd.f32 v10, v4  }
0x214: {  	s8 =	simm.s32 $0x0  }
0x215: {  	[tilespmem:s0], [sflag:$0x2] =	stream.linear.gather [hbm4b:s24+s8], $0x4000, $0x38;
	[tilespmem:$0x18100] =	vst v63  }
0x216: {  	_ = 	snop  }
0x217: {  	[tilespmem:s2], [sflag:$0x2] =	stream.linear.gather [hbm4b:s25+s8], $0x4000, $0x38;
	[tilespmem:$0x18100] =	vst v63  }
0x218: {  	_ = 	snop  }
0x219: {  	[tilespmem:s3], [sflag:$0x2] =	stream.linear.gather [hbm4b:s26+s8], $0x4000, $0x38;
	[tilespmem:$0x18100] =	vst v63  }
0x21a: {  	_ =	swait.ge [sflag:s4], $0x4000  }
0x21b: {  	[sflag:s4] =	ssyncset.done $0x0  }
0x21c: {  	[sflag:s4] =	ssyncadd.s32 $0xFFFFC000  }
0x21d: {  	_ =	swait.ge [sflag:s4], $0x4000  }
0x21e: {  	[sflag:s4] =	ssyncset.done $0x0  }
0x21f: {  	[sflag:s4] =	ssyncadd.s32 $0xFFFFC000  }
0x220: {  	_ =	swait.ge [sflag:s4], $0x4000  }
0x221: {  	[sflag:s4] =	ssyncset.done $0x0  }
0x222: {  	s9 =	simm.s32 $0x0;
	[sflag:s4] =	ssyncadd.s32 $0xFFFFC000  }
.LBB2_26:
0x223: {  	s10 =	sshll.u32 s9, $0x7  }
0x224: {  	v11 =	vmov s10;
	_ =	sdelay $0x1  }
0x225: {  	s11 =	sadd.s32 $0x4000, s10  }
0x226: {  	s12 =	sand.u32 $0x40, s8;
	s13 =	sand.u32 $0x3C00, s8;
	s10 =	sadd.s32 $0x8000, s10;
	v10 =	vmov s11  }
0x227: {  	v9 =	vmov s10;
	s10 =	sor.u32 s12, s13  }
0x228: {  	s11 =	sor.u32 $0x30, s10;
	v13 =	vld.idx.msk [tilespmem:v11+s10+$0x0 ss:$0x1], $0xffff  }
0x229: {  	s12 =	sor.u32 $0x10, s10;
	v12 =	vld.idx.msk [tilespmem:v11+s11+$0x0 ss:$0x1], $0xffff  }
0x22a: {  	v16 =	vld.idx.msk [tilespmem:v11+s12+$0x0 ss:$0x1], $0xffff  }
0x22b: {  	v14 =	vld.idx.msk [tilespmem:v10+s11+$0x0 ss:$0x1], $0xffff  }
0x22c: {  	v15 =	vld.idx.msk [tilespmem:v9+s11+$0x0 ss:$0x1], $0xffff  }
0x22d: {  	v17 =	vld.idx.msk [tilespmem:v10+s12+$0x0 ss:$0x1], $0xffff  }
0x22e: {  	v20 =	vld.idx.msk [tilespmem:v10+s10+$0x0 ss:$0x1], $0xffff  }
0x22f: {  	s14 =	sor.u32 $0x20, s10;
	v21 =	vld.idx.msk [tilespmem:v9+s12+$0x0 ss:$0x1], $0xffff  }
0x230: {  	s15 =	simm.s32 $0x200;
	s13 =	simm.s32 $0x40;
	v22 =	vld.idx.msk [tilespmem:v9+s14+$0x0 ss:$0x1], $0xffff  }
0x231: {  	s13 =	sand.u32 $0x40, s13;
	s12 =	sand.u32 $0x3C00, s15;
	v23 =	vld.idx.msk [tilespmem:v9+s10+$0x0 ss:$0x1], $0xffff  }
0x232: {  	v18 =	vld.idx.msk [tilespmem:v11+s14+$0x0 ss:$0x1], $0xffff;
	s13 =	sor.u32 s13, s12  }
0x233: {  	v19 =	vld.idx.msk [tilespmem:v10+s14+$0x0 ss:$0x1], $0xffff;
	s12 =	sor.u32 $0x30, s13  }
0x234: {  	v24 =	vld.idx.msk [tilespmem:v11+s12+$0x0 ss:$0x1], $0xffff;
	v14 =	vsub.f32 v12, v14  }
0x235: {  	v25 =	vld.idx.msk [tilespmem:v10+s12+$0x0 ss:$0x1], $0xffff;
	vm0 =	veq.s32 v15, $0x1;
	v16 =	vsub.f32 v16, v17;
	v17 =	vsub.f32 v13, v20  }
0x236: {  	s14 =	sor.u32 $0x10, s13;
	v12 =	vld.idx.msk [tilespmem:v11+s13+$0x0 ss:$0x1], $0xffff;
	vm13 =	veq.s32 v21, $0x1;
	vm14 =	veq.s32 v22, $0x1;
	vm1 =	veq.s32 v23, $0x1  }
0x237: {  	v20 =	vld.idx.msk [tilespmem:v11+s14+$0x0 ss:$0x1], $0xffff;
	v15 =	vsel vm0, $0x3F800000, v0;
	v23 =	vsel vm14, $0x3F800000, v0;
	v14 =	vnsel vm0, $0x0, v14  }
0x238: {  	v8 =	vadd.f32 v15, v8;
	v15 =	vsub.f32 v18, v19;
	v18 =	vld.idx.msk [tilespmem:v9+s12+$0x0 ss:$0x1], $0xffff;
	v13 =	vnsel vm13, $0x0, v16  }
0x239: {  	s10 =	sor.u32 $0x20, s13;
	v21 =	vld.idx.msk [tilespmem:v10+s14+$0x0 ss:$0x1], $0xffff;
	v19 =	vsel vm13, $0x3F800000, v0;
	v17 =	vnsel vm1, $0x0, v17;
	v14 =	vmul.f32 v14, v14  }
0x23a: {  	v2 =	vadd.f32 v23, v2;
	v16 =	vmul.f32 v13, v13;
	v13 =	vld.idx.msk [tilespmem:v11+s10+$0x0 ss:$0x1], $0xffff;
	v26 =	vmul.f32 v17, v17  }
0x23b: {  	v17 =	vsel vm1, $0x3F800000, v0;
	v3 =	vadd.f32 v19, v3;
	v19 =	vld.idx.msk [tilespmem:v9+s13+$0x0 ss:$0x1], $0xffff;
	v15 =	vnsel vm14, $0x0, v15  }
0x23c: {  	v24 =	vsub.f32 v24, v25;
	v7 =	vadd.f32 v14, v7;
	v22 =	vmul.f32 v15, v15;
	v14 =	vld.idx.msk [tilespmem:v10+s10+$0x0 ss:$0x1], $0xffff  }
0x23d: {  	s15 =	simm.s32 $0x80;
	s11 =	simm.s32 $0x400;
	v6 =	vadd.f32 v16, v6;
	v15 =	vld.idx.msk [tilespmem:v10+s13+$0x0 ss:$0x1], $0xffff;
	v4 =	vadd.f32 v26, v4;
	vm15 =	veq.s32 v18, $0x1  }
0x23e: {  	s12 =	sand.u32 $0x40, s15;
	v16 =	vld.idx.msk [tilespmem:v9+s14+$0x0 ss:$0x1], $0xffff;
	s14 =	sand.u32 $0x3C00, s11;
	v5 =	vadd.f32 v22, v5;
	v22 =	vnsel vm15, $0x0, v24;
	v63 =	vsel vm15, $0x3F800000, v0  }
0x23f: {  	v20 =	vsub.f32 v20, v21;
	v18 =	vld.idx.msk [tilespmem:v9+s10+$0x0 ss:$0x1], $0xffff;
	s10 =	sor.u32 s12, s14;
	s12 =	simm.s32 $0xC0;
	v21 =	vmul.f32 v22, v22;
	v8 =	vadd.f32 v63, v8  }
.LBB2_27:
0x240: {  	p0 =	sne.s32 s12, $0x7C0;
	v22 =	vld.idx.msk [tilespmem:v11+s10+$0x0 ss:$0x1], $0xffff;
	s13 =	sor.u32 $0x10, s10;
	s14 =	sor.u32 $0x30, s10;
	v1 =	vadd.f32 v17, v1  }
0x241: {  	s15 =	sor.u32 $0x20, s10;
	v13 =	vsub.f32 v13, v14;
	v23 =	vld.idx.msk [tilespmem:v11+s14+$0x0 ss:$0x1], $0xffff;
	v7 =	vadd.f32 v21, v7  }
0x242: {  	v12 =	vsub.f32 v12, v15;
	v21 =	vld.idx.msk [tilespmem:v10+s14+$0x0 ss:$0x1], $0xffff  }
0x243: {  	vm0 =	veq.s32 v16, $0x1;
	v24 =	vld.idx.msk [tilespmem:v9+s14+$0x0 ss:$0x1], $0xffff  }
0x244: {  	v14 =	vnsel vm0, $0x0, v20;
	v20 =	vsel vm0, $0x3F800000, v0;
	vm0 =	veq.s32 v18, $0x1;
	v25 =	vld.idx.msk [tilespmem:v11+s13+$0x0 ss:$0x1], $0xffff  }
0x245: {  	vm1 =	veq.s32 v19, $0x1;
	v15 =	vmul.f32 v14, v14;
	v14 =	vnsel vm0, $0x0, v13;
	v26 =	vld.idx.msk [tilespmem:v10+s13+$0x0 ss:$0x1], $0xffff  }
0x246: {  	v19 =	vsel vm0, $0x3F800000, v0;
	v16 =	vnsel vm1, $0x0, v12;
	v18 =	vmul.f32 v14, v14;
	v12 =	vmovc v22;
	v13 =	vld.idx.msk [tilespmem:v11+s15+$0x0 ss:$0x1], $0xffff  }
.Ltmp12:
0x247: {  	v17 =	vsel vm1, $0x3F800000, v0;
	v22 =	vmul.f32 v16, v16;
	v6 =	vadd.f32 v15, v6;
	v14 =	vld.idx.msk [tilespmem:v10+s15+$0x0 ss:$0x1], $0xffff;
	(pc) =	sbr.rel @p0 .LBB2_27-.Ltmp12, $4  }
0x248: {  	v21 =	vsub.f32 v23, v21;
	v5 =	vadd.f32 v18, v5;
	v15 =	vld.idx.msk [tilespmem:v10+s10+$0x0 ss:$0x1], $0xffff  }
0x249: {  	s11 =	sadd.s32 $0x200, s11;
	v3 =	vadd.f32 v20, v3;
	vm0 =	veq.s32 v24, $0x1;
	v4 =	vadd.f32 v22, v4;
	v16 =	vld.idx.msk [tilespmem:v9+s13+$0x0 ss:$0x1], $0xffff  }
0x24a: {  	s14 =	sand.u32 $0x3C00, s11;
	v2 =	vadd.f32 v19, v2;
	s13 =	sand.u32 $0x40, s12;
	v21 =	vnsel vm0, $0x0, v21;
	v22 =	vsel vm0, $0x3F800000, v0;
	v18 =	vld.idx.msk [tilespmem:v9+s15+$0x0 ss:$0x1], $0xffff  }
0x24b: {  	s12 =	sadd.s32 $0x40, s12;
	v20 =	vsub.f32 v25, v26;
	v21 =	vmul.f32 v21, v21;
	v8 =	vadd.f32 v22, v8;
	v19 =	vld.idx.msk [tilespmem:v9+s10+$0x0 ss:$0x1], $0xffff;
	s10 =	sor.u32 s13, s14  }
0x24c: {  	_ =	sdelay $0x3  }
0x24d: {  	v22 =	vld.idx.msk [tilespmem:v11+s10+$0x0 ss:$0x1], $0xffff;
	s11 =	sor.u32 $0x30, s10  }
0x24e: {  	v23 =	vld.idx.msk [tilespmem:v11+s11+$0x0 ss:$0x1], $0xffff  }
0x24f: {  	v24 =	vld.idx.msk [tilespmem:v10+s11+$0x0 ss:$0x1], $0xffff  }
0x250: {  	s12 =	sor.u32 $0x10, s10;
	v25 =	vld.idx.msk [tilespmem:v9+s11+$0x0 ss:$0x1], $0xffff  }
0x251: {  	v26 =	vld.idx.msk [tilespmem:v11+s12+$0x0 ss:$0x1], $0xffff  }
0x252: {  	s15 =	sor.u32 $0x20, s10;
	v53 =	vld.idx.msk [tilespmem:v10+s12+$0x0 ss:$0x1], $0xffff  }
0x253: {  	v11 =	vld.idx.msk [tilespmem:v11+s15+$0x0 ss:$0x1], $0xffff  }
0x254: {  	v1 =	vadd.f32 v17, v1;
	v55 =	vld.idx.msk [tilespmem:v10+s15+$0x0 ss:$0x1], $0xffff  }
0x255: {  	v13 =	vsub.f32 v13, v14;
	v12 =	vsub.f32 v12, v15;
	v10 =	vld.idx.msk [tilespmem:v10+s10+$0x0 ss:$0x1], $0xffff;
	vm0 =	veq.s32 v16, $0x1  }
0x256: {  	v7 =	vadd.f32 v21, v7;
	v56 =	vld.idx.msk [tilespmem:v9+s12+$0x0 ss:$0x1], $0xffff;
	v54 =	vnsel vm0, $0x0, v20;
	v16 =	vsel vm0, $0x3F800000, v0  }
0x257: {  	v58 =	vld.idx.msk [tilespmem:v9+s15+$0x0 ss:$0x1], $0xffff;
	vm11 =	veq.s32 v18, $0x1;
	vm1 =	veq.s32 v19, $0x1;
	v15 =	vmul.f32 v54, v54  }
0x258: {  	v9 =	vld.idx.msk [tilespmem:v9+s10+$0x0 ss:$0x1], $0xffff;
	v13 =	vnsel vm11, $0x0, v13;
	v18 =	vsel vm11, $0x3F800000, v0;
	v3 =	vadd.f32 v16, v3  }
0x259: {  	v12 =	vnsel vm1, $0x0, v12;
	v13 =	vmul.f32 v13, v13;
	v19 =	vsel vm1, $0x3F800000, v0  }
0x25a: {  	v2 =	vadd.f32 v18, v2;
	v12 =	vmul.f32 v12, v12;
	v6 =	vadd.f32 v15, v6  }
0x25b: {  	v57 =	vsub.f32 v23, v24;
	vm12 =	veq.s32 v25, $0x1;
	v14 =	vsub.f32 v26, v53  }
0x25c: {  	v11 =	vsub.f32 v11, v55;
	vm13 =	veq.s32 v56, $0x1;
	v10 =	vsub.f32 v22, v10  }
0x25d: {  	vm14 =	veq.s32 v58, $0x1;
	vm15 =	veq.s32 v9, $0x1;
	v1 =	vadd.f32 v19, v1  }
0x25e: {  	v5 =	vadd.f32 v13, v5;
	v60 =	vsel vm12, $0x3F800000, v0;
	v62 =	vsel vm13, $0x3F800000, v0  }
0x25f: {  	s9 =	sadd.s32 $0x1, s9;
	v63 =	vsel vm14, $0x3F800000, v0;
	v4 =	vadd.f32 v12, v4;
	v59 =	vnsel vm12, $0x0, v57  }
0x260: {  	p0 =	sne.s32 s9, $0x8;
	v8 =	vadd.f32 v60, v8;
	v61 =	vnsel vm13, $0x0, v14;
	v9 =	vnsel vm14, $0x0, v11  }
.Ltmp13:
0x261: {  	v10 =	vnsel vm15, $0x0, v10;
	v3 =	vadd.f32 v62, v3;
	v9 =	vmul.f32 v9, v9;
	(pc) =	sbr.rel @p0 .LBB2_26-.Ltmp13, $4  }
0x262: {  	v2 =	vadd.f32 v63, v2;
	v12 =	vmul.f32 v59, v59;
	v11 =	vmul.f32 v61, v61  }
0x263: {  	v10 =	vmul.f32 v10, v10;
	v5 =	vadd.f32 v9, v5;
	v9 =	vsel vm15, $0x3F800000, v0  }
0x264: {  	v7 =	vadd.f32 v12, v7;
	v1 =	vadd.f32 v9, v1  }
0x265: {  	v6 =	vadd.f32 v11, v6;
	v4 =	vadd.f32 v10, v4  }
0x266: {  	_ =	swait.ge [sflag:s5], $0x4000  }
0x267: {  	[sflag:s5] =	ssyncset.done $0x0  }
0x268: {  	[sflag:s5] =	ssyncadd.s32 $0xFFFFC000  }
0x269: {  	_ =	swait.ge [sflag:s5], $0x4000  }
0x26a: {  	[sflag:s5] =	ssyncset.done $0x0  }
0x26b: {  	[sflag:s5] =	ssyncadd.s32 $0xFFFFC000  }
0x26c: {  	_ =	swait.ge [sflag:s5], $0x4000  }
0x26d: {  	[sflag:s5] =	ssyncset.done $0x0  }
0x26e: {  	s8 =	simm.s32 $0x0;
	s9 =	simm.s32 $0x0;
	[sflag:s5] =	ssyncadd.s32 $0xFFFFC000  }
.LBB2_30:
0x26f: {  	s10 =	sshll.u32 s9, $0x7  }
0x270: {  	s11 =	sadd.s32 $0xC000, s10  }
0x271: {  	v11 =	vmov s11  }
0x272: {  	s15 =	sadd.s32 $0x10000, s10  }
0x273: {  	s10 =	sadd.s32 $0x14000, s10;
	v10 =	vmov s15  }
0x274: {  	s12 =	sand.u32 $0x40, s8;
	s13 =	sand.u32 $0x3C00, s8;
	v9 =	vmov s10  }
0x275: {  	s10 =	sor.u32 s12, s13  }
0x276: {  	s11 =	sor.u32 $0x30, s10;
	v13 =	vld.idx.msk [tilespmem:v11+s10+$0x0 ss:$0x1], $0xffff  }
0x277: {  	v12 =	vld.idx.msk [tilespmem:v11+s11+$0x0 ss:$0x1], $0xffff  }
0x278: {  	v14 =	vld.idx.msk [tilespmem:v10+s11+$0x0 ss:$0x1], $0xffff  }
0x279: {  	s12 =	sor.u32 $0x10, s10;
	v15 =	vld.idx.msk [tilespmem:v9+s11+$0x0 ss:$0x1], $0xffff  }
0x27a: {  	v16 =	vld.idx.msk [tilespmem:v11+s12+$0x0 ss:$0x1], $0xffff  }
0x27b: {  	v17 =	vld.idx.msk [tilespmem:v10+s12+$0x0 ss:$0x1], $0xffff  }
0x27c: {  	v20 =	vld.idx.msk [tilespmem:v10+s10+$0x0 ss:$0x1], $0xffff  }
0x27d: {  	s14 =	sor.u32 $0x20, s10;
	v21 =	vld.idx.msk [tilespmem:v9+s12+$0x0 ss:$0x1], $0xffff  }
0x27e: {  	s13 =	simm.s32 $0x40;
	s15 =	simm.s32 $0x200;
	v22 =	vld.idx.msk [tilespmem:v9+s14+$0x0 ss:$0x1], $0xffff  }
0x27f: {  	s13 =	sand.u32 $0x40, s13;
	s12 =	sand.u32 $0x3C00, s15;
	v23 =	vld.idx.msk [tilespmem:v9+s10+$0x0 ss:$0x1], $0xffff  }
0x280: {  	v18 =	vld.idx.msk [tilespmem:v11+s14+$0x0 ss:$0x1], $0xffff;
	s13 =	sor.u32 s13, s12  }
0x281: {  	v19 =	vld.idx.msk [tilespmem:v10+s14+$0x0 ss:$0x1], $0xffff;
	s12 =	sor.u32 $0x30, s13  }
0x282: {  	v24 =	vld.idx.msk [tilespmem:v11+s12+$0x0 ss:$0x1], $0xffff;
	v14 =	vsub.f32 v12, v14  }
0x283: {  	v25 =	vld.idx.msk [tilespmem:v10+s12+$0x0 ss:$0x1], $0xffff;
	vm0 =	veq.s32 v15, $0x1;
	v16 =	vsub.f32 v16, v17;
	v17 =	vsub.f32 v13, v20  }
0x284: {  	s14 =	sor.u32 $0x10, s13;
	v12 =	vld.idx.msk [tilespmem:v11+s13+$0x0 ss:$0x1], $0xffff;
	vm13 =	veq.s32 v21, $0x1;
	vm14 =	veq.s32 v22, $0x1;
	vm1 =	veq.s32 v23, $0x1  }
0x285: {  	v20 =	vld.idx.msk [tilespmem:v11+s14+$0x0 ss:$0x1], $0xffff;
	v15 =	vsel vm0, $0x3F800000, v0;
	v23 =	vsel vm14, $0x3F800000, v0;
	v14 =	vnsel vm0, $0x0, v14  }
0x286: {  	v8 =	vadd.f32 v15, v8;
	v15 =	vsub.f32 v18, v19;
	v18 =	vld.idx.msk [tilespmem:v9+s12+$0x0 ss:$0x1], $0xffff;
	v13 =	vnsel vm13, $0x0, v16  }
0x287: {  	s10 =	sor.u32 $0x20, s13;
	v21 =	vld.idx.msk [tilespmem:v10+s14+$0x0 ss:$0x1], $0xffff;
	v19 =	vsel vm13, $0x3F800000, v0;
	v17 =	vnsel vm1, $0x0, v17;
	v14 =	vmul.f32 v14, v14  }
0x288: {  	v2 =	vadd.f32 v23, v2;
	v16 =	vmul.f32 v13, v13;
	v13 =	vld.idx.msk [tilespmem:v11+s10+$0x0 ss:$0x1], $0xffff;
	v26 =	vmul.f32 v17, v17  }
0x289: {  	v17 =	vsel vm1, $0x3F800000, v0;
	v3 =	vadd.f32 v19, v3;
	v19 =	vld.idx.msk [tilespmem:v9+s13+$0x0 ss:$0x1], $0xffff;
	v15 =	vnsel vm14, $0x0, v15  }
0x28a: {  	v24 =	vsub.f32 v24, v25;
	v7 =	vadd.f32 v14, v7;
	v22 =	vmul.f32 v15, v15;
	v14 =	vld.idx.msk [tilespmem:v10+s10+$0x0 ss:$0x1], $0xffff  }
0x28b: {  	s15 =	simm.s32 $0x80;
	s11 =	simm.s32 $0x400;
	v6 =	vadd.f32 v16, v6;
	v15 =	vld.idx.msk [tilespmem:v10+s13+$0x0 ss:$0x1], $0xffff;
	v4 =	vadd.f32 v26, v4;
	vm15 =	veq.s32 v18, $0x1  }
0x28c: {  	s12 =	sand.u32 $0x40, s15;
	v16 =	vld.idx.msk [tilespmem:v9+s14+$0x0 ss:$0x1], $0xffff;
	s14 =	sand.u32 $0x3C00, s11;
	v5 =	vadd.f32 v22, v5;
	v22 =	vnsel vm15, $0x0, v24;
	v63 =	vsel vm15, $0x3F800000, v0  }
0x28d: {  	v20 =	vsub.f32 v20, v21;
	v18 =	vld.idx.msk [tilespmem:v9+s10+$0x0 ss:$0x1], $0xffff;
	s10 =	sor.u32 s12, s14;
	s12 =	simm.s32 $0xC0;
	v21 =	vmul.f32 v22, v22;
	v8 =	vadd.f32 v63, v8  }
.LBB2_31:
0x28e: {  	p0 =	sne.s32 s12, $0x7C0;
	v22 =	vld.idx.msk [tilespmem:v11+s10+$0x0 ss:$0x1], $0xffff;
	s13 =	sor.u32 $0x10, s10;
	s14 =	sor.u32 $0x30, s10;
	v1 =	vadd.f32 v17, v1  }
0x28f: {  	s15 =	sor.u32 $0x20, s10;
	v13 =	vsub.f32 v13, v14;
	v23 =	vld.idx.msk [tilespmem:v11+s14+$0x0 ss:$0x1], $0xffff;
	v7 =	vadd.f32 v21, v7  }
0x290: {  	v12 =	vsub.f32 v12, v15;
	v21 =	vld.idx.msk [tilespmem:v10+s14+$0x0 ss:$0x1], $0xffff  }
0x291: {  	vm0 =	veq.s32 v16, $0x1;
	v24 =	vld.idx.msk [tilespmem:v9+s14+$0x0 ss:$0x1], $0xffff  }
0x292: {  	v14 =	vnsel vm0, $0x0, v20;
	v20 =	vsel vm0, $0x3F800000, v0;
	vm0 =	veq.s32 v18, $0x1;
	v25 =	vld.idx.msk [tilespmem:v11+s13+$0x0 ss:$0x1], $0xffff  }
0x293: {  	vm1 =	veq.s32 v19, $0x1;
	v15 =	vmul.f32 v14, v14;
	v14 =	vnsel vm0, $0x0, v13;
	v26 =	vld.idx.msk [tilespmem:v10+s13+$0x0 ss:$0x1], $0xffff  }
0x294: {  	v19 =	vsel vm0, $0x3F800000, v0;
	v16 =	vnsel vm1, $0x0, v12;
	v18 =	vmul.f32 v14, v14;
	v12 =	vmovc v22;
	v13 =	vld.idx.msk [tilespmem:v11+s15+$0x0 ss:$0x1], $0xffff  }
.Ltmp14:
0x295: {  	v17 =	vsel vm1, $0x3F800000, v0;
	v22 =	vmul.f32 v16, v16;
	v6 =	vadd.f32 v15, v6;
	v14 =	vld.idx.msk [tilespmem:v10+s15+$0x0 ss:$0x1], $0xffff;
	(pc) =	sbr.rel @p0 .LBB2_31-.Ltmp14, $4  }
0x296: {  	v21 =	vsub.f32 v23, v21;
	v5 =	vadd.f32 v18, v5;
	v15 =	vld.idx.msk [tilespmem:v10+s10+$0x0 ss:$0x1], $0xffff  }
0x297: {  	s11 =	sadd.s32 $0x200, s11;
	v3 =	vadd.f32 v20, v3;
	vm0 =	veq.s32 v24, $0x1;
	v4 =	vadd.f32 v22, v4;
	v16 =	vld.idx.msk [tilespmem:v9+s13+$0x0 ss:$0x1], $0xffff  }
0x298: {  	s14 =	sand.u32 $0x3C00, s11;
	v2 =	vadd.f32 v19, v2;
	s13 =	sand.u32 $0x40, s12;
	v21 =	vnsel vm0, $0x0, v21;
	v22 =	vsel vm0, $0x3F800000, v0;
	v18 =	vld.idx.msk [tilespmem:v9+s15+$0x0 ss:$0x1], $0xffff  }
0x299: {  	s12 =	sadd.s32 $0x40, s12;
	v20 =	vsub.f32 v25, v26;
	v21 =	vmul.f32 v21, v21;
	v8 =	vadd.f32 v22, v8;
	v19 =	vld.idx.msk [tilespmem:v9+s10+$0x0 ss:$0x1], $0xffff;
	s10 =	sor.u32 s13, s14  }
0x29a: {  	_ =	sdelay $0x3  }
0x29b: {  	v22 =	vld.idx.msk [tilespmem:v11+s10+$0x0 ss:$0x1], $0xffff;
	s11 =	sor.u32 $0x30, s10  }
0x29c: {  	v23 =	vld.idx.msk [tilespmem:v11+s11+$0x0 ss:$0x1], $0xffff  }
0x29d: {  	v24 =	vld.idx.msk [tilespmem:v10+s11+$0x0 ss:$0x1], $0xffff  }
0x29e: {  	s12 =	sor.u32 $0x10, s10;
	v25 =	vld.idx.msk [tilespmem:v9+s11+$0x0 ss:$0x1], $0xffff  }
0x29f: {  	v26 =	vld.idx.msk [tilespmem:v11+s12+$0x0 ss:$0x1], $0xffff  }
0x2a0: {  	s15 =	sor.u32 $0x20, s10;
	v53 =	vld.idx.msk [tilespmem:v10+s12+$0x0 ss:$0x1], $0xffff  }
0x2a1: {  	v11 =	vld.idx.msk [tilespmem:v11+s15+$0x0 ss:$0x1], $0xffff  }
0x2a2: {  	v1 =	vadd.f32 v17, v1;
	v55 =	vld.idx.msk [tilespmem:v10+s15+$0x0 ss:$0x1], $0xffff  }
0x2a3: {  	v13 =	vsub.f32 v13, v14;
	v12 =	vsub.f32 v12, v15;
	v10 =	vld.idx.msk [tilespmem:v10+s10+$0x0 ss:$0x1], $0xffff;
	vm0 =	veq.s32 v16, $0x1  }
0x2a4: {  	v7 =	vadd.f32 v21, v7;
	v56 =	vld.idx.msk [tilespmem:v9+s12+$0x0 ss:$0x1], $0xffff;
	v54 =	vnsel vm0, $0x0, v20;
	v16 =	vsel vm0, $0x3F800000, v0  }
0x2a5: {  	v58 =	vld.idx.msk [tilespmem:v9+s15+$0x0 ss:$0x1], $0xffff;
	vm11 =	veq.s32 v18, $0x1;
	vm1 =	veq.s32 v19, $0x1;
	v15 =	vmul.f32 v54, v54  }
0x2a6: {  	v9 =	vld.idx.msk [tilespmem:v9+s10+$0x0 ss:$0x1], $0xffff;
	v13 =	vnsel vm11, $0x0, v13;
	v18 =	vsel vm11, $0x3F800000, v0;
	v3 =	vadd.f32 v16, v3  }
0x2a7: {  	v12 =	vnsel vm1, $0x0, v12;
	v13 =	vmul.f32 v13, v13;
	v19 =	vsel vm1, $0x3F800000, v0  }
0x2a8: {  	v2 =	vadd.f32 v18, v2;
	v12 =	vmul.f32 v12, v12;
	v6 =	vadd.f32 v15, v6  }
0x2a9: {  	v57 =	vsub.f32 v23, v24;
	vm12 =	veq.s32 v25, $0x1;
	v14 =	vsub.f32 v26, v53  }
0x2aa: {  	v11 =	vsub.f32 v11, v55;
	vm13 =	veq.s32 v56, $0x1;
	v10 =	vsub.f32 v22, v10  }
0x2ab: {  	vm14 =	veq.s32 v58, $0x1;
	vm15 =	veq.s32 v9, $0x1;
	v1 =	vadd.f32 v19, v1  }
0x2ac: {  	v5 =	vadd.f32 v13, v5;
	v60 =	vsel vm12, $0x3F800000, v0;
	v62 =	vsel vm13, $0x3F800000, v0  }
0x2ad: {  	s9 =	sadd.s32 $0x1, s9;
	v63 =	vsel vm14, $0x3F800000, v0;
	v4 =	vadd.f32 v12, v4;
	v59 =	vnsel vm12, $0x0, v57  }
0x2ae: {  	p0 =	sne.s32 s9, $0x8;
	v8 =	vadd.f32 v60, v8;
	v61 =	vnsel vm13, $0x0, v14;
	v9 =	vnsel vm14, $0x0, v11  }
.Ltmp15:
0x2af: {  	v10 =	vnsel vm15, $0x0, v10;
	v3 =	vadd.f32 v62, v3;
	v9 =	vmul.f32 v9, v9;
	(pc) =	sbr.rel @p0 .LBB2_30-.Ltmp15, $4  }
0x2b0: {  	v2 =	vadd.f32 v63, v2;
	v12 =	vmul.f32 v59, v59;
	v11 =	vmul.f32 v61, v61  }
0x2b1: {  	v10 =	vmul.f32 v10, v10;
	v5 =	vadd.f32 v9, v5;
	v9 =	vsel vm15, $0x3F800000, v0  }
0x2b2: {  	v7 =	vadd.f32 v12, v7;
	v1 =	vadd.f32 v9, v1  }
0x2b3: {  	v6 =	vadd.f32 v11, v6;
	v4 =	vadd.f32 v10, v4  }
0x2b4: {  	v1 =	vadd.f32 v3, v1  }
0x2b5: {  	v4 =	vadd.f32 v6, v4  }
0x2b6: {  	v1 =	vadd.f32 v2, v1  }
0x2b7: {  	v3 =	vadd.f32 v5, v4  }
0x2b8: {  	v1 =	vadd.f32 v8, v1  }
0x2b9: {  	v2 =	vadd.f32 v7, v3  }
0x2ba: {  	[tilespmem:$0x18080] =	vst v1  }
0x2bb: {  	s8 =	simm.s32 $0x18000;
	[tilespmem:$0x18000] =	vst v2  }
0x2bc: {  	[hbm4b:s28+s1] =	stream.linear.scatter [tilespmem:s8], [sflag:$0x3], $0x80, $0x38;
	[tilespmem:$0x18100] =	vst v63  }
0x2bd: {  	s7 =	sadd.s32 $0x1, s7;
	_ =	swait.ge [sflag:s6], $0x80  }
0x2be: {  	p0 =	sne.s32 s7, s29;
	[sflag:s6] =	ssyncset.done $0x0  }
.Ltmp16:
0x2bf: {  	s15 =	simm.s32 $0x18080;
	[sflag:s6] =	ssyncadd.s32 $0xFFFFFF80;
	(pc) =	sbr.rel @p0 .LBB2_1-.Ltmp16, $4  }
0x2c0: {  	[hbm4b:s30+s1] =	stream.linear.scatter [tilespmem:s15], [sflag:$0x3], $0x80, $0x38;
	[tilespmem:$0x18100] =	vst v63  }
0x2c1: {  	_ =	swait.ge [sflag:s6], $0x80  }
0x2c2: {  	[sflag:s6] =	ssyncset.done $0x0  }
0x2c3: {  	[sflag:s6] =	ssyncadd.s32 $0xFFFFFF80  }
0x2c4: {  	_ =	sfence.sel $0x180000  }
0x2c5: {  	[bflag:$0x0] =	sbarrier.arrive $0xFFFF  }
0x2c6: {  	_ =	strace $0x90000047  }
0x2c7: {  	s0 =	stileid.u32;
	[bflag:$0x2] =	sbarrier.arrive $0xFFFF  }
0x2c8: {  	p0 =	sne.s32 s0, $0x0;
	s0 =	rddreg [dreg:$0x4]  }
0x2c9: {  	s0 =	sadd.s32 @!p0 $0x100000, s0  }
0x2ca: {  	[sflag:s0] =	ssyncadd.tile.s32 @!p0 $0x1;
	_ =	shalt  }
.Lfunc_end2:
_tile_overlayer_lowered:
.L_overlay_start_2:
0x2cb: {  	(tag) =	ssettag $0x2  }
0x2cc: {  	s0 =	rddreg [dreg:$0x0];
	s2 =	stileid.u32  }
0x2cd: {  	s1 =	rddreg [dreg:$0x1];
	p0 =	sne.s32 s2, $0x0  }
0x2ce: {  	s3 =	rddreg [dreg:$0x2];
	[bflag:$0x3] =	sbarrier.arrive $0xFFFF;
	s2 =	simm.s32 @!p0 $0x1C03  }
0x2cf: {  	[timem:s3], [sflag:s2] =	dma.local @!p0 [hbm:s0], s1  }
0x2d0: {  	s0 =	simm.s32 @!p0 $0x3  }
0x2d1: {  	_ =	swait.ge @!p0 [sflag:s0], s1  }
0x2d2: {  	s1 =	ssub.s32 @!p0 $0x0, s1;
	[sflag:s0] =	ssyncset.done @!p0 $0x0  }
0x2d3: {  	[sflag:s0] =	ssyncadd.s32 @!p0 s1  }
0x2d4: {  	[bflag:$0x3] =	sbarrier.arrive $0xFFFF  }
0x2d5: {  	_ =	shalt  }

</sc_bundles>
